<compile_context>
chip_gen: v7x
topology: tpu7x:2x2x1
jax: 0.10.2.dev20260603
libtpu: 0.0.44.dev20260713+nightly
codegen_flags: <defaults>
</compile_context>

<pallas_src>
import functools

import jax
import jax.numpy as jnp
import numpy as np
from jax import lax
from jax.experimental import pallas as pl
from jax.experimental.pallas import tpu as pltpu
from jax.experimental.pallas import tpu_sc as plsc

NC = 2
NS = 16
L = 16
NW = NC * NS

P = 48
H = 512
W = 512
NBUF = 4
RB = 8
BPP = H // (NW * RB)
STEPS = P * BPP
SEG = RB * W
NLUT = 256
VITER = SEG // L
CPR = W // L

_MAGIC = np.float32(2.0 ** 23)


def _mesh():
    return plsc.VectorSubcoreMesh(
        core_axis_name="c", subcore_axis_name="s", num_cores=NC, num_subcores=NS
    )


def _body(img_h, tc_h, o1_h, o2_h, o3_h,
          t1_v, t2_v, t3_v, in_v, o1_v, o2_v, o3_v, *sems):
    sem_in = sems[:NBUF]
    sem_out = sems[NBUF:]
    wid = lax.axis_index("s") * NC + lax.axis_index("c")

    def rows(step):
        p = step // BPP
        r0 = pl.multiple_of((wid * BPP + step % BPP) * RB, RB)
        return p, r0

    def issue_in(step, k):
        p, r0 = rows(step)
        pltpu.async_copy(img_h.at[p, pl.ds(r0, RB)], in_v.at[k], sem_in[k])

    def wait_in(step, k):
        p, r0 = rows(step)
        pltpu.make_async_copy(img_h.at[p, pl.ds(r0, RB)], in_v.at[k],
                              sem_in[k]).wait()

    def issue_out(step, k):
        p, r0 = rows(step)
        pltpu.async_copy(o1_v.at[k], o1_h.at[p, pl.ds(r0, RB)], sem_out[k])
        pltpu.async_copy(o2_v.at[k], o2_h.at[p, pl.ds(r0, RB)], sem_out[k])
        pltpu.async_copy(o3_v.at[k], o3_h.at[p, pl.ds(r0, RB)], sem_out[k])

    def wait_out(step, k):
        p, r0 = rows(step)
        pltpu.make_async_copy(o1_v.at[k], o1_h.at[p, pl.ds(r0, RB)],
                              sem_out[k]).wait()
        pltpu.make_async_copy(o2_v.at[k], o2_h.at[p, pl.ds(r0, RB)],
                              sem_out[k]).wait()
        pltpu.make_async_copy(o3_v.at[k], o3_h.at[p, pl.ds(r0, RB)],
                              sem_out[k]).wait()

    def compute(step, k):
        p = step // BPP
        magic = (p * NLUT).astype(jnp.float32) + _MAGIC
        magic_v = jnp.zeros((L,), jnp.float32) + magic

        @plsc.parallel_loop(0, VITER, 1, unroll=8)
        def _(i):
            r = i // CPR
            c = (i % CPR) * L
            x = in_v[k, r, pl.ds(c, L)]
            f = x * jnp.float32(255.0) + magic_v
            idx = lax.bitcast_convert_type(f, jnp.int32) & jnp.int32(0x3FFF)
            o1_v[k, r, pl.ds(c, L)] = plsc.load_gather(t1_v, [idx])
            o2_v[k, r, pl.ds(c, L)] = plsc.load_gather(t2_v, [idx])
            o3_v[k, r, pl.ds(c, L)] = plsc.load_gather(t3_v, [idx])

    for s in range(NBUF - 1):
        issue_in(s, s)

    lut_sem = sem_out[0]
    sz = P * NLUT
    for j, t_v in enumerate((t1_v, t2_v, t3_v)):
        pltpu.async_copy(tc_h.at[pl.ds(j * sz, sz)], t_v, lut_sem)
    for j, t_v in enumerate((t1_v, t2_v, t3_v)):
        pltpu.make_async_copy(tc_h.at[pl.ds(j * sz, sz)], t_v, lut_sem).wait()

    def ring(g, _):
        for par in range(NBUF):
            step = NBUF * g + par
            wait_in(step, par)
            nstep = step + NBUF - 1
            kpre = (par + NBUF - 1) % NBUF

            @pl.when(nstep < STEPS)
            def _():
                issue_in(nstep, kpre)

            @pl.when(g > 0)
            def _():
                wait_out(step - NBUF, par)

            compute(step, par)
            issue_out(step, par)
        return 0

    lax.fori_loop(0, STEPS // NBUF, ring, 0)
    for s in range(NBUF):
        wait_out(STEPS - NBUF + s, s)


@functools.partial(jax.jit)
def _run(img3, tcat):
    out_t = tuple(jax.ShapeDtypeStruct((P, H, W), jnp.float32) for _ in range(3))
    scratch = [
        pltpu.VMEM((P * NLUT,), jnp.float32),
        pltpu.VMEM((P * NLUT,), jnp.float32),
        pltpu.VMEM((P * NLUT,), jnp.float32),
        pltpu.VMEM((NBUF, RB, W), jnp.float32),
        pltpu.VMEM((NBUF, RB, W), jnp.float32),
        pltpu.VMEM((NBUF, RB, W), jnp.float32),
        pltpu.VMEM((NBUF, RB, W), jnp.float32),
    ] + [pltpu.SemaphoreType.DMA] * (2 * NBUF)
    f = pl.kernel(
        _body, out_type=out_t, mesh=_mesh(), scratch_types=scratch,
        compiler_params=pltpu.CompilerParams(
            needs_layout_passes=False, use_tc_tiling_on_sc=True,
        ),
    )
    return f(img3, tcat)


def kernel(img, tf1, tf2, tf3):
    B, C, _, _ = img.shape
    tcat = jnp.concatenate(
        [tf1.reshape(P * NLUT), tf2.reshape(P * NLUT), tf3.reshape(P * NLUT)]
    )
    o1, o2, o3 = _run(img.reshape(P, H, W), tcat)
    shp = (B, C, H, W)
    return (o1.reshape(shp), o2.reshape(shp), o3.reshape(shp))

# --- scband reference (transcript-rebuilt; emitter-appended) ---
"""Pipeline reference for scband-intensity-transformation-44916767981885 (READ-ONLY COPY).

The authoritative reference and input builder live on the scoring server;
editing this copy changes nothing except your own understanding.
"""

import jax, jax.numpy as jnp
import numpy as np


def setup_inputs(seed: int = 0) -> dict:
    key = jax.random.key(seed)
    k1, k2, k3, k4 = jax.random.split(key, 4)
    img = jax.random.uniform(k1, (16, 3, 512, 512), dtype=jnp.float32)
    tf1 = jax.random.normal(k2, (16, 3, 256), dtype=jnp.float32)
    tf2 = jax.random.normal(k3, (16, 3, 256), dtype=jnp.float32)
    tf3 = jax.random.normal(k4, (16, 3, 256), dtype=jnp.float32)
    return {"img": img, "tf1": tf1, "tf2": tf2, "tf3": tf3}


def reference(img, tf1, tf2, tf3):
    # img: [B,3,H,W] float in [0,1] -> integer LUT indices 0..255
    idx = jnp.round(255.0 * img).astype(jnp.int32)  # [B,3,H,W]
    W = img.shape[3]
    # replicate LUT along a trailing width dim up to next power of two >= W
    temp = 1
    iter_n = 0
    while W > temp:
        temp *= 2
        iter_n += 1
    tfs = []
    for tf in (tf1, tf2, tf3):
        t = tf[..., None]  # [B,3,256,1]
        for _ in range(iter_n):
            t = jnp.concatenate([t, t], axis=3)  # [B,3,256,2^n]
        tfs.append(t)
    intensity_list = []
    for t in tfs:
        chans = []
        for c in range(3):
            # torch.gather(t_c, dim=2, index=idx_c): out[b,0,h,w] = t[b,0, idx[b,0,h,w], w]
            chans.append(
                jnp.take_along_axis(t[:, c:c + 1, :, :W], idx[:, c:c + 1], axis=2)
            )
        intensity_list.append(jnp.concatenate(chans, axis=1))  # [B,3,H,W]
    return tuple(intensity_list)

if __name__ == "__main__":
    import jax
    _d = setup_inputs()
    print(jax.jit(kernel)(*tuple(_d.values())))

</pallas_src>

<mosaic_0001>
#map = affine_map<(d0, d1) -> (0, 0, 0)>
#map1 = affine_map<(d0, d1) -> (0)>
module attributes {stable_mosaic.version = 14 : i64} {
  func.func @_body(%arg0: i32, %arg1: i32, %arg2: memref<48x512x512xf32, #tpu.memory_space<hbm>>, %arg3: memref<36864xf32, #tpu.memory_space<hbm>>, %arg4: memref<48x512x512xf32, #tpu.memory_space<hbm>>, %arg5: memref<48x512x512xf32, #tpu.memory_space<hbm>>, %arg6: memref<48x512x512xf32, #tpu.memory_space<hbm>>, %arg7: memref<12288xf32, #tpu.memory_space<vmem>>, %arg8: memref<12288xf32, #tpu.memory_space<vmem>>, %arg9: memref<12288xf32, #tpu.memory_space<vmem>>, %arg10: memref<4x8x512xf32, #tpu.memory_space<vmem>>, %arg11: memref<4x8x512xf32, #tpu.memory_space<vmem>>, %arg12: memref<4x8x512xf32, #tpu.memory_space<vmem>>, %arg13: memref<4x8x512xf32, #tpu.memory_space<vmem>>, %arg14: memref<!tpu.dma_semaphore, #tpu.memory_space<semaphore_mem>>, %arg15: memref<!tpu.dma_semaphore, #tpu.memory_space<semaphore_mem>>, %arg16: memref<!tpu.dma_semaphore, #tpu.memory_space<semaphore_mem>>, %arg17: memref<!tpu.dma_semaphore, #tpu.memory_space<semaphore_mem>>, %arg18: memref<!tpu.dma_semaphore, #tpu.memory_space<semaphore_mem>>, %arg19: memref<!tpu.dma_semaphore, #tpu.memory_space<semaphore_mem>>, %arg20: memref<!tpu.dma_semaphore, #tpu.memory_space<semaphore_mem>>, %arg21: memref<!tpu.dma_semaphore, #tpu.memory_space<semaphore_mem>>) attributes {dimension_semantics = [#tpu.dimension_semantics<core_parallel>, #tpu.dimension_semantics<subcore_parallel>], iteration_bounds = array<i64: 2, 16>, scalar_prefetch = 0 : i64, scratch_operands = 15 : i64, tpu.core_type = #tpu.core_type<sc_vector_subcore>, window_params = [{transform_indices = #map}, {transform_indices = #map1}, {transform_indices = #map}, {transform_indices = #map}, {transform_indices = #map}]} {
    %mul3A = arith.constant 2 : i32
    %mul3A_0 = arith.muli %arg1, %mul3A : i32
    %add3A = arith.addi %mul3A_0, %arg0 : i32
    %mul3A_1 = arith.constant 2 : i32
    %mul3A_2 = arith.muli %add3A, %mul3A_1 : i32
    %add3A_3 = arith.constant 0 : i32
    %add3A_4 = arith.addi %mul3A_2, %add3A_3 : i32
    %mul3A_5 = arith.constant 8 : i32
    %mul3A_6 = arith.muli %add3A_4, %mul3A_5 : i32
    %multiple_of3A = tpu.assume_multiple %mul3A_6, 8 : i32
    %dma_start3A = arith.constant 0 : i32
    %dma_start3A_7 = arith.constant 0 : i32
    %dma_start3A_8 = arith.constant 0 : i32
    %dma_start3A_9 = arith.constant 0 : i32
    %dma_start3A_10 = tpu.memref_slice %arg10[%dma_start3A_7, %dma_start3A_8, %dma_start3A_9] : memref<4x8x512xf32, #tpu.memory_space<vmem>> -> memref<1x8x512xf32, #tpu.memory_space<vmem>>
    %dma_start3A_11 = tpu.memref_squeeze %dma_start3A_10 : memref<1x8x512xf32, #tpu.memory_space<vmem>> -> memref<8x512xf32, #tpu.memory_space<vmem>>
    %dma_start3A_12 = arith.constant 0 : i32
    %dma_start3A_13 = tpu.memref_slice %arg2[%dma_start3A, %multiple_of3A, %dma_start3A_12] : memref<48x512x512xf32, #tpu.memory_space<hbm>> -> memref<1x8x512xf32, #tpu.memory_space<hbm>>
    %dma_start3A_14 = tpu.memref_squeeze %dma_start3A_13 : memref<1x8x512xf32, #tpu.memory_space<hbm>> -> memref<8x512xf32, #tpu.memory_space<hbm>>
    %dma_start3A_15 = arith.constant 0 : i32
    %dma_start3A_16 = arith.constant 0 : i32
    %dma_start3A_17 = tpu.memref_slice %arg10[%dma_start3A_7, %dma_start3A_15, %dma_start3A_16] : memref<4x8x512xf32, #tpu.memory_space<vmem>> -> memref<1x8x512xf32, #tpu.memory_space<vmem>>
    %dma_start3A_18 = tpu.memref_squeeze %dma_start3A_17 : memref<1x8x512xf32, #tpu.memory_space<vmem>> -> memref<8x512xf32, #tpu.memory_space<vmem>>
    %dma_start3A_19 = arith.constant 0 : i32
    %dma_start3A_20 = tpu.memref_slice %arg2[%dma_start3A, %multiple_of3A, %dma_start3A_19] : memref<48x512x512xf32, #tpu.memory_space<hbm>> -> memref<1x8x512xf32, #tpu.memory_space<hbm>>
    %dma_start3A_21 = tpu.memref_squeeze %dma_start3A_20 : memref<1x8x512xf32, #tpu.memory_space<hbm>> -> memref<8x512xf32, #tpu.memory_space<hbm>>
    tpu.enqueue_dma source(%dma_start3A_21 : memref<8x512xf32, #tpu.memory_space<hbm>>) target(%dma_start3A_18 : memref<8x512xf32, #tpu.memory_space<vmem>>) target_semaphore(%arg14 : memref<!tpu.dma_semaphore, #tpu.memory_space<semaphore_mem>>)
    %mul3A_22 = arith.constant 2 : i32
    %mul3A_23 = arith.muli %add3A, %mul3A_22 : i32
    %add3A_24 = arith.constant 1 : i32
    %add3A_25 = arith.addi %mul3A_23, %add3A_24 : i32
    %mul3A_26 = arith.constant 8 : i32
    %mul3A_27 = arith.muli %add3A_25, %mul3A_26 : i32
    %multiple_of3A_28 = tpu.assume_multiple %mul3A_27, 8 : i32
    %dma_start3A_29 = arith.constant 0 : i32
    %dma_start3A_30 = arith.constant 1 : i32
    %dma_start3A_31 = arith.constant 0 : i32
    %dma_start3A_32 = arith.constant 0 : i32
    %dma_start3A_33 = tpu.memref_slice %arg10[%dma_start3A_30, %dma_start3A_31, %dma_start3A_32] : memref<4x8x512xf32, #tpu.memory_space<vmem>> -> memref<1x8x512xf32, #tpu.memory_space<vmem>>
    %dma_start3A_34 = tpu.memref_squeeze %dma_start3A_33 : memref<1x8x512xf32, #tpu.memory_space<vmem>> -> memref<8x512xf32, #tpu.memory_space<vmem>>
    %dma_start3A_35 = arith.constant 0 : i32
    %dma_start3A_36 = tpu.memref_slice %arg2[%dma_start3A_29, %multiple_of3A_28, %dma_start3A_35] : memref<48x512x512xf32, #tpu.memory_space<hbm>> -> memref<1x8x512xf32, #tpu.memory_space<hbm>>
    %dma_start3A_37 = tpu.memref_squeeze %dma_start3A_36 : memref<1x8x512xf32, #tpu.memory_space<hbm>> -> memref<8x512xf32, #tpu.memory_space<hbm>>
    %dma_start3A_38 = arith.constant 0 : i32
    %dma_start3A_39 = arith.constant 0 : i32
    %dma_start3A_40 = tpu.memref_slice %arg10[%dma_start3A_30, %dma_start3A_38, %dma_start3A_39] : memref<4x8x512xf32, #tpu.memory_space<vmem>> -> memref<1x8x512xf32, #tpu.memory_space<vmem>>
    %dma_start3A_41 = tpu.memref_squeeze %dma_start3A_40 : memref<1x8x512xf32, #tpu.memory_space<vmem>> -> memref<8x512xf32, #tpu.memory_space<vmem>>
    %dma_start3A_42 = arith.constant 0 : i32
    %dma_start3A_43 = tpu.memref_slice %arg2[%dma_start3A_29, %multiple_of3A_28, %dma_start3A_42] : memref<48x512x512xf32, #tpu.memory_space<hbm>> -> memref<1x8x512xf32, #tpu.memory_space<hbm>>
    %dma_start3A_44 = tpu.memref_squeeze %dma_start3A_43 : memref<1x8x512xf32, #tpu.memory_space<hbm>> -> memref<8x512xf32, #tpu.memory_space<hbm>>
    tpu.enqueue_dma source(%dma_start3A_44 : memref<8x512xf32, #tpu.memory_space<hbm>>) target(%dma_start3A_41 : memref<8x512xf32, #tpu.memory_space<vmem>>) target_semaphore(%arg15 : memref<!tpu.dma_semaphore, #tpu.memory_space<semaphore_mem>>)
    %mul3A_45 = arith.constant 2 : i32
    %mul3A_46 = arith.muli %add3A, %mul3A_45 : i32
    %add3A_47 = arith.constant 0 : i32
    %add3A_48 = arith.addi %mul3A_46, %add3A_47 : i32
    %mul3A_49 = arith.constant 8 : i32
    %mul3A_50 = arith.muli %add3A_48, %mul3A_49 : i32
    %multiple_of3A_51 = tpu.assume_multiple %mul3A_50, 8 : i32
    %dma_start3A_52 = arith.constant 1 : i32
    %dma_start3A_53 = arith.constant 2 : i32
    %dma_start3A_54 = arith.constant 0 : i32
    %dma_start3A_55 = arith.constant 0 : i32
    %dma_start3A_56 = tpu.memref_slice %arg10[%dma_start3A_53, %dma_start3A_54, %dma_start3A_55] : memref<4x8x512xf32, #tpu.memory_space<vmem>> -> memref<1x8x512xf32, #tpu.memory_space<vmem>>
    %dma_start3A_57 = tpu.memref_squeeze %dma_start3A_56 : memref<1x8x512xf32, #tpu.memory_space<vmem>> -> memref<8x512xf32, #tpu.memory_space<vmem>>
    %dma_start3A_58 = arith.constant 0 : i32
    %dma_start3A_59 = tpu.memref_slice %arg2[%dma_start3A_52, %multiple_of3A_51, %dma_start3A_58] : memref<48x512x512xf32, #tpu.memory_space<hbm>> -> memref<1x8x512xf32, #tpu.memory_space<hbm>>
    %dma_start3A_60 = tpu.memref_squeeze %dma_start3A_59 : memref<1x8x512xf32, #tpu.memory_space<hbm>> -> memref<8x512xf32, #tpu.memory_space<hbm>>
    %dma_start3A_61 = arith.constant 0 : i32
    %dma_start3A_62 = arith.constant 0 : i32
    %dma_start3A_63 = tpu.memref_slice %arg10[%dma_start3A_53, %dma_start3A_61, %dma_start3A_62] : memref<4x8x512xf32, #tpu.memory_space<vmem>> -> memref<1x8x512xf32, #tpu.memory_space<vmem>>
    %dma_start3A_64 = tpu.memref_squeeze %dma_start3A_63 : memref<1x8x512xf32, #tpu.memory_space<vmem>> -> memref<8x512xf32, #tpu.memory_space<vmem>>
    %dma_start3A_65 = arith.constant 0 : i32
    %dma_start3A_66 = tpu.memref_slice %arg2[%dma_start3A_52, %multiple_of3A_51, %dma_start3A_65] : memref<48x512x512xf32, #tpu.memory_space<hbm>> -> memref<1x8x512xf32, #tpu.memory_space<hbm>>
    %dma_start3A_67 = tpu.memref_squeeze %dma_start3A_66 : memref<1x8x512xf32, #tpu.memory_space<hbm>> -> memref<8x512xf32, #tpu.memory_space<hbm>>
    tpu.enqueue_dma source(%dma_start3A_67 : memref<8x512xf32, #tpu.memory_space<hbm>>) target(%dma_start3A_64 : memref<8x512xf32, #tpu.memory_space<vmem>>) target_semaphore(%arg16 : memref<!tpu.dma_semaphore, #tpu.memory_space<semaphore_mem>>)
    %dma_start3A_68 = arith.constant 0 : i32
    %dma_start3A_69 = tpu.memref_slice %arg3[%dma_start3A_68] : memref<36864xf32, #tpu.memory_space<hbm>> -> memref<12288xf32, #tpu.memory_space<hbm>>
    %dma_start3A_70 = arith.constant 0 : i32
    %dma_start3A_71 = tpu.memref_slice %arg3[%dma_start3A_70] : memref<36864xf32, #tpu.memory_space<hbm>> -> memref<12288xf32, #tpu.memory_space<hbm>>
    tpu.enqueue_dma source(%dma_start3A_71 : memref<12288xf32, #tpu.memory_space<hbm>>) target(%arg7 : memref<12288xf32, #tpu.memory_space<vmem>>) target_semaphore(%arg18 : memref<!tpu.dma_semaphore, #tpu.memory_space<semaphore_mem>>)
    %dma_start3A_72 = arith.constant 12288 : i32
    %dma_start3A_73 = tpu.memref_slice %arg3[%dma_start3A_72] : memref<36864xf32, #tpu.memory_space<hbm>> -> memref<12288xf32, #tpu.memory_space<hbm>>
    %dma_start3A_74 = arith.constant 12288 : i32
    %dma_start3A_75 = tpu.memref_slice %arg3[%dma_start3A_74] : memref<36864xf32, #tpu.memory_space<hbm>> -> memref<12288xf32, #tpu.memory_space<hbm>>
    tpu.enqueue_dma source(%dma_start3A_75 : memref<12288xf32, #tpu.memory_space<hbm>>) target(%arg8 : memref<12288xf32, #tpu.memory_space<vmem>>) target_semaphore(%arg18 : memref<!tpu.dma_semaphore, #tpu.memory_space<semaphore_mem>>)
    %dma_start3A_76 = arith.constant 24576 : i32
    %dma_start3A_77 = tpu.memref_slice %arg3[%dma_start3A_76] : memref<36864xf32, #tpu.memory_space<hbm>> -> memref<12288xf32, #tpu.memory_space<hbm>>
    %dma_start3A_78 = arith.constant 24576 : i32
    %dma_start3A_79 = tpu.memref_slice %arg3[%dma_start3A_78] : memref<36864xf32, #tpu.memory_space<hbm>> -> memref<12288xf32, #tpu.memory_space<hbm>>
    tpu.enqueue_dma source(%dma_start3A_79 : memref<12288xf32, #tpu.memory_space<hbm>>) target(%arg9 : memref<12288xf32, #tpu.memory_space<vmem>>) target_semaphore(%arg18 : memref<!tpu.dma_semaphore, #tpu.memory_space<semaphore_mem>>)
    %dma_wait3A = arith.constant 0 : i32
    %dma_wait3A_80 = tpu.memref_slice %arg3[%dma_wait3A] : memref<36864xf32, #tpu.memory_space<hbm>> -> memref<12288xf32, #tpu.memory_space<hbm>>
    %dma_wait3A_81 = arith.constant 0 : i32
    %dma_wait3A_82 = tpu.memref_slice %arg3[%dma_wait3A_81] : memref<36864xf32, #tpu.memory_space<hbm>> -> memref<12288xf32, #tpu.memory_space<hbm>>
    tpu.wait_dma2 semaphore(%arg18 : memref<!tpu.dma_semaphore, #tpu.memory_space<semaphore_mem>>) src(%dma_wait3A_82 : memref<12288xf32, #tpu.memory_space<hbm>>) dst(%arg7 : memref<12288xf32, #tpu.memory_space<vmem>>)
    %dma_wait3A_83 = arith.constant 12288 : i32
    %dma_wait3A_84 = tpu.memref_slice %arg3[%dma_wait3A_83] : memref<36864xf32, #tpu.memory_space<hbm>> -> memref<12288xf32, #tpu.memory_space<hbm>>
    %dma_wait3A_85 = arith.constant 12288 : i32
    %dma_wait3A_86 = tpu.memref_slice %arg3[%dma_wait3A_85] : memref<36864xf32, #tpu.memory_space<hbm>> -> memref<12288xf32, #tpu.memory_space<hbm>>
    tpu.wait_dma2 semaphore(%arg18 : memref<!tpu.dma_semaphore, #tpu.memory_space<semaphore_mem>>) src(%dma_wait3A_86 : memref<12288xf32, #tpu.memory_space<hbm>>) dst(%arg8 : memref<12288xf32, #tpu.memory_space<vmem>>)
    %dma_wait3A_87 = arith.constant 24576 : i32
    %dma_wait3A_88 = tpu.memref_slice %arg3[%dma_wait3A_87] : memref<36864xf32, #tpu.memory_space<hbm>> -> memref<12288xf32, #tpu.memory_space<hbm>>
    %dma_wait3A_89 = arith.constant 24576 : i32
    %dma_wait3A_90 = tpu.memref_slice %arg3[%dma_wait3A_89] : memref<36864xf32, #tpu.memory_space<hbm>> -> memref<12288xf32, #tpu.memory_space<hbm>>
    tpu.wait_dma2 semaphore(%arg18 : memref<!tpu.dma_semaphore, #tpu.memory_space<semaphore_mem>>) src(%dma_wait3A_90 : memref<12288xf32, #tpu.memory_space<hbm>>) dst(%arg9 : memref<12288xf32, #tpu.memory_space<vmem>>)
    %scan3A = arith.constant 0 : i32
    %scan3A_91 = arith.constant 0 : i32
    %scan3A_92 = arith.constant 24 : i32
    %scan3A_93 = arith.addi %scan3A_91, %scan3A_92 : i32
    %scan3A_94 = arith.constant 1 : i32
    %scan3A_95 = scf.for %scan3A_317 = %scan3A_91 to %scan3A_93 step %scan3A_94 iter_args(%scan3A_318 = %scan3A) -> (i32)  : i32 {
      %mul3A_319 = arith.constant 4 : i32
      %mul3A_320 = arith.muli %mul3A_319, %scan3A_317 : i32
      %add3A_321 = arith.constant 0 : i32
      %add3A_322 = arith.addi %mul3A_320, %add3A_321 : i32
      %jit3A = arith.constant 2 : i32
      %div3A = arith.divsi %add3A_322, %jit3A : i32
      %sign3A = arith.constant 0 : i32
      %sign3A_323 = arith.cmpi sgt, %add3A_322, %sign3A : i32
      %sign3A_324 = arith.extui %sign3A_323 : i1 to i32
      %sign3A_325 = arith.constant 0 : i32
      %sign3A_326 = arith.cmpi slt, %add3A_322, %sign3A_325 : i32
      %sign3A_327 = arith.extui %sign3A_326 : i1 to i32
      %sign3A_328 = arith.subi %sign3A_324, %sign3A_327 : i32
      %sign3A_329 = arith.constant 0 : i32
      %sign3A_330 = arith.cmpi sgt, %jit3A, %sign3A_329 : i32
      %sign3A_331 = arith.extui %sign3A_330 : i1 to i32
      %sign3A_332 = arith.constant 0 : i32
      %sign3A_333 = arith.cmpi slt, %jit3A, %sign3A_332 : i32
      %sign3A_334 = arith.extui %sign3A_333 : i1 to i32
      %sign3A_335 = arith.subi %sign3A_331, %sign3A_334 : i32
      %ne3A = arith.cmpi ne, %sign3A_328, %sign3A_335 : i32
      %rem3A = arith.remsi %add3A_322, %jit3A : i32
      %ne3A_336 = arith.constant 0 : i32
      %ne3A_337 = arith.cmpi ne, %rem3A, %ne3A_336 : i32
      %and3A = arith.andi %ne3A, %ne3A_337 : i1
      %sub3A = arith.constant 1 : i32
      %sub3A_338 = arith.subi %div3A, %sub3A : i32
      %select_n3A = arith.select %and3A, %sub3A_338, %div3A : i32
      %mul3A_339 = arith.constant 2 : i32
      %mul3A_340 = arith.muli %add3A, %mul3A_339 : i32
      %jit3A_341 = arith.constant 2 : i32
      %eq3A = arith.constant 0 : i32
      %eq3A_342 = arith.cmpi eq, %jit3A_341, %eq3A : i32
      %jit3A_343 = arith.constant 1 : i32
      %select_n3A_344 = arith.select %eq3A_342, %jit3A_343, %jit3A_341 : i32
      %rem3A_345 = arith.remsi %add3A_322, %select_n3A_344 : i32
      %ne3A_346 = arith.constant 0 : i32
      %ne3A_347 = arith.cmpi ne, %rem3A_345, %ne3A_346 : i32
      %lt3A = arith.constant 0 : i32
      %lt3A_348 = arith.cmpi slt, %rem3A_345, %lt3A : i32
      %lt3A_349 = arith.constant 0 : i32
      %lt3A_350 = arith.cmpi slt, %select_n3A_344, %lt3A_349 : i32
      %ne3A_351 = arith.xori %lt3A_348, %lt3A_350 : i1
      %and3A_352 = arith.andi %ne3A_351, %ne3A_347 : i1
      %add3A_353 = arith.addi %rem3A_345, %select_n3A_344 : i32
      %select_n3A_354 = arith.select %and3A_352, %add3A_353, %rem3A_345 : i32
      %add3A_355 = arith.addi %mul3A_340, %select_n3A_354 : i32
      %mul3A_356 = arith.constant 8 : i32
      %mul3A_357 = arith.muli %add3A_355, %mul3A_356 : i32
      %multiple_of3A_358 = tpu.assume_multiple %mul3A_357, 8 : i32
      %dma_wait3A_359 = arith.constant 0 : i32
      %dma_wait3A_360 = arith.constant 0 : i32
      %dma_wait3A_361 = arith.constant 0 : i32
      %dma_wait3A_362 = tpu.memref_slice %arg10[%dma_wait3A_359, %dma_wait3A_360, %dma_wait3A_361] : memref<4x8x512xf32, #tpu.memory_space<vmem>> -> memref<1x8x512xf32, #tpu.memory_space<vmem>>
      %dma_wait3A_363 = tpu.memref_squeeze %dma_wait3A_362 : memref<1x8x512xf32, #tpu.memory_space<vmem>> -> memref<8x512xf32, #tpu.memory_space<vmem>>
      %dma_wait3A_364 = arith.constant 0 : i32
      %dma_wait3A_365 = tpu.memref_slice %arg2[%select_n3A, %multiple_of3A_358, %dma_wait3A_364] : memref<48x512x512xf32, #tpu.memory_space<hbm>> -> memref<1x8x512xf32, #tpu.memory_space<hbm>>
      %dma_wait3A_366 = tpu.memref_squeeze %dma_wait3A_365 : memref<1x8x512xf32, #tpu.memory_space<hbm>> -> memref<8x512xf32, #tpu.memory_space<hbm>>
      %dma_wait3A_367 = arith.constant 0 : i32
      %dma_wait3A_368 = arith.constant 0 : i32
      %dma_wait3A_369 = tpu.memref_slice %arg10[%dma_wait3A_359, %dma_wait3A_367, %dma_wait3A_368] : memref<4x8x512xf32, #tpu.memory_space<vmem>> -> memref<1x8x512xf32, #tpu.memory_space<vmem>>
      %dma_wait3A_370 = tpu.memref_squeeze %dma_wait3A_369 : memref<1x8x512xf32, #tpu.memory_space<vmem>> -> memref<8x512xf32, #tpu.memory_space<vmem>>
      %dma_wait3A_371 = arith.constant 0 : i32
      %dma_wait3A_372 = tpu.memref_slice %arg2[%select_n3A, %multiple_of3A_358, %dma_wait3A_371] : memref<48x512x512xf32, #tpu.memory_space<hbm>> -> memref<1x8x512xf32, #tpu.memory_space<hbm>>
      %dma_wait3A_373 = tpu.memref_squeeze %dma_wait3A_372 : memref<1x8x512xf32, #tpu.memory_space<hbm>> -> memref<8x512xf32, #tpu.memory_space<hbm>>
      tpu.wait_dma2 semaphore(%arg14 : memref<!tpu.dma_semaphore, #tpu.memory_space<semaphore_mem>>) src(%dma_wait3A_373 : memref<8x512xf32, #tpu.memory_space<hbm>>) dst(%dma_wait3A_370 : memref<8x512xf32, #tpu.memory_space<vmem>>)
      %add3A_374 = arith.constant 4 : i32
      %add3A_375 = arith.addi %add3A_322, %add3A_374 : i32
      %sub3A_376 = arith.constant 1 : i32
      %sub3A_377 = arith.subi %add3A_375, %sub3A_376 : i32
      %lt3A_378 = arith.constant 96 : i32
      %lt3A_379 = arith.cmpi slt, %sub3A_377, %lt3A_378 : i32
      %convert_element_type3A = arith.extui %lt3A_379 : i1 to i32
      %cond3A = arith.constant 0 : i32
      %cond3A_380 = arith.cmpi ne, %convert_element_type3A, %cond3A : i32
      scf.if %cond3A_380 {
        %jit3A_1129 = arith.constant 2 : i32
        %div3A_1130 = arith.divsi %sub3A_377, %jit3A_1129 : i32
        %sign3A_1131 = arith.constant 0 : i32
        %sign3A_1132 = arith.cmpi sgt, %sub3A_377, %sign3A_1131 : i32
        %sign3A_1133 = arith.extui %sign3A_1132 : i1 to i32
        %sign3A_1134 = arith.constant 0 : i32
        %sign3A_1135 = arith.cmpi slt, %sub3A_377, %sign3A_1134 : i32
        %sign3A_1136 = arith.extui %sign3A_1135 : i1 to i32
        %sign3A_1137 = arith.subi %sign3A_1133, %sign3A_1136 : i32
        %sign3A_1138 = arith.constant 0 : i32
        %sign3A_1139 = arith.cmpi sgt, %jit3A_1129, %sign3A_1138 : i32
        %sign3A_1140 = arith.extui %sign3A_1139 : i1 to i32
        %sign3A_1141 = arith.constant 0 : i32
        %sign3A_1142 = arith.cmpi slt, %jit3A_1129, %sign3A_1141 : i32
        %sign3A_1143 = arith.extui %sign3A_1142 : i1 to i32
        %sign3A_1144 = arith.subi %sign3A_1140, %sign3A_1143 : i32
        %ne3A_1145 = arith.cmpi ne, %sign3A_1137, %sign3A_1144 : i32
        %rem3A_1146 = arith.remsi %sub3A_377, %jit3A_1129 : i32
        %ne3A_1147 = arith.constant 0 : i32
        %ne3A_1148 = arith.cmpi ne, %rem3A_1146, %ne3A_1147 : i32
        %and3A_1149 = arith.andi %ne3A_1145, %ne3A_1148 : i1
        %sub3A_1150 = arith.constant 1 : i32
        %sub3A_1151 = arith.subi %div3A_1130, %sub3A_1150 : i32
        %select_n3A_1152 = arith.select %and3A_1149, %sub3A_1151, %div3A_1130 : i32
        %mul3A_1153 = arith.constant 2 : i32
        %mul3A_1154 = arith.muli %add3A, %mul3A_1153 : i32
        %jit3A_1155 = arith.constant 2 : i32
        %eq3A_1156 = arith.constant 0 : i32
        %eq3A_1157 = arith.cmpi eq, %jit3A_1155, %eq3A_1156 : i32
        %jit3A_1158 = arith.constant 1 : i32
        %select_n3A_1159 = arith.select %eq3A_1157, %jit3A_1158, %jit3A_1155 : i32
        %rem3A_1160 = arith.remsi %sub3A_377, %select_n3A_1159 : i32
        %ne3A_1161 = arith.constant 0 : i32
        %ne3A_1162 = arith.cmpi ne, %rem3A_1160, %ne3A_1161 : i32
        %lt3A_1163 = arith.constant 0 : i32
        %lt3A_1164 = arith.cmpi slt, %rem3A_1160, %lt3A_1163 : i32
        %lt3A_1165 = arith.constant 0 : i32
        %lt3A_1166 = arith.cmpi slt, %select_n3A_1159, %lt3A_1165 : i32
        %ne3A_1167 = arith.xori %lt3A_1164, %lt3A_1166 : i1
        %and3A_1168 = arith.andi %ne3A_1167, %ne3A_1162 : i1
        %add3A_1169 = arith.addi %rem3A_1160, %select_n3A_1159 : i32
        %select_n3A_1170 = arith.select %and3A_1168, %add3A_1169, %rem3A_1160 : i32
        %add3A_1171 = arith.addi %mul3A_1154, %select_n3A_1170 : i32
        %mul3A_1172 = arith.constant 8 : i32
        %mul3A_1173 = arith.muli %add3A_1171, %mul3A_1172 : i32
        %multiple_of3A_1174 = tpu.assume_multiple %mul3A_1173, 8 : i32
        %dma_start3A_1175 = arith.constant 3 : i32
        %dma_start3A_1176 = arith.constant 0 : i32
        %dma_start3A_1177 = arith.constant 0 : i32
        %dma_start3A_1178 = tpu.memref_slice %arg10[%dma_start3A_1175, %dma_start3A_1176, %dma_start3A_1177] : memref<4x8x512xf32, #tpu.memory_space<vmem>> -> memref<1x8x512xf32, #tpu.memory_space<vmem>>
        %dma_start3A_1179 = tpu.memref_squeeze %dma_start3A_1178 : memref<1x8x512xf32, #tpu.memory_space<vmem>> -> memref<8x512xf32, #tpu.memory_space<vmem>>
        %dma_start3A_1180 = arith.constant 0 : i32
        %dma_start3A_1181 = tpu.memref_slice %arg2[%select_n3A_1152, %multiple_of3A_1174, %dma_start3A_1180] : memref<48x512x512xf32, #tpu.memory_space<hbm>> -> memref<1x8x512xf32, #tpu.memory_space<hbm>>
        %dma_start3A_1182 = tpu.memref_squeeze %dma_start3A_1181 : memref<1x8x512xf32, #tpu.memory_space<hbm>> -> memref<8x512xf32, #tpu.memory_space<hbm>>
        %dma_start3A_1183 = arith.constant 0 : i32
        %dma_start3A_1184 = arith.constant 0 : i32
        %dma_start3A_1185 = tpu.memref_slice %arg10[%dma_start3A_1175, %dma_start3A_1183, %dma_start3A_1184] : memref<4x8x512xf32, #tpu.memory_space<vmem>> -> memref<1x8x512xf32, #tpu.memory_space<vmem>>
        %dma_start3A_1186 = tpu.memref_squeeze %dma_start3A_1185 : memref<1x8x512xf32, #tpu.memory_space<vmem>> -> memref<8x512xf32, #tpu.memory_space<vmem>>
        %dma_start3A_1187 = arith.constant 0 : i32
        %dma_start3A_1188 = tpu.memref_slice %arg2[%select_n3A_1152, %multiple_of3A_1174, %dma_start3A_1187] : memref<48x512x512xf32, #tpu.memory_space<hbm>> -> memref<1x8x512xf32, #tpu.memory_space<hbm>>
        %dma_start3A_1189 = tpu.memref_squeeze %dma_start3A_1188 : memref<1x8x512xf32, #tpu.memory_space<hbm>> -> memref<8x512xf32, #tpu.memory_space<hbm>>
        tpu.enqueue_dma source(%dma_start3A_1189 : memref<8x512xf32, #tpu.memory_space<hbm>>) target(%dma_start3A_1186 : memref<8x512xf32, #tpu.memory_space<vmem>>) target_semaphore(%arg17 : memref<!tpu.dma_semaphore, #tpu.memory_space<semaphore_mem>>)
      } else {
      }
      %gt3A = arith.constant 0 : i32
      %gt3A_381 = arith.cmpi sgt, %scan3A_317, %gt3A : i32
      %convert_element_type3A_382 = arith.extui %gt3A_381 : i1 to i32
      %cond3A_383 = arith.constant 0 : i32
      %cond3A_384 = arith.cmpi ne, %convert_element_type3A_382, %cond3A_383 : i32
      scf.if %cond3A_384 {
        %sub3A_1129 = arith.constant 4 : i32
        %sub3A_1130 = arith.subi %add3A_322, %sub3A_1129 : i32
        %jit3A_1131 = arith.constant 2 : i32
        %div3A_1132 = arith.divsi %sub3A_1130, %jit3A_1131 : i32
        %sign3A_1133 = arith.constant 0 : i32
        %sign3A_1134 = arith.cmpi sgt, %sub3A_1130, %sign3A_1133 : i32
        %sign3A_1135 = arith.extui %sign3A_1134 : i1 to i32
        %sign3A_1136 = arith.constant 0 : i32
        %sign3A_1137 = arith.cmpi slt, %sub3A_1130, %sign3A_1136 : i32
        %sign3A_1138 = arith.extui %sign3A_1137 : i1 to i32
        %sign3A_1139 = arith.subi %sign3A_1135, %sign3A_1138 : i32
        %sign3A_1140 = arith.constant 0 : i32
        %sign3A_1141 = arith.cmpi sgt, %jit3A_1131, %sign3A_1140 : i32
        %sign3A_1142 = arith.extui %sign3A_1141 : i1 to i32
        %sign3A_1143 = arith.constant 0 : i32
        %sign3A_1144 = arith.cmpi slt, %jit3A_1131, %sign3A_1143 : i32
        %sign3A_1145 = arith.extui %sign3A_1144 : i1 to i32
        %sign3A_1146 = arith.subi %sign3A_1142, %sign3A_1145 : i32
        %ne3A_1147 = arith.cmpi ne, %sign3A_1139, %sign3A_1146 : i32
        %rem3A_1148 = arith.remsi %sub3A_1130, %jit3A_1131 : i32
        %ne3A_1149 = arith.constant 0 : i32
        %ne3A_1150 = arith.cmpi ne, %rem3A_1148, %ne3A_1149 : i32
        %and3A_1151 = arith.andi %ne3A_1147, %ne3A_1150 : i1
        %sub3A_1152 = arith.constant 1 : i32
        %sub3A_1153 = arith.subi %div3A_1132, %sub3A_1152 : i32
        %select_n3A_1154 = arith.select %and3A_1151, %sub3A_1153, %div3A_1132 : i32
        %mul3A_1155 = arith.constant 2 : i32
        %mul3A_1156 = arith.muli %add3A, %mul3A_1155 : i32
        %jit3A_1157 = arith.constant 2 : i32
        %eq3A_1158 = arith.constant 0 : i32
        %eq3A_1159 = arith.cmpi eq, %jit3A_1157, %eq3A_1158 : i32
        %jit3A_1160 = arith.constant 1 : i32
        %select_n3A_1161 = arith.select %eq3A_1159, %jit3A_1160, %jit3A_1157 : i32
        %rem3A_1162 = arith.remsi %sub3A_1130, %select_n3A_1161 : i32
        %ne3A_1163 = arith.constant 0 : i32
        %ne3A_1164 = arith.cmpi ne, %rem3A_1162, %ne3A_1163 : i32
        %lt3A_1165 = arith.constant 0 : i32
        %lt3A_1166 = arith.cmpi slt, %rem3A_1162, %lt3A_1165 : i32
        %lt3A_1167 = arith.constant 0 : i32
        %lt3A_1168 = arith.cmpi slt, %select_n3A_1161, %lt3A_1167 : i32
        %ne3A_1169 = arith.xori %lt3A_1166, %lt3A_1168 : i1
        %and3A_1170 = arith.andi %ne3A_1169, %ne3A_1164 : i1
        %add3A_1171 = arith.addi %rem3A_1162, %select_n3A_1161 : i32
        %select_n3A_1172 = arith.select %and3A_1170, %add3A_1171, %rem3A_1162 : i32
        %add3A_1173 = arith.addi %mul3A_1156, %select_n3A_1172 : i32
        %mul3A_1174 = arith.constant 8 : i32
        %mul3A_1175 = arith.muli %add3A_1173, %mul3A_1174 : i32
        %multiple_of3A_1176 = tpu.assume_multiple %mul3A_1175, 8 : i32
        %dma_wait3A_1177 = arith.constant 0 : i32
        %dma_wait3A_1178 = arith.constant 0 : i32
        %dma_wait3A_1179 = arith.constant 0 : i32
        %dma_wait3A_1180 = tpu.memref_slice %arg11[%dma_wait3A_1177, %dma_wait3A_1178, %dma_wait3A_1179] : memref<4x8x512xf32, #tpu.memory_space<vmem>> -> memref<1x8x512xf32, #tpu.memory_space<vmem>>
        %dma_wait3A_1181 = tpu.memref_squeeze %dma_wait3A_1180 : memref<1x8x512xf32, #tpu.memory_space<vmem>> -> memref<8x512xf32, #tpu.memory_space<vmem>>
        %dma_wait3A_1182 = arith.constant 0 : i32
        %dma_wait3A_1183 = tpu.memref_slice %arg4[%select_n3A_1154, %multiple_of3A_1176, %dma_wait3A_1182] : memref<48x512x512xf32, #tpu.memory_space<hbm>> -> memref<1x8x512xf32, #tpu.memory_space<hbm>>
        %dma_wait3A_1184 = tpu.memref_squeeze %dma_wait3A_1183 : memref<1x8x512xf32, #tpu.memory_space<hbm>> -> memref<8x512xf32, #tpu.memory_space<hbm>>
        %dma_wait3A_1185 = arith.constant 0 : i32
        %dma_wait3A_1186 = tpu.memref_slice %arg4[%select_n3A_1154, %multiple_of3A_1176, %dma_wait3A_1185] : memref<48x512x512xf32, #tpu.memory_space<hbm>> -> memref<1x8x512xf32, #tpu.memory_space<hbm>>
        %dma_wait3A_1187 = tpu.memref_squeeze %dma_wait3A_1186 : memref<1x8x512xf32, #tpu.memory_space<hbm>> -> memref<8x512xf32, #tpu.memory_space<hbm>>
        %dma_wait3A_1188 = arith.constant 0 : i32
        %dma_wait3A_1189 = arith.constant 0 : i32
        %dma_wait3A_1190 = tpu.memref_slice %arg11[%dma_wait3A_1177, %dma_wait3A_1188, %dma_wait3A_1189] : memref<4x8x512xf32, #tpu.memory_space<vmem>> -> memref<1x8x512xf32, #tpu.memory_space<vmem>>
        %dma_wait3A_1191 = tpu.memref_squeeze %dma_wait3A_1190 : memref<1x8x512xf32, #tpu.memory_space<vmem>> -> memref<8x512xf32, #tpu.memory_space<vmem>>
        tpu.wait_dma2 semaphore(%arg18 : memref<!tpu.dma_semaphore, #tpu.memory_space<semaphore_mem>>) src(%dma_wait3A_1191 : memref<8x512xf32, #tpu.memory_space<vmem>>) dst(%dma_wait3A_1187 : memref<8x512xf32, #tpu.memory_space<hbm>>)
        %dma_wait3A_1192 = arith.constant 0 : i32
        %dma_wait3A_1193 = arith.constant 0 : i32
        %dma_wait3A_1194 = arith.constant 0 : i32
        %dma_wait3A_1195 = tpu.memref_slice %arg12[%dma_wait3A_1192, %dma_wait3A_1193, %dma_wait3A_1194] : memref<4x8x512xf32, #tpu.memory_space<vmem>> -> memref<1x8x512xf32, #tpu.memory_space<vmem>>
        %dma_wait3A_1196 = tpu.memref_squeeze %dma_wait3A_1195 : memref<1x8x512xf32, #tpu.memory_space<vmem>> -> memref<8x512xf32, #tpu.memory_space<vmem>>
        %dma_wait3A_1197 = arith.constant 0 : i32
        %dma_wait3A_1198 = tpu.memref_slice %arg5[%select_n3A_1154, %multiple_of3A_1176, %dma_wait3A_1197] : memref<48x512x512xf32, #tpu.memory_space<hbm>> -> memref<1x8x512xf32, #tpu.memory_space<hbm>>
        %dma_wait3A_1199 = tpu.memref_squeeze %dma_wait3A_1198 : memref<1x8x512xf32, #tpu.memory_space<hbm>> -> memref<8x512xf32, #tpu.memory_space<hbm>>
        %dma_wait3A_1200 = arith.constant 0 : i32
        %dma_wait3A_1201 = tpu.memref_slice %arg5[%select_n3A_1154, %multiple_of3A_1176, %dma_wait3A_1200] : memref<48x512x512xf32, #tpu.memory_space<hbm>> -> memref<1x8x512xf32, #tpu.memory_space<hbm>>
        %dma_wait3A_1202 = tpu.memref_squeeze %dma_wait3A_1201 : memref<1x8x512xf32, #tpu.memory_space<hbm>> -> memref<8x512xf32, #tpu.memory_space<hbm>>
        %dma_wait3A_1203 = arith.constant 0 : i32
        %dma_wait3A_1204 = arith.constant 0 : i32
        %dma_wait3A_1205 = tpu.memref_slice %arg12[%dma_wait3A_1192, %dma_wait3A_1203, %dma_wait3A_1204] : memref<4x8x512xf32, #tpu.memory_space<vmem>> -> memref<1x8x512xf32, #tpu.memory_space<vmem>>
        %dma_wait3A_1206 = tpu.memref_squeeze %dma_wait3A_1205 : memref<1x8x512xf32, #tpu.memory_space<vmem>> -> memref<8x512xf32, #tpu.memory_space<vmem>>
        tpu.wait_dma2 semaphore(%arg18 : memref<!tpu.dma_semaphore, #tpu.memory_space<semaphore_mem>>) src(%dma_wait3A_1206 : memref<8x512xf32, #tpu.memory_space<vmem>>) dst(%dma_wait3A_1202 : memref<8x512xf32, #tpu.memory_space<hbm>>)
        %dma_wait3A_1207 = arith.constant 0 : i32
        %dma_wait3A_1208 = arith.constant 0 : i32
        %dma_wait3A_1209 = arith.constant 0 : i32
        %dma_wait3A_1210 = tpu.memref_slice %arg13[%dma_wait3A_1207, %dma_wait3A_1208, %dma_wait3A_1209] : memref<4x8x512xf32, #tpu.memory_space<vmem>> -> memref<1x8x512xf32, #tpu.memory_space<vmem>>
        %dma_wait3A_1211 = tpu.memref_squeeze %dma_wait3A_1210 : memref<1x8x512xf32, #tpu.memory_space<vmem>> -> memref<8x512xf32, #tpu.memory_space<vmem>>
        %dma_wait3A_1212 = arith.constant 0 : i32
        %dma_wait3A_1213 = tpu.memref_slice %arg6[%select_n3A_1154, %multiple_of3A_1176, %dma_wait3A_1212] : memref<48x512x512xf32, #tpu.memory_space<hbm>> -> memref<1x8x512xf32, #tpu.memory_space<hbm>>
        %dma_wait3A_1214 = tpu.memref_squeeze %dma_wait3A_1213 : memref<1x8x512xf32, #tpu.memory_space<hbm>> -> memref<8x512xf32, #tpu.memory_space<hbm>>
        %dma_wait3A_1215 = arith.constant 0 : i32
        %dma_wait3A_1216 = tpu.memref_slice %arg6[%select_n3A_1154, %multiple_of3A_1176, %dma_wait3A_1215] : memref<48x512x512xf32, #tpu.memory_space<hbm>> -> memref<1x8x512xf32, #tpu.memory_space<hbm>>
        %dma_wait3A_1217 = tpu.memref_squeeze %dma_wait3A_1216 : memref<1x8x512xf32, #tpu.memory_space<hbm>> -> memref<8x512xf32, #tpu.memory_space<hbm>>
        %dma_wait3A_1218 = arith.constant 0 : i32
        %dma_wait3A_1219 = arith.constant 0 : i32
        %dma_wait3A_1220 = tpu.memref_slice %arg13[%dma_wait3A_1207, %dma_wait3A_1218, %dma_wait3A_1219] : memref<4x8x512xf32, #tpu.memory_space<vmem>> -> memref<1x8x512xf32, #tpu.memory_space<vmem>>
        %dma_wait3A_1221 = tpu.memref_squeeze %dma_wait3A_1220 : memref<1x8x512xf32, #tpu.memory_space<vmem>> -> memref<8x512xf32, #tpu.memory_space<vmem>>
        tpu.wait_dma2 semaphore(%arg18 : memref<!tpu.dma_semaphore, #tpu.memory_space<semaphore_mem>>) src(%dma_wait3A_1221 : memref<8x512xf32, #tpu.memory_space<vmem>>) dst(%dma_wait3A_1217 : memref<8x512xf32, #tpu.memory_space<hbm>>)
      } else {
      }
      %jit3A_385 = arith.constant 2 : i32
      %div3A_386 = arith.divsi %add3A_322, %jit3A_385 : i32
      %sign3A_387 = arith.constant 0 : i32
      %sign3A_388 = arith.cmpi sgt, %add3A_322, %sign3A_387 : i32
      %sign3A_389 = arith.extui %sign3A_388 : i1 to i32
      %sign3A_390 = arith.constant 0 : i32
      %sign3A_391 = arith.cmpi slt, %add3A_322, %sign3A_390 : i32
      %sign3A_392 = arith.extui %sign3A_391 : i1 to i32
      %sign3A_393 = arith.subi %sign3A_389, %sign3A_392 : i32
      %sign3A_394 = arith.constant 0 : i32
      %sign3A_395 = arith.cmpi sgt, %jit3A_385, %sign3A_394 : i32
      %sign3A_396 = arith.extui %sign3A_395 : i1 to i32
      %sign3A_397 = arith.constant 0 : i32
      %sign3A_398 = arith.cmpi slt, %jit3A_385, %sign3A_397 : i32
      %sign3A_399 = arith.extui %sign3A_398 : i1 to i32
      %sign3A_400 = arith.subi %sign3A_396, %sign3A_399 : i32
      %ne3A_401 = arith.cmpi ne, %sign3A_393, %sign3A_400 : i32
      %rem3A_402 = arith.remsi %add3A_322, %jit3A_385 : i32
      %ne3A_403 = arith.constant 0 : i32
      %ne3A_404 = arith.cmpi ne, %rem3A_402, %ne3A_403 : i32
      %and3A_405 = arith.andi %ne3A_401, %ne3A_404 : i1
      %sub3A_406 = arith.constant 1 : i32
      %sub3A_407 = arith.subi %div3A_386, %sub3A_406 : i32
      %select_n3A_408 = arith.select %and3A_405, %sub3A_407, %div3A_386 : i32
      %mul3A_409 = arith.constant 256 : i32
      %mul3A_410 = arith.muli %select_n3A_408, %mul3A_409 : i32
      %convert_element_type3A_411 = arith.sitofp %mul3A_410 : i32 to f32
      %add3A_412 = arith.constant 0x4B000000 : f32
      %add3A_413 = arith.addf %convert_element_type3A_411, %add3A_412 : f32
      %broadcast_in_dim3A = arith.constant 0.000000e+00 : f32
      %broadcast_in_dim3A_414 = vector.broadcast %broadcast_in_dim3A : f32 to vector<16xf32>
      %add3A_415 = vector.broadcast %add3A_413 : f32 to vector<16xf32>
      %add3A_416 = arith.addf %broadcast_in_dim3A_414, %add3A_415 : vector<16xf32>
      %parallel_loop3A = arith.constant 0 : i32
      %parallel_loop3A_417 = arith.constant 256 : i32
      %parallel_loop3A_418 = arith.constant 1 : i32
      scf.for %parallel_loop3A_1129 = %parallel_loop3A to %parallel_loop3A_417 step %parallel_loop3A_418  : i32 {
        %parallel_loop3A_1130 = arith.constant 32 : i32
        %parallel_loop3A_1131 = arith.divsi %parallel_loop3A_1129, %parallel_loop3A_1130 : i32
        %parallel_loop3A_1132 = arith.constant 0 : i32
        %parallel_loop3A_1133 = arith.cmpi sgt, %parallel_loop3A_1129, %parallel_loop3A_1132 : i32
        %parallel_loop3A_1134 = arith.extui %parallel_loop3A_1133 : i1 to i32
        %parallel_loop3A_1135 = arith.constant 0 : i32
        %parallel_loop3A_1136 = arith.cmpi slt, %parallel_loop3A_1129, %parallel_loop3A_1135 : i32
        %parallel_loop3A_1137 = arith.extui %parallel_loop3A_1136 : i1 to i32
        %parallel_loop3A_1138 = arith.subi %parallel_loop3A_1134, %parallel_loop3A_1137 : i32
        %parallel_loop3A_1139 = arith.constant 0 : i32
        %parallel_loop3A_1140 = arith.cmpi sgt, %parallel_loop3A_1130, %parallel_loop3A_1139 : i32
        %parallel_loop3A_1141 = arith.extui %parallel_loop3A_1140 : i1 to i32
        %parallel_loop3A_1142 = arith.constant 0 : i32
        %parallel_loop3A_1143 = arith.cmpi slt, %parallel_loop3A_1130, %parallel_loop3A_1142 : i32
        %parallel_loop3A_1144 = arith.extui %parallel_loop3A_1143 : i1 to i32
        %parallel_loop3A_1145 = arith.subi %parallel_loop3A_1141, %parallel_loop3A_1144 : i32
        %parallel_loop3A_1146 = arith.cmpi ne, %parallel_loop3A_1138, %parallel_loop3A_1145 : i32
        %parallel_loop3A_1147 = arith.remsi %parallel_loop3A_1129, %parallel_loop3A_1130 : i32
        %parallel_loop3A_1148 = arith.constant 0 : i32
        %parallel_loop3A_1149 = arith.cmpi ne, %parallel_loop3A_1147, %parallel_loop3A_1148 : i32
        %parallel_loop3A_1150 = arith.andi %parallel_loop3A_1146, %parallel_loop3A_1149 : i1
        %parallel_loop3A_1151 = arith.constant 1 : i32
        %parallel_loop3A_1152 = arith.subi %parallel_loop3A_1131, %parallel_loop3A_1151 : i32
        %parallel_loop3A_1153 = arith.select %parallel_loop3A_1150, %parallel_loop3A_1152, %parallel_loop3A_1131 : i32
        %parallel_loop3A_1154 = arith.constant 32 : i32
        %parallel_loop3A_1155 = arith.constant 0 : i32
        %parallel_loop3A_1156 = arith.cmpi eq, %parallel_loop3A_1154, %parallel_loop3A_1155 : i32
        %parallel_loop3A_1157 = arith.constant 1 : i32
        %parallel_loop3A_1158 = arith.select %parallel_loop3A_1156, %parallel_loop3A_1157, %parallel_loop3A_1154 : i32
        %parallel_loop3A_1159 = arith.remsi %parallel_loop3A_1129, %parallel_loop3A_1158 : i32
        %parallel_loop3A_1160 = arith.constant 0 : i32
        %parallel_loop3A_1161 = arith.cmpi ne, %parallel_loop3A_1159, %parallel_loop3A_1160 : i32
        %parallel_loop3A_1162 = arith.constant 0 : i32
        %parallel_loop3A_1163 = arith.cmpi slt, %parallel_loop3A_1159, %parallel_loop3A_1162 : i32
        %parallel_loop3A_1164 = arith.constant 0 : i32
        %parallel_loop3A_1165 = arith.cmpi slt, %parallel_loop3A_1158, %parallel_loop3A_1164 : i32
        %parallel_loop3A_1166 = arith.xori %parallel_loop3A_1163, %parallel_loop3A_1165 : i1
        %parallel_loop3A_1167 = arith.andi %parallel_loop3A_1166, %parallel_loop3A_1161 : i1
        %parallel_loop3A_1168 = arith.addi %parallel_loop3A_1159, %parallel_loop3A_1158 : i32
        %parallel_loop3A_1169 = arith.select %parallel_loop3A_1167, %parallel_loop3A_1168, %parallel_loop3A_1159 : i32
        %parallel_loop3A_1170 = arith.constant 16 : i32
        %parallel_loop3A_1171 = arith.muli %parallel_loop3A_1169, %parallel_loop3A_1170 : i32
        %parallel_loop3A_1172 = arith.constant 0 : i32
        %parallel_loop3A_1173 = arith.index_cast %parallel_loop3A_1172 : i32 to index
        %parallel_loop3A_1174 = arith.index_cast %parallel_loop3A_1153 : i32 to index
        %parallel_loop3A_1175 = arith.index_cast %parallel_loop3A_1171 : i32 to index
        %parallel_loop3A_1176 = tpu.vector_load %arg10[%parallel_loop3A_1173, %parallel_loop3A_1174, %parallel_loop3A_1175] {strides = array<i32>} : memref<4x8x512xf32, #tpu.memory_space<vmem>>, vector<16xf32>,
        %parallel_loop3A_1177 = arith.constant 2.550000e+02 : f32
        %parallel_loop3A_1178 = vector.broadcast %parallel_loop3A_1177 : f32 to vector<16xf32>
        %parallel_loop3A_1179 = arith.mulf %parallel_loop3A_1176, %parallel_loop3A_1178 : vector<16xf32>
        %parallel_loop3A_1180 = arith.addf %parallel_loop3A_1179, %add3A_416 : vector<16xf32>
        %parallel_loop3A_1181 = tpu.bitcast %parallel_loop3A_1180 : vector<16xf32> -> vector<16xi32>
        %parallel_loop3A_1182 = arith.constant 16383 : i32
        %parallel_loop3A_1183 = vector.broadcast %parallel_loop3A_1182 : i32 to vector<16xi32>
        %parallel_loop3A_1184 = arith.andi %parallel_loop3A_1181, %parallel_loop3A_1183 : vector<16xi32>
        %parallel_loop3A_1185 = tpu.vector_load_idx %arg7[%parallel_loop3A_1184] : memref<12288xf32, #tpu.memory_space<vmem>>[vector<16xi32>], vector<16xf32>,
        %parallel_loop3A_1186 = arith.constant 0 : i32
        %parallel_loop3A_1187 = arith.index_cast %parallel_loop3A_1186 : i32 to index
        %parallel_loop3A_1188 = arith.index_cast %parallel_loop3A_1153 : i32 to index
        %parallel_loop3A_1189 = arith.index_cast %parallel_loop3A_1171 : i32 to index
        %parallel_loop3A_1190 = tpu.vector_load %arg11[%parallel_loop3A_1187, %parallel_loop3A_1188, %parallel_loop3A_1189] {strides = array<i32>} : memref<4x8x512xf32, #tpu.memory_space<vmem>>, vector<16xf32>,
        tpu.vector_store %arg11[%parallel_loop3A_1187, %parallel_loop3A_1188, %parallel_loop3A_1189], %parallel_loop3A_1185 {strides = array<i32>} : memref<4x8x512xf32, #tpu.memory_space<vmem>>, vector<16xf32>,
        %parallel_loop3A_1191 = tpu.vector_load_idx %arg8[%parallel_loop3A_1184] : memref<12288xf32, #tpu.memory_space<vmem>>[vector<16xi32>], vector<16xf32>,
        %parallel_loop3A_1192 = arith.constant 0 : i32
        %parallel_loop3A_1193 = arith.index_cast %parallel_loop3A_1192 : i32 to index
        %parallel_loop3A_1194 = arith.index_cast %parallel_loop3A_1153 : i32 to index
        %parallel_loop3A_1195 = arith.index_cast %parallel_loop3A_1171 : i32 to index
        %parallel_loop3A_1196 = tpu.vector_load %arg12[%parallel_loop3A_1193, %parallel_loop3A_1194, %parallel_loop3A_1195] {strides = array<i32>} : memref<4x8x512xf32, #tpu.memory_space<vmem>>, vector<16xf32>,
        tpu.vector_store %arg12[%parallel_loop3A_1193, %parallel_loop3A_1194, %parallel_loop3A_1195], %parallel_loop3A_1191 {strides = array<i32>} : memref<4x8x512xf32, #tpu.memory_space<vmem>>, vector<16xf32>,
        %parallel_loop3A_1197 = tpu.vector_load_idx %arg9[%parallel_loop3A_1184] : memref<12288xf32, #tpu.memory_space<vmem>>[vector<16xi32>], vector<16xf32>,
        %parallel_loop3A_1198 = arith.constant 0 : i32
        %parallel_loop3A_1199 = arith.index_cast %parallel_loop3A_1198 : i32 to index
        %parallel_loop3A_1200 = arith.index_cast %parallel_loop3A_1153 : i32 to index
        %parallel_loop3A_1201 = arith.index_cast %parallel_loop3A_1171 : i32 to index
        %parallel_loop3A_1202 = tpu.vector_load %arg13[%parallel_loop3A_1199, %parallel_loop3A_1200, %parallel_loop3A_1201] {strides = array<i32>} : memref<4x8x512xf32, #tpu.memory_space<vmem>>, vector<16xf32>,
        tpu.vector_store %arg13[%parallel_loop3A_1199, %parallel_loop3A_1200, %parallel_loop3A_1201], %parallel_loop3A_1197 {strides = array<i32>} : memref<4x8x512xf32, #tpu.memory_space<vmem>>, vector<16xf32>,
      } {sc.loop_unroll_factor = 8 : i64, sc.parallel_access}
      %jit3A_419 = arith.constant 2 : i32
      %div3A_420 = arith.divsi %add3A_322, %jit3A_419 : i32
      %sign3A_421 = arith.constant 0 : i32
      %sign3A_422 = arith.cmpi sgt, %add3A_322, %sign3A_421 : i32
      %sign3A_423 = arith.extui %sign3A_422 : i1 to i32
      %sign3A_424 = arith.constant 0 : i32
      %sign3A_425 = arith.cmpi slt, %add3A_322, %sign3A_424 : i32
      %sign3A_426 = arith.extui %sign3A_425 : i1 to i32
      %sign3A_427 = arith.subi %sign3A_423, %sign3A_426 : i32
      %sign3A_428 = arith.constant 0 : i32
      %sign3A_429 = arith.cmpi sgt, %jit3A_419, %sign3A_428 : i32
      %sign3A_430 = arith.extui %sign3A_429 : i1 to i32
      %sign3A_431 = arith.constant 0 : i32
      %sign3A_432 = arith.cmpi slt, %jit3A_419, %sign3A_431 : i32
      %sign3A_433 = arith.extui %sign3A_432 : i1 to i32
      %sign3A_434 = arith.subi %sign3A_430, %sign3A_433 : i32
      %ne3A_435 = arith.cmpi ne, %sign3A_427, %sign3A_434 : i32
      %rem3A_436 = arith.remsi %add3A_322, %jit3A_419 : i32
      %ne3A_437 = arith.constant 0 : i32
      %ne3A_438 = arith.cmpi ne, %rem3A_436, %ne3A_437 : i32
      %and3A_439 = arith.andi %ne3A_435, %ne3A_438 : i1
      %sub3A_440 = arith.constant 1 : i32
      %sub3A_441 = arith.subi %div3A_420, %sub3A_440 : i32
      %select_n3A_442 = arith.select %and3A_439, %sub3A_441, %div3A_420 : i32
      %mul3A_443 = arith.constant 2 : i32
      %mul3A_444 = arith.muli %add3A, %mul3A_443 : i32
      %jit3A_445 = arith.constant 2 : i32
      %eq3A_446 = arith.constant 0 : i32
      %eq3A_447 = arith.cmpi eq, %jit3A_445, %eq3A_446 : i32
      %jit3A_448 = arith.constant 1 : i32
      %select_n3A_449 = arith.select %eq3A_447, %jit3A_448, %jit3A_445 : i32
      %rem3A_450 = arith.remsi %add3A_322, %select_n3A_449 : i32
      %ne3A_451 = arith.constant 0 : i32
      %ne3A_452 = arith.cmpi ne, %rem3A_450, %ne3A_451 : i32
      %lt3A_453 = arith.constant 0 : i32
      %lt3A_454 = arith.cmpi slt, %rem3A_450, %lt3A_453 : i32
      %lt3A_455 = arith.constant 0 : i32
      %lt3A_456 = arith.cmpi slt, %select_n3A_449, %lt3A_455 : i32
      %ne3A_457 = arith.xori %lt3A_454, %lt3A_456 : i1
      %and3A_458 = arith.andi %ne3A_457, %ne3A_452 : i1
      %add3A_459 = arith.addi %rem3A_450, %select_n3A_449 : i32
      %select_n3A_460 = arith.select %and3A_458, %add3A_459, %rem3A_450 : i32
      %add3A_461 = arith.addi %mul3A_444, %select_n3A_460 : i32
      %mul3A_462 = arith.constant 8 : i32
      %mul3A_463 = arith.muli %add3A_461, %mul3A_462 : i32
      %multiple_of3A_464 = tpu.assume_multiple %mul3A_463, 8 : i32
      %dma_start3A_465 = arith.constant 0 : i32
      %dma_start3A_466 = arith.constant 0 : i32
      %dma_start3A_467 = arith.constant 0 : i32
      %dma_start3A_468 = tpu.memref_slice %arg11[%dma_start3A_465, %dma_start3A_466, %dma_start3A_467] : memref<4x8x512xf32, #tpu.memory_space<vmem>> -> memref<1x8x512xf32, #tpu.memory_space<vmem>>
      %dma_start3A_469 = tpu.memref_squeeze %dma_start3A_468 : memref<1x8x512xf32, #tpu.memory_space<vmem>> -> memref<8x512xf32, #tpu.memory_space<vmem>>
      %dma_start3A_470 = arith.constant 0 : i32
      %dma_start3A_471 = tpu.memref_slice %arg4[%select_n3A_442, %multiple_of3A_464, %dma_start3A_470] : memref<48x512x512xf32, #tpu.memory_space<hbm>> -> memref<1x8x512xf32, #tpu.memory_space<hbm>>
      %dma_start3A_472 = tpu.memref_squeeze %dma_start3A_471 : memref<1x8x512xf32, #tpu.memory_space<hbm>> -> memref<8x512xf32, #tpu.memory_space<hbm>>
      %dma_start3A_473 = arith.constant 0 : i32
      %dma_start3A_474 = tpu.memref_slice %arg4[%select_n3A_442, %multiple_of3A_464, %dma_start3A_473] : memref<48x512x512xf32, #tpu.memory_space<hbm>> -> memref<1x8x512xf32, #tpu.memory_space<hbm>>
      %dma_start3A_475 = tpu.memref_squeeze %dma_start3A_474 : memref<1x8x512xf32, #tpu.memory_space<hbm>> -> memref<8x512xf32, #tpu.memory_space<hbm>>
      %dma_start3A_476 = arith.constant 0 : i32
      %dma_start3A_477 = arith.constant 0 : i32
      %dma_start3A_478 = tpu.memref_slice %arg11[%dma_start3A_465, %dma_start3A_476, %dma_start3A_477] : memref<4x8x512xf32, #tpu.memory_space<vmem>> -> memref<1x8x512xf32, #tpu.memory_space<vmem>>
      %dma_start3A_479 = tpu.memref_squeeze %dma_start3A_478 : memref<1x8x512xf32, #tpu.memory_space<vmem>> -> memref<8x512xf32, #tpu.memory_space<vmem>>
      tpu.enqueue_dma source(%dma_start3A_479 : memref<8x512xf32, #tpu.memory_space<vmem>>) target(%dma_start3A_475 : memref<8x512xf32, #tpu.memory_space<hbm>>) target_semaphore(%arg18 : memref<!tpu.dma_semaphore, #tpu.memory_space<semaphore_mem>>)
      %dma_start3A_480 = arith.constant 0 : i32
      %dma_start3A_481 = arith.constant 0 : i32
      %dma_start3A_482 = arith.constant 0 : i32
      %dma_start3A_483 = tpu.memref_slice %arg12[%dma_start3A_480, %dma_start3A_481, %dma_start3A_482] : memref<4x8x512xf32, #tpu.memory_space<vmem>> -> memref<1x8x512xf32, #tpu.memory_space<vmem>>
      %dma_start3A_484 = tpu.memref_squeeze %dma_start3A_483 : memref<1x8x512xf32, #tpu.memory_space<vmem>> -> memref<8x512xf32, #tpu.memory_space<vmem>>
      %dma_start3A_485 = arith.constant 0 : i32
      %dma_start3A_486 = tpu.memref_slice %arg5[%select_n3A_442, %multiple_of3A_464, %dma_start3A_485] : memref<48x512x512xf32, #tpu.memory_space<hbm>> -> memref<1x8x512xf32, #tpu.memory_space<hbm>>
      %dma_start3A_487 = tpu.memref_squeeze %dma_start3A_486 : memref<1x8x512xf32, #tpu.memory_space<hbm>> -> memref<8x512xf32, #tpu.memory_space<hbm>>
      %dma_start3A_488 = arith.constant 0 : i32
      %dma_start3A_489 = tpu.memref_slice %arg5[%select_n3A_442, %multiple_of3A_464, %dma_start3A_488] : memref<48x512x512xf32, #tpu.memory_space<hbm>> -> memref<1x8x512xf32, #tpu.memory_space<hbm>>
      %dma_start3A_490 = tpu.memref_squeeze %dma_start3A_489 : memref<1x8x512xf32, #tpu.memory_space<hbm>> -> memref<8x512xf32, #tpu.memory_space<hbm>>
      %dma_start3A_491 = arith.constant 0 : i32
      %dma_start3A_492 = arith.constant 0 : i32
      %dma_start3A_493 = tpu.memref_slice %arg12[%dma_start3A_480, %dma_start3A_491, %dma_start3A_492] : memref<4x8x512xf32, #tpu.memory_space<vmem>> -> memref<1x8x512xf32, #tpu.memory_space<vmem>>
      %dma_start3A_494 = tpu.memref_squeeze %dma_start3A_493 : memref<1x8x512xf32, #tpu.memory_space<vmem>> -> memref<8x512xf32, #tpu.memory_space<vmem>>
      tpu.enqueue_dma source(%dma_start3A_494 : memref<8x512xf32, #tpu.memory_space<vmem>>) target(%dma_start3A_490 : memref<8x512xf32, #tpu.memory_space<hbm>>) target_semaphore(%arg18 : memref<!tpu.dma_semaphore, #tpu.memory_space<semaphore_mem>>)
      %dma_start3A_495 = arith.constant 0 : i32
      %dma_start3A_496 = arith.constant 0 : i32
      %dma_start3A_497 = arith.constant 0 : i32
      %dma_start3A_498 = tpu.memref_slice %arg13[%dma_start3A_495, %dma_start3A_496, %dma_start3A_497] : memref<4x8x512xf32, #tpu.memory_space<vmem>> -> memref<1x8x512xf32, #tpu.memory_space<vmem>>
      %dma_start3A_499 = tpu.memref_squeeze %dma_start3A_498 : memref<1x8x512xf32, #tpu.memory_space<vmem>> -> memref<8x512xf32, #tpu.memory_space<vmem>>
      %dma_start3A_500 = arith.constant 0 : i32
      %dma_start3A_501 = tpu.memref_slice %arg6[%select_n3A_442, %multiple_of3A_464, %dma_start3A_500] : memref<48x512x512xf32, #tpu.memory_space<hbm>> -> memref<1x8x512xf32, #tpu.memory_space<hbm>>
      %dma_start3A_502 = tpu.memref_squeeze %dma_start3A_501 : memref<1x8x512xf32, #tpu.memory_space<hbm>> -> memref<8x512xf32, #tpu.memory_space<hbm>>
      %dma_start3A_503 = arith.constant 0 : i32
      %dma_start3A_504 = tpu.memref_slice %arg6[%select_n3A_442, %multiple_of3A_464, %dma_start3A_503] : memref<48x512x512xf32, #tpu.memory_space<hbm>> -> memref<1x8x512xf32, #tpu.memory_space<hbm>>
      %dma_start3A_505 = tpu.memref_squeeze %dma_start3A_504 : memref<1x8x512xf32, #tpu.memory_space<hbm>> -> memref<8x512xf32, #tpu.memory_space<hbm>>
      %dma_start3A_506 = arith.constant 0 : i32
      %dma_start3A_507 = arith.constant 0 : i32
      %dma_start3A_508 = tpu.memref_slice %arg13[%dma_start3A_495, %dma_start3A_506, %dma_start3A_507] : memref<4x8x512xf32, #tpu.memory_space<vmem>> -> memref<1x8x512xf32, #tpu.memory_space<vmem>>
      %dma_start3A_509 = tpu.memref_squeeze %dma_start3A_508 : memref<1x8x512xf32, #tpu.memory_space<vmem>> -> memref<8x512xf32, #tpu.memory_space<vmem>>
      tpu.enqueue_dma source(%dma_start3A_509 : memref<8x512xf32, #tpu.memory_space<vmem>>) target(%dma_start3A_505 : memref<8x512xf32, #tpu.memory_space<hbm>>) target_semaphore(%arg18 : memref<!tpu.dma_semaphore, #tpu.memory_space<semaphore_mem>>)
      %mul3A_510 = arith.constant 4 : i32
      %mul3A_511 = arith.muli %mul3A_510, %scan3A_317 : i32
      %add3A_512 = arith.constant 1 : i32
      %add3A_513 = arith.addi %mul3A_511, %add3A_512 : i32
      %jit3A_514 = arith.constant 2 : i32
      %div3A_515 = arith.divsi %add3A_513, %jit3A_514 : i32
      %sign3A_516 = arith.constant 0 : i32
      %sign3A_517 = arith.cmpi sgt, %add3A_513, %sign3A_516 : i32
      %sign3A_518 = arith.extui %sign3A_517 : i1 to i32
      %sign3A_519 = arith.constant 0 : i32
      %sign3A_520 = arith.cmpi slt, %add3A_513, %sign3A_519 : i32
      %sign3A_521 = arith.extui %sign3A_520 : i1 to i32
      %sign3A_522 = arith.subi %sign3A_518, %sign3A_521 : i32
      %sign3A_523 = arith.constant 0 : i32
      %sign3A_524 = arith.cmpi sgt, %jit3A_514, %sign3A_523 : i32
      %sign3A_525 = arith.extui %sign3A_524 : i1 to i32
      %sign3A_526 = arith.constant 0 : i32
      %sign3A_527 = arith.cmpi slt, %jit3A_514, %sign3A_526 : i32
      %sign3A_528 = arith.extui %sign3A_527 : i1 to i32
      %sign3A_529 = arith.subi %sign3A_525, %sign3A_528 : i32
      %ne3A_530 = arith.cmpi ne, %sign3A_522, %sign3A_529 : i32
      %rem3A_531 = arith.remsi %add3A_513, %jit3A_514 : i32
      %ne3A_532 = arith.constant 0 : i32
      %ne3A_533 = arith.cmpi ne, %rem3A_531, %ne3A_532 : i32
      %and3A_534 = arith.andi %ne3A_530, %ne3A_533 : i1
      %sub3A_535 = arith.constant 1 : i32
      %sub3A_536 = arith.subi %div3A_515, %sub3A_535 : i32
      %select_n3A_537 = arith.select %and3A_534, %sub3A_536, %div3A_515 : i32
      %mul3A_538 = arith.constant 2 : i32
      %mul3A_539 = arith.muli %add3A, %mul3A_538 : i32
      %jit3A_540 = arith.constant 2 : i32
      %eq3A_541 = arith.constant 0 : i32
      %eq3A_542 = arith.cmpi eq, %jit3A_540, %eq3A_541 : i32
      %jit3A_543 = arith.constant 1 : i32
      %select_n3A_544 = arith.select %eq3A_542, %jit3A_543, %jit3A_540 : i32
      %rem3A_545 = arith.remsi %add3A_513, %select_n3A_544 : i32
      %ne3A_546 = arith.constant 0 : i32
      %ne3A_547 = arith.cmpi ne, %rem3A_545, %ne3A_546 : i32
      %lt3A_548 = arith.constant 0 : i32
      %lt3A_549 = arith.cmpi slt, %rem3A_545, %lt3A_548 : i32
      %lt3A_550 = arith.constant 0 : i32
      %lt3A_551 = arith.cmpi slt, %select_n3A_544, %lt3A_550 : i32
      %ne3A_552 = arith.xori %lt3A_549, %lt3A_551 : i1
      %and3A_553 = arith.andi %ne3A_552, %ne3A_547 : i1
      %add3A_554 = arith.addi %rem3A_545, %select_n3A_544 : i32
      %select_n3A_555 = arith.select %and3A_553, %add3A_554, %rem3A_545 : i32
      %add3A_556 = arith.addi %mul3A_539, %select_n3A_555 : i32
      %mul3A_557 = arith.constant 8 : i32
      %mul3A_558 = arith.muli %add3A_556, %mul3A_557 : i32
      %multiple_of3A_559 = tpu.assume_multiple %mul3A_558, 8 : i32
      %dma_wait3A_560 = arith.constant 1 : i32
      %dma_wait3A_561 = arith.constant 0 : i32
      %dma_wait3A_562 = arith.constant 0 : i32
      %dma_wait3A_563 = tpu.memref_slice %arg10[%dma_wait3A_560, %dma_wait3A_561, %dma_wait3A_562] : memref<4x8x512xf32, #tpu.memory_space<vmem>> -> memref<1x8x512xf32, #tpu.memory_space<vmem>>
      %dma_wait3A_564 = tpu.memref_squeeze %dma_wait3A_563 : memref<1x8x512xf32, #tpu.memory_space<vmem>> -> memref<8x512xf32, #tpu.memory_space<vmem>>
      %dma_wait3A_565 = arith.constant 0 : i32
      %dma_wait3A_566 = tpu.memref_slice %arg2[%select_n3A_537, %multiple_of3A_559, %dma_wait3A_565] : memref<48x512x512xf32, #tpu.memory_space<hbm>> -> memref<1x8x512xf32, #tpu.memory_space<hbm>>
      %dma_wait3A_567 = tpu.memref_squeeze %dma_wait3A_566 : memref<1x8x512xf32, #tpu.memory_space<hbm>> -> memref<8x512xf32, #tpu.memory_space<hbm>>
      %dma_wait3A_568 = arith.constant 0 : i32
      %dma_wait3A_569 = arith.constant 0 : i32
      %dma_wait3A_570 = tpu.memref_slice %arg10[%dma_wait3A_560, %dma_wait3A_568, %dma_wait3A_569] : memref<4x8x512xf32, #tpu.memory_space<vmem>> -> memref<1x8x512xf32, #tpu.memory_space<vmem>>
      %dma_wait3A_571 = tpu.memref_squeeze %dma_wait3A_570 : memref<1x8x512xf32, #tpu.memory_space<vmem>> -> memref<8x512xf32, #tpu.memory_space<vmem>>
      %dma_wait3A_572 = arith.constant 0 : i32
      %dma_wait3A_573 = tpu.memref_slice %arg2[%select_n3A_537, %multiple_of3A_559, %dma_wait3A_572] : memref<48x512x512xf32, #tpu.memory_space<hbm>> -> memref<1x8x512xf32, #tpu.memory_space<hbm>>
      %dma_wait3A_574 = tpu.memref_squeeze %dma_wait3A_573 : memref<1x8x512xf32, #tpu.memory_space<hbm>> -> memref<8x512xf32, #tpu.memory_space<hbm>>
      tpu.wait_dma2 semaphore(%arg15 : memref<!tpu.dma_semaphore, #tpu.memory_space<semaphore_mem>>) src(%dma_wait3A_574 : memref<8x512xf32, #tpu.memory_space<hbm>>) dst(%dma_wait3A_571 : memref<8x512xf32, #tpu.memory_space<vmem>>)
      %add3A_575 = arith.constant 4 : i32
      %add3A_576 = arith.addi %add3A_513, %add3A_575 : i32
      %sub3A_577 = arith.constant 1 : i32
      %sub3A_578 = arith.subi %add3A_576, %sub3A_577 : i32
      %lt3A_579 = arith.constant 96 : i32
      %lt3A_580 = arith.cmpi slt, %sub3A_578, %lt3A_579 : i32
      %convert_element_type3A_581 = arith.extui %lt3A_580 : i1 to i32
      %cond3A_582 = arith.constant 0 : i32
      %cond3A_583 = arith.cmpi ne, %convert_element_type3A_581, %cond3A_582 : i32
      scf.if %cond3A_583 {
        %jit3A_1129 = arith.constant 2 : i32
        %div3A_1130 = arith.divsi %sub3A_578, %jit3A_1129 : i32
        %sign3A_1131 = arith.constant 0 : i32
        %sign3A_1132 = arith.cmpi sgt, %sub3A_578, %sign3A_1131 : i32
        %sign3A_1133 = arith.extui %sign3A_1132 : i1 to i32
        %sign3A_1134 = arith.constant 0 : i32
        %sign3A_1135 = arith.cmpi slt, %sub3A_578, %sign3A_1134 : i32
        %sign3A_1136 = arith.extui %sign3A_1135 : i1 to i32
        %sign3A_1137 = arith.subi %sign3A_1133, %sign3A_1136 : i32
        %sign3A_1138 = arith.constant 0 : i32
        %sign3A_1139 = arith.cmpi sgt, %jit3A_1129, %sign3A_1138 : i32
        %sign3A_1140 = arith.extui %sign3A_1139 : i1 to i32
        %sign3A_1141 = arith.constant 0 : i32
        %sign3A_1142 = arith.cmpi slt, %jit3A_1129, %sign3A_1141 : i32
        %sign3A_1143 = arith.extui %sign3A_1142 : i1 to i32
        %sign3A_1144 = arith.subi %sign3A_1140, %sign3A_1143 : i32
        %ne3A_1145 = arith.cmpi ne, %sign3A_1137, %sign3A_1144 : i32
        %rem3A_1146 = arith.remsi %sub3A_578, %jit3A_1129 : i32
        %ne3A_1147 = arith.constant 0 : i32
        %ne3A_1148 = arith.cmpi ne, %rem3A_1146, %ne3A_1147 : i32
        %and3A_1149 = arith.andi %ne3A_1145, %ne3A_1148 : i1
        %sub3A_1150 = arith.constant 1 : i32
        %sub3A_1151 = arith.subi %div3A_1130, %sub3A_1150 : i32
        %select_n3A_1152 = arith.select %and3A_1149, %sub3A_1151, %div3A_1130 : i32
        %mul3A_1153 = arith.constant 2 : i32
        %mul3A_1154 = arith.muli %add3A, %mul3A_1153 : i32
        %jit3A_1155 = arith.constant 2 : i32
        %eq3A_1156 = arith.constant 0 : i32
        %eq3A_1157 = arith.cmpi eq, %jit3A_1155, %eq3A_1156 : i32
        %jit3A_1158 = arith.constant 1 : i32
        %select_n3A_1159 = arith.select %eq3A_1157, %jit3A_1158, %jit3A_1155 : i32
        %rem3A_1160 = arith.remsi %sub3A_578, %select_n3A_1159 : i32
        %ne3A_1161 = arith.constant 0 : i32
        %ne3A_1162 = arith.cmpi ne, %rem3A_1160, %ne3A_1161 : i32
        %lt3A_1163 = arith.constant 0 : i32
        %lt3A_1164 = arith.cmpi slt, %rem3A_1160, %lt3A_1163 : i32
        %lt3A_1165 = arith.constant 0 : i32
        %lt3A_1166 = arith.cmpi slt, %select_n3A_1159, %lt3A_1165 : i32
        %ne3A_1167 = arith.xori %lt3A_1164, %lt3A_1166 : i1
        %and3A_1168 = arith.andi %ne3A_1167, %ne3A_1162 : i1
        %add3A_1169 = arith.addi %rem3A_1160, %select_n3A_1159 : i32
        %select_n3A_1170 = arith.select %and3A_1168, %add3A_1169, %rem3A_1160 : i32
        %add3A_1171 = arith.addi %mul3A_1154, %select_n3A_1170 : i32
        %mul3A_1172 = arith.constant 8 : i32
        %mul3A_1173 = arith.muli %add3A_1171, %mul3A_1172 : i32
        %multiple_of3A_1174 = tpu.assume_multiple %mul3A_1173, 8 : i32
        %dma_start3A_1175 = arith.constant 0 : i32
        %dma_start3A_1176 = arith.constant 0 : i32
        %dma_start3A_1177 = arith.constant 0 : i32
        %dma_start3A_1178 = tpu.memref_slice %arg10[%dma_start3A_1175, %dma_start3A_1176, %dma_start3A_1177] : memref<4x8x512xf32, #tpu.memory_space<vmem>> -> memref<1x8x512xf32, #tpu.memory_space<vmem>>
        %dma_start3A_1179 = tpu.memref_squeeze %dma_start3A_1178 : memref<1x8x512xf32, #tpu.memory_space<vmem>> -> memref<8x512xf32, #tpu.memory_space<vmem>>
        %dma_start3A_1180 = arith.constant 0 : i32
        %dma_start3A_1181 = tpu.memref_slice %arg2[%select_n3A_1152, %multiple_of3A_1174, %dma_start3A_1180] : memref<48x512x512xf32, #tpu.memory_space<hbm>> -> memref<1x8x512xf32, #tpu.memory_space<hbm>>
        %dma_start3A_1182 = tpu.memref_squeeze %dma_start3A_1181 : memref<1x8x512xf32, #tpu.memory_space<hbm>> -> memref<8x512xf32, #tpu.memory_space<hbm>>
        %dma_start3A_1183 = arith.constant 0 : i32
        %dma_start3A_1184 = arith.constant 0 : i32
        %dma_start3A_1185 = tpu.memref_slice %arg10[%dma_start3A_1175, %dma_start3A_1183, %dma_start3A_1184] : memref<4x8x512xf32, #tpu.memory_space<vmem>> -> memref<1x8x512xf32, #tpu.memory_space<vmem>>
        %dma_start3A_1186 = tpu.memref_squeeze %dma_start3A_1185 : memref<1x8x512xf32, #tpu.memory_space<vmem>> -> memref<8x512xf32, #tpu.memory_space<vmem>>
        %dma_start3A_1187 = arith.constant 0 : i32
        %dma_start3A_1188 = tpu.memref_slice %arg2[%select_n3A_1152, %multiple_of3A_1174, %dma_start3A_1187] : memref<48x512x512xf32, #tpu.memory_space<hbm>> -> memref<1x8x512xf32, #tpu.memory_space<hbm>>
        %dma_start3A_1189 = tpu.memref_squeeze %dma_start3A_1188 : memref<1x8x512xf32, #tpu.memory_space<hbm>> -> memref<8x512xf32, #tpu.memory_space<hbm>>
        tpu.enqueue_dma source(%dma_start3A_1189 : memref<8x512xf32, #tpu.memory_space<hbm>>) target(%dma_start3A_1186 : memref<8x512xf32, #tpu.memory_space<vmem>>) target_semaphore(%arg14 : memref<!tpu.dma_semaphore, #tpu.memory_space<semaphore_mem>>)
      } else {
      }
      %gt3A_584 = arith.constant 0 : i32
      %gt3A_585 = arith.cmpi sgt, %scan3A_317, %gt3A_584 : i32
      %convert_element_type3A_586 = arith.extui %gt3A_585 : i1 to i32
      %cond3A_587 = arith.constant 0 : i32
      %cond3A_588 = arith.cmpi ne, %convert_element_type3A_586, %cond3A_587 : i32
      scf.if %cond3A_588 {
        %sub3A_1129 = arith.constant 4 : i32
        %sub3A_1130 = arith.subi %add3A_513, %sub3A_1129 : i32
        %jit3A_1131 = arith.constant 2 : i32
        %div3A_1132 = arith.divsi %sub3A_1130, %jit3A_1131 : i32
        %sign3A_1133 = arith.constant 0 : i32
        %sign3A_1134 = arith.cmpi sgt, %sub3A_1130, %sign3A_1133 : i32
        %sign3A_1135 = arith.extui %sign3A_1134 : i1 to i32
        %sign3A_1136 = arith.constant 0 : i32
        %sign3A_1137 = arith.cmpi slt, %sub3A_1130, %sign3A_1136 : i32
        %sign3A_1138 = arith.extui %sign3A_1137 : i1 to i32
        %sign3A_1139 = arith.subi %sign3A_1135, %sign3A_1138 : i32
        %sign3A_1140 = arith.constant 0 : i32
        %sign3A_1141 = arith.cmpi sgt, %jit3A_1131, %sign3A_1140 : i32
        %sign3A_1142 = arith.extui %sign3A_1141 : i1 to i32
        %sign3A_1143 = arith.constant 0 : i32
        %sign3A_1144 = arith.cmpi slt, %jit3A_1131, %sign3A_1143 : i32
        %sign3A_1145 = arith.extui %sign3A_1144 : i1 to i32
        %sign3A_1146 = arith.subi %sign3A_1142, %sign3A_1145 : i32
        %ne3A_1147 = arith.cmpi ne, %sign3A_1139, %sign3A_1146 : i32
        %rem3A_1148 = arith.remsi %sub3A_1130, %jit3A_1131 : i32
        %ne3A_1149 = arith.constant 0 : i32
        %ne3A_1150 = arith.cmpi ne, %rem3A_1148, %ne3A_1149 : i32
        %and3A_1151 = arith.andi %ne3A_1147, %ne3A_1150 : i1
        %sub3A_1152 = arith.constant 1 : i32
        %sub3A_1153 = arith.subi %div3A_1132, %sub3A_1152 : i32
        %select_n3A_1154 = arith.select %and3A_1151, %sub3A_1153, %div3A_1132 : i32
        %mul3A_1155 = arith.constant 2 : i32
        %mul3A_1156 = arith.muli %add3A, %mul3A_1155 : i32
        %jit3A_1157 = arith.constant 2 : i32
        %eq3A_1158 = arith.constant 0 : i32
        %eq3A_1159 = arith.cmpi eq, %jit3A_1157, %eq3A_1158 : i32
        %jit3A_1160 = arith.constant 1 : i32
        %select_n3A_1161 = arith.select %eq3A_1159, %jit3A_1160, %jit3A_1157 : i32
        %rem3A_1162 = arith.remsi %sub3A_1130, %select_n3A_1161 : i32
        %ne3A_1163 = arith.constant 0 : i32
        %ne3A_1164 = arith.cmpi ne, %rem3A_1162, %ne3A_1163 : i32
        %lt3A_1165 = arith.constant 0 : i32
        %lt3A_1166 = arith.cmpi slt, %rem3A_1162, %lt3A_1165 : i32
        %lt3A_1167 = arith.constant 0 : i32
        %lt3A_1168 = arith.cmpi slt, %select_n3A_1161, %lt3A_1167 : i32
        %ne3A_1169 = arith.xori %lt3A_1166, %lt3A_1168 : i1
        %and3A_1170 = arith.andi %ne3A_1169, %ne3A_1164 : i1
        %add3A_1171 = arith.addi %rem3A_1162, %select_n3A_1161 : i32
        %select_n3A_1172 = arith.select %and3A_1170, %add3A_1171, %rem3A_1162 : i32
        %add3A_1173 = arith.addi %mul3A_1156, %select_n3A_1172 : i32
        %mul3A_1174 = arith.constant 8 : i32
        %mul3A_1175 = arith.muli %add3A_1173, %mul3A_1174 : i32
        %multiple_of3A_1176 = tpu.assume_multiple %mul3A_1175, 8 : i32
        %dma_wait3A_1177 = arith.constant 1 : i32
        %dma_wait3A_1178 = arith.constant 0 : i32
        %dma_wait3A_1179 = arith.constant 0 : i32
        %dma_wait3A_1180 = tpu.memref_slice %arg11[%dma_wait3A_1177, %dma_wait3A_1178, %dma_wait3A_1179] : memref<4x8x512xf32, #tpu.memory_space<vmem>> -> memref<1x8x512xf32, #tpu.memory_space<vmem>>
        %dma_wait3A_1181 = tpu.memref_squeeze %dma_wait3A_1180 : memref<1x8x512xf32, #tpu.memory_space<vmem>> -> memref<8x512xf32, #tpu.memory_space<vmem>>
        %dma_wait3A_1182 = arith.constant 0 : i32
        %dma_wait3A_1183 = tpu.memref_slice %arg4[%select_n3A_1154, %multiple_of3A_1176, %dma_wait3A_1182] : memref<48x512x512xf32, #tpu.memory_space<hbm>> -> memref<1x8x512xf32, #tpu.memory_space<hbm>>
        %dma_wait3A_1184 = tpu.memref_squeeze %dma_wait3A_1183 : memref<1x8x512xf32, #tpu.memory_space<hbm>> -> memref<8x512xf32, #tpu.memory_space<hbm>>
        %dma_wait3A_1185 = arith.constant 0 : i32
        %dma_wait3A_1186 = tpu.memref_slice %arg4[%select_n3A_1154, %multiple_of3A_1176, %dma_wait3A_1185] : memref<48x512x512xf32, #tpu.memory_space<hbm>> -> memref<1x8x512xf32, #tpu.memory_space<hbm>>
        %dma_wait3A_1187 = tpu.memref_squeeze %dma_wait3A_1186 : memref<1x8x512xf32, #tpu.memory_space<hbm>> -> memref<8x512xf32, #tpu.memory_space<hbm>>
        %dma_wait3A_1188 = arith.constant 0 : i32
        %dma_wait3A_1189 = arith.constant 0 : i32
        %dma_wait3A_1190 = tpu.memref_slice %arg11[%dma_wait3A_1177, %dma_wait3A_1188, %dma_wait3A_1189] : memref<4x8x512xf32, #tpu.memory_space<vmem>> -> memref<1x8x512xf32, #tpu.memory_space<vmem>>
        %dma_wait3A_1191 = tpu.memref_squeeze %dma_wait3A_1190 : memref<1x8x512xf32, #tpu.memory_space<vmem>> -> memref<8x512xf32, #tpu.memory_space<vmem>>
        tpu.wait_dma2 semaphore(%arg19 : memref<!tpu.dma_semaphore, #tpu.memory_space<semaphore_mem>>) src(%dma_wait3A_1191 : memref<8x512xf32, #tpu.memory_space<vmem>>) dst(%dma_wait3A_1187 : memref<8x512xf32, #tpu.memory_space<hbm>>)
        %dma_wait3A_1192 = arith.constant 1 : i32
        %dma_wait3A_1193 = arith.constant 0 : i32
        %dma_wait3A_1194 = arith.constant 0 : i32
        %dma_wait3A_1195 = tpu.memref_slice %arg12[%dma_wait3A_1192, %dma_wait3A_1193, %dma_wait3A_1194] : memref<4x8x512xf32, #tpu.memory_space<vmem>> -> memref<1x8x512xf32, #tpu.memory_space<vmem>>
        %dma_wait3A_1196 = tpu.memref_squeeze %dma_wait3A_1195 : memref<1x8x512xf32, #tpu.memory_space<vmem>> -> memref<8x512xf32, #tpu.memory_space<vmem>>
        %dma_wait3A_1197 = arith.constant 0 : i32
        %dma_wait3A_1198 = tpu.memref_slice %arg5[%select_n3A_1154, %multiple_of3A_1176, %dma_wait3A_1197] : memref<48x512x512xf32, #tpu.memory_space<hbm>> -> memref<1x8x512xf32, #tpu.memory_space<hbm>>
        %dma_wait3A_1199 = tpu.memref_squeeze %dma_wait3A_1198 : memref<1x8x512xf32, #tpu.memory_space<hbm>> -> memref<8x512xf32, #tpu.memory_space<hbm>>
        %dma_wait3A_1200 = arith.constant 0 : i32
        %dma_wait3A_1201 = tpu.memref_slice %arg5[%select_n3A_1154, %multiple_of3A_1176, %dma_wait3A_1200] : memref<48x512x512xf32, #tpu.memory_space<hbm>> -> memref<1x8x512xf32, #tpu.memory_space<hbm>>
        %dma_wait3A_1202 = tpu.memref_squeeze %dma_wait3A_1201 : memref<1x8x512xf32, #tpu.memory_space<hbm>> -> memref<8x512xf32, #tpu.memory_space<hbm>>
        %dma_wait3A_1203 = arith.constant 0 : i32
        %dma_wait3A_1204 = arith.constant 0 : i32
        %dma_wait3A_1205 = tpu.memref_slice %arg12[%dma_wait3A_1192, %dma_wait3A_1203, %dma_wait3A_1204] : memref<4x8x512xf32, #tpu.memory_space<vmem>> -> memref<1x8x512xf32, #tpu.memory_space<vmem>>
        %dma_wait3A_1206 = tpu.memref_squeeze %dma_wait3A_1205 : memref<1x8x512xf32, #tpu.memory_space<vmem>> -> memref<8x512xf32, #tpu.memory_space<vmem>>
        tpu.wait_dma2 semaphore(%arg19 : memref<!tpu.dma_semaphore, #tpu.memory_space<semaphore_mem>>) src(%dma_wait3A_1206 : memref<8x512xf32, #tpu.memory_space<vmem>>) dst(%dma_wait3A_1202 : memref<8x512xf32, #tpu.memory_space<hbm>>)
        %dma_wait3A_1207 = arith.constant 1 : i32
        %dma_wait3A_1208 = arith.constant 0 : i32
        %dma_wait3A_1209 = arith.constant 0 : i32
        %dma_wait3A_1210 = tpu.memref_slice %arg13[%dma_wait3A_1207, %dma_wait3A_1208, %dma_wait3A_1209] : memref<4x8x512xf32, #tpu.memory_space<vmem>> -> memref<1x8x512xf32, #tpu.memory_space<vmem>>
        %dma_wait3A_1211 = tpu.memref_squeeze %dma_wait3A_1210 : memref<1x8x512xf32, #tpu.memory_space<vmem>> -> memref<8x512xf32, #tpu.memory_space<vmem>>
        %dma_wait3A_1212 = arith.constant 0 : i32
        %dma_wait3A_1213 = tpu.memref_slice %arg6[%select_n3A_1154, %multiple_of3A_1176, %dma_wait3A_1212] : memref<48x512x512xf32, #tpu.memory_space<hbm>> -> memref<1x8x512xf32, #tpu.memory_space<hbm>>
        %dma_wait3A_1214 = tpu.memref_squeeze %dma_wait3A_1213 : memref<1x8x512xf32, #tpu.memory_space<hbm>> -> memref<8x512xf32, #tpu.memory_space<hbm>>
        %dma_wait3A_1215 = arith.constant 0 : i32
        %dma_wait3A_1216 = tpu.memref_slice %arg6[%select_n3A_1154, %multiple_of3A_1176, %dma_wait3A_1215] : memref<48x512x512xf32, #tpu.memory_space<hbm>> -> memref<1x8x512xf32, #tpu.memory_space<hbm>>
        %dma_wait3A_1217 = tpu.memref_squeeze %dma_wait3A_1216 : memref<1x8x512xf32, #tpu.memory_space<hbm>> -> memref<8x512xf32, #tpu.memory_space<hbm>>
        %dma_wait3A_1218 = arith.constant 0 : i32
        %dma_wait3A_1219 = arith.constant 0 : i32
        %dma_wait3A_1220 = tpu.memref_slice %arg13[%dma_wait3A_1207, %dma_wait3A_1218, %dma_wait3A_1219] : memref<4x8x512xf32, #tpu.memory_space<vmem>> -> memref<1x8x512xf32, #tpu.memory_space<vmem>>
        %dma_wait3A_1221 = tpu.memref_squeeze %dma_wait3A_1220 : memref<1x8x512xf32, #tpu.memory_space<vmem>> -> memref<8x512xf32, #tpu.memory_space<vmem>>
        tpu.wait_dma2 semaphore(%arg19 : memref<!tpu.dma_semaphore, #tpu.memory_space<semaphore_mem>>) src(%dma_wait3A_1221 : memref<8x512xf32, #tpu.memory_space<vmem>>) dst(%dma_wait3A_1217 : memref<8x512xf32, #tpu.memory_space<hbm>>)
      } else {
      }
      %jit3A_589 = arith.constant 2 : i32
      %div3A_590 = arith.divsi %add3A_513, %jit3A_589 : i32
      %sign3A_591 = arith.constant 0 : i32
      %sign3A_592 = arith.cmpi sgt, %add3A_513, %sign3A_591 : i32
      %sign3A_593 = arith.extui %sign3A_592 : i1 to i32
      %sign3A_594 = arith.constant 0 : i32
      %sign3A_595 = arith.cmpi slt, %add3A_513, %sign3A_594 : i32
      %sign3A_596 = arith.extui %sign3A_595 : i1 to i32
      %sign3A_597 = arith.subi %sign3A_593, %sign3A_596 : i32
      %sign3A_598 = arith.constant 0 : i32
      %sign3A_599 = arith.cmpi sgt, %jit3A_589, %sign3A_598 : i32
      %sign3A_600 = arith.extui %sign3A_599 : i1 to i32
      %sign3A_601 = arith.constant 0 : i32
      %sign3A_602 = arith.cmpi slt, %jit3A_589, %sign3A_601 : i32
      %sign3A_603 = arith.extui %sign3A_602 : i1 to i32
      %sign3A_604 = arith.subi %sign3A_600, %sign3A_603 : i32
      %ne3A_605 = arith.cmpi ne, %sign3A_597, %sign3A_604 : i32
      %rem3A_606 = arith.remsi %add3A_513, %jit3A_589 : i32
      %ne3A_607 = arith.constant 0 : i32
      %ne3A_608 = arith.cmpi ne, %rem3A_606, %ne3A_607 : i32
      %and3A_609 = arith.andi %ne3A_605, %ne3A_608 : i1
      %sub3A_610 = arith.constant 1 : i32
      %sub3A_611 = arith.subi %div3A_590, %sub3A_610 : i32
      %select_n3A_612 = arith.select %and3A_609, %sub3A_611, %div3A_590 : i32
      %mul3A_613 = arith.constant 256 : i32
      %mul3A_614 = arith.muli %select_n3A_612, %mul3A_613 : i32
      %convert_element_type3A_615 = arith.sitofp %mul3A_614 : i32 to f32
      %add3A_616 = arith.constant 0x4B000000 : f32
      %add3A_617 = arith.addf %convert_element_type3A_615, %add3A_616 : f32
      %broadcast_in_dim3A_618 = arith.constant 0.000000e+00 : f32
      %broadcast_in_dim3A_619 = vector.broadcast %broadcast_in_dim3A_618 : f32 to vector<16xf32>
      %add3A_620 = vector.broadcast %add3A_617 : f32 to vector<16xf32>
      %add3A_621 = arith.addf %broadcast_in_dim3A_619, %add3A_620 : vector<16xf32>
      %parallel_loop3A_622 = arith.constant 0 : i32
      %parallel_loop3A_623 = arith.constant 256 : i32
      %parallel_loop3A_624 = arith.constant 1 : i32
      scf.for %parallel_loop3A_1129 = %parallel_loop3A_622 to %parallel_loop3A_623 step %parallel_loop3A_624  : i32 {
        %parallel_loop3A_1130 = arith.constant 32 : i32
        %parallel_loop3A_1131 = arith.divsi %parallel_loop3A_1129, %parallel_loop3A_1130 : i32
        %parallel_loop3A_1132 = arith.constant 0 : i32
        %parallel_loop3A_1133 = arith.cmpi sgt, %parallel_loop3A_1129, %parallel_loop3A_1132 : i32
        %parallel_loop3A_1134 = arith.extui %parallel_loop3A_1133 : i1 to i32
        %parallel_loop3A_1135 = arith.constant 0 : i32
        %parallel_loop3A_1136 = arith.cmpi slt, %parallel_loop3A_1129, %parallel_loop3A_1135 : i32
        %parallel_loop3A_1137 = arith.extui %parallel_loop3A_1136 : i1 to i32
        %parallel_loop3A_1138 = arith.subi %parallel_loop3A_1134, %parallel_loop3A_1137 : i32
        %parallel_loop3A_1139 = arith.constant 0 : i32
        %parallel_loop3A_1140 = arith.cmpi sgt, %parallel_loop3A_1130, %parallel_loop3A_1139 : i32
        %parallel_loop3A_1141 = arith.extui %parallel_loop3A_1140 : i1 to i32
        %parallel_loop3A_1142 = arith.constant 0 : i32
        %parallel_loop3A_1143 = arith.cmpi slt, %parallel_loop3A_1130, %parallel_loop3A_1142 : i32
        %parallel_loop3A_1144 = arith.extui %parallel_loop3A_1143 : i1 to i32
        %parallel_loop3A_1145 = arith.subi %parallel_loop3A_1141, %parallel_loop3A_1144 : i32
        %parallel_loop3A_1146 = arith.cmpi ne, %parallel_loop3A_1138, %parallel_loop3A_1145 : i32
        %parallel_loop3A_1147 = arith.remsi %parallel_loop3A_1129, %parallel_loop3A_1130 : i32
        %parallel_loop3A_1148 = arith.constant 0 : i32
        %parallel_loop3A_1149 = arith.cmpi ne, %parallel_loop3A_1147, %parallel_loop3A_1148 : i32
        %parallel_loop3A_1150 = arith.andi %parallel_loop3A_1146, %parallel_loop3A_1149 : i1
        %parallel_loop3A_1151 = arith.constant 1 : i32
        %parallel_loop3A_1152 = arith.subi %parallel_loop3A_1131, %parallel_loop3A_1151 : i32
        %parallel_loop3A_1153 = arith.select %parallel_loop3A_1150, %parallel_loop3A_1152, %parallel_loop3A_1131 : i32
        %parallel_loop3A_1154 = arith.constant 32 : i32
        %parallel_loop3A_1155 = arith.constant 0 : i32
        %parallel_loop3A_1156 = arith.cmpi eq, %parallel_loop3A_1154, %parallel_loop3A_1155 : i32
        %parallel_loop3A_1157 = arith.constant 1 : i32
        %parallel_loop3A_1158 = arith.select %parallel_loop3A_1156, %parallel_loop3A_1157, %parallel_loop3A_1154 : i32
        %parallel_loop3A_1159 = arith.remsi %parallel_loop3A_1129, %parallel_loop3A_1158 : i32
        %parallel_loop3A_1160 = arith.constant 0 : i32
        %parallel_loop3A_1161 = arith.cmpi ne, %parallel_loop3A_1159, %parallel_loop3A_1160 : i32
        %parallel_loop3A_1162 = arith.constant 0 : i32
        %parallel_loop3A_1163 = arith.cmpi slt, %parallel_loop3A_1159, %parallel_loop3A_1162 : i32
        %parallel_loop3A_1164 = arith.constant 0 : i32
        %parallel_loop3A_1165 = arith.cmpi slt, %parallel_loop3A_1158, %parallel_loop3A_1164 : i32
        %parallel_loop3A_1166 = arith.xori %parallel_loop3A_1163, %parallel_loop3A_1165 : i1
        %parallel_loop3A_1167 = arith.andi %parallel_loop3A_1166, %parallel_loop3A_1161 : i1
        %parallel_loop3A_1168 = arith.addi %parallel_loop3A_1159, %parallel_loop3A_1158 : i32
        %parallel_loop3A_1169 = arith.select %parallel_loop3A_1167, %parallel_loop3A_1168, %parallel_loop3A_1159 : i32
        %parallel_loop3A_1170 = arith.constant 16 : i32
        %parallel_loop3A_1171 = arith.muli %parallel_loop3A_1169, %parallel_loop3A_1170 : i32
        %parallel_loop3A_1172 = arith.constant 1 : i32
        %parallel_loop3A_1173 = arith.index_cast %parallel_loop3A_1172 : i32 to index
        %parallel_loop3A_1174 = arith.index_cast %parallel_loop3A_1153 : i32 to index
        %parallel_loop3A_1175 = arith.index_cast %parallel_loop3A_1171 : i32 to index
        %parallel_loop3A_1176 = tpu.vector_load %arg10[%parallel_loop3A_1173, %parallel_loop3A_1174, %parallel_loop3A_1175] {strides = array<i32>} : memref<4x8x512xf32, #tpu.memory_space<vmem>>, vector<16xf32>,
        %parallel_loop3A_1177 = arith.constant 2.550000e+02 : f32
        %parallel_loop3A_1178 = vector.broadcast %parallel_loop3A_1177 : f32 to vector<16xf32>
        %parallel_loop3A_1179 = arith.mulf %parallel_loop3A_1176, %parallel_loop3A_1178 : vector<16xf32>
        %parallel_loop3A_1180 = arith.addf %parallel_loop3A_1179, %add3A_621 : vector<16xf32>
        %parallel_loop3A_1181 = tpu.bitcast %parallel_loop3A_1180 : vector<16xf32> -> vector<16xi32>
        %parallel_loop3A_1182 = arith.constant 16383 : i32
        %parallel_loop3A_1183 = vector.broadcast %parallel_loop3A_1182 : i32 to vector<16xi32>
        %parallel_loop3A_1184 = arith.andi %parallel_loop3A_1181, %parallel_loop3A_1183 : vector<16xi32>
        %parallel_loop3A_1185 = tpu.vector_load_idx %arg7[%parallel_loop3A_1184] : memref<12288xf32, #tpu.memory_space<vmem>>[vector<16xi32>], vector<16xf32>,
        %parallel_loop3A_1186 = arith.constant 1 : i32
        %parallel_loop3A_1187 = arith.index_cast %parallel_loop3A_1186 : i32 to index
        %parallel_loop3A_1188 = arith.index_cast %parallel_loop3A_1153 : i32 to index
        %parallel_loop3A_1189 = arith.index_cast %parallel_loop3A_1171 : i32 to index
        %parallel_loop3A_1190 = tpu.vector_load %arg11[%parallel_loop3A_1187, %parallel_loop3A_1188, %parallel_loop3A_1189] {strides = array<i32>} : memref<4x8x512xf32, #tpu.memory_space<vmem>>, vector<16xf32>,
        tpu.vector_store %arg11[%parallel_loop3A_1187, %parallel_loop3A_1188, %parallel_loop3A_1189], %parallel_loop3A_1185 {strides = array<i32>} : memref<4x8x512xf32, #tpu.memory_space<vmem>>, vector<16xf32>,
        %parallel_loop3A_1191 = tpu.vector_load_idx %arg8[%parallel_loop3A_1184] : memref<12288xf32, #tpu.memory_space<vmem>>[vector<16xi32>], vector<16xf32>,
        %parallel_loop3A_1192 = arith.constant 1 : i32
        %parallel_loop3A_1193 = arith.index_cast %parallel_loop3A_1192 : i32 to index
        %parallel_loop3A_1194 = arith.index_cast %parallel_loop3A_1153 : i32 to index
        %parallel_loop3A_1195 = arith.index_cast %parallel_loop3A_1171 : i32 to index
        %parallel_loop3A_1196 = tpu.vector_load %arg12[%parallel_loop3A_1193, %parallel_loop3A_1194, %parallel_loop3A_1195] {strides = array<i32>} : memref<4x8x512xf32, #tpu.memory_space<vmem>>, vector<16xf32>,
        tpu.vector_store %arg12[%parallel_loop3A_1193, %parallel_loop3A_1194, %parallel_loop3A_1195], %parallel_loop3A_1191 {strides = array<i32>} : memref<4x8x512xf32, #tpu.memory_space<vmem>>, vector<16xf32>,
        %parallel_loop3A_1197 = tpu.vector_load_idx %arg9[%parallel_loop3A_1184] : memref<12288xf32, #tpu.memory_space<vmem>>[vector<16xi32>], vector<16xf32>,
        %parallel_loop3A_1198 = arith.constant 1 : i32
        %parallel_loop3A_1199 = arith.index_cast %parallel_loop3A_1198 : i32 to index
        %parallel_loop3A_1200 = arith.index_cast %parallel_loop3A_1153 : i32 to index
        %parallel_loop3A_1201 = arith.index_cast %parallel_loop3A_1171 : i32 to index
        %parallel_loop3A_1202 = tpu.vector_load %arg13[%parallel_loop3A_1199, %parallel_loop3A_1200, %parallel_loop3A_1201] {strides = array<i32>} : memref<4x8x512xf32, #tpu.memory_space<vmem>>, vector<16xf32>,
        tpu.vector_store %arg13[%parallel_loop3A_1199, %parallel_loop3A_1200, %parallel_loop3A_1201], %parallel_loop3A_1197 {strides = array<i32>} : memref<4x8x512xf32, #tpu.memory_space<vmem>>, vector<16xf32>,
      } {sc.loop_unroll_factor = 8 : i64, sc.parallel_access}
      %jit3A_625 = arith.constant 2 : i32
      %div3A_626 = arith.divsi %add3A_513, %jit3A_625 : i32
      %sign3A_627 = arith.constant 0 : i32
      %sign3A_628 = arith.cmpi sgt, %add3A_513, %sign3A_627 : i32
      %sign3A_629 = arith.extui %sign3A_628 : i1 to i32
      %sign3A_630 = arith.constant 0 : i32
      %sign3A_631 = arith.cmpi slt, %add3A_513, %sign3A_630 : i32
      %sign3A_632 = arith.extui %sign3A_631 : i1 to i32
      %sign3A_633 = arith.subi %sign3A_629, %sign3A_632 : i32
      %sign3A_634 = arith.constant 0 : i32
      %sign3A_635 = arith.cmpi sgt, %jit3A_625, %sign3A_634 : i32
      %sign3A_636 = arith.extui %sign3A_635 : i1 to i32
      %sign3A_637 = arith.constant 0 : i32
      %sign3A_638 = arith.cmpi slt, %jit3A_625, %sign3A_637 : i32
      %sign3A_639 = arith.extui %sign3A_638 : i1 to i32
      %sign3A_640 = arith.subi %sign3A_636, %sign3A_639 : i32
      %ne3A_641 = arith.cmpi ne, %sign3A_633, %sign3A_640 : i32
      %rem3A_642 = arith.remsi %add3A_513, %jit3A_625 : i32
      %ne3A_643 = arith.constant 0 : i32
      %ne3A_644 = arith.cmpi ne, %rem3A_642, %ne3A_643 : i32
      %and3A_645 = arith.andi %ne3A_641, %ne3A_644 : i1
      %sub3A_646 = arith.constant 1 : i32
      %sub3A_647 = arith.subi %div3A_626, %sub3A_646 : i32
      %select_n3A_648 = arith.select %and3A_645, %sub3A_647, %div3A_626 : i32
      %mul3A_649 = arith.constant 2 : i32
      %mul3A_650 = arith.muli %add3A, %mul3A_649 : i32
      %jit3A_651 = arith.constant 2 : i32
      %eq3A_652 = arith.constant 0 : i32
      %eq3A_653 = arith.cmpi eq, %jit3A_651, %eq3A_652 : i32
      %jit3A_654 = arith.constant 1 : i32
      %select_n3A_655 = arith.select %eq3A_653, %jit3A_654, %jit3A_651 : i32
      %rem3A_656 = arith.remsi %add3A_513, %select_n3A_655 : i32
      %ne3A_657 = arith.constant 0 : i32
      %ne3A_658 = arith.cmpi ne, %rem3A_656, %ne3A_657 : i32
      %lt3A_659 = arith.constant 0 : i32
      %lt3A_660 = arith.cmpi slt, %rem3A_656, %lt3A_659 : i32
      %lt3A_661 = arith.constant 0 : i32
      %lt3A_662 = arith.cmpi slt, %select_n3A_655, %lt3A_661 : i32
      %ne3A_663 = arith.xori %lt3A_660, %lt3A_662 : i1
      %and3A_664 = arith.andi %ne3A_663, %ne3A_658 : i1
      %add3A_665 = arith.addi %rem3A_656, %select_n3A_655 : i32
      %select_n3A_666 = arith.select %and3A_664, %add3A_665, %rem3A_656 : i32
      %add3A_667 = arith.addi %mul3A_650, %select_n3A_666 : i32
      %mul3A_668 = arith.constant 8 : i32
      %mul3A_669 = arith.muli %add3A_667, %mul3A_668 : i32
      %multiple_of3A_670 = tpu.assume_multiple %mul3A_669, 8 : i32
      %dma_start3A_671 = arith.constant 1 : i32
      %dma_start3A_672 = arith.constant 0 : i32
      %dma_start3A_673 = arith.constant 0 : i32
      %dma_start3A_674 = tpu.memref_slice %arg11[%dma_start3A_671, %dma_start3A_672, %dma_start3A_673] : memref<4x8x512xf32, #tpu.memory_space<vmem>> -> memref<1x8x512xf32, #tpu.memory_space<vmem>>
      %dma_start3A_675 = tpu.memref_squeeze %dma_start3A_674 : memref<1x8x512xf32, #tpu.memory_space<vmem>> -> memref<8x512xf32, #tpu.memory_space<vmem>>
      %dma_start3A_676 = arith.constant 0 : i32
      %dma_start3A_677 = tpu.memref_slice %arg4[%select_n3A_648, %multiple_of3A_670, %dma_start3A_676] : memref<48x512x512xf32, #tpu.memory_space<hbm>> -> memref<1x8x512xf32, #tpu.memory_space<hbm>>
      %dma_start3A_678 = tpu.memref_squeeze %dma_start3A_677 : memref<1x8x512xf32, #tpu.memory_space<hbm>> -> memref<8x512xf32, #tpu.memory_space<hbm>>
      %dma_start3A_679 = arith.constant 0 : i32
      %dma_start3A_680 = tpu.memref_slice %arg4[%select_n3A_648, %multiple_of3A_670, %dma_start3A_679] : memref<48x512x512xf32, #tpu.memory_space<hbm>> -> memref<1x8x512xf32, #tpu.memory_space<hbm>>
      %dma_start3A_681 = tpu.memref_squeeze %dma_start3A_680 : memref<1x8x512xf32, #tpu.memory_space<hbm>> -> memref<8x512xf32, #tpu.memory_space<hbm>>
      %dma_start3A_682 = arith.constant 0 : i32
      %dma_start3A_683 = arith.constant 0 : i32
      %dma_start3A_684 = tpu.memref_slice %arg11[%dma_start3A_671, %dma_start3A_682, %dma_start3A_683] : memref<4x8x512xf32, #tpu.memory_space<vmem>> -> memref<1x8x512xf32, #tpu.memory_space<vmem>>
      %dma_start3A_685 = tpu.memref_squeeze %dma_start3A_684 : memref<1x8x512xf32, #tpu.memory_space<vmem>> -> memref<8x512xf32, #tpu.memory_space<vmem>>
      tpu.enqueue_dma source(%dma_start3A_685 : memref<8x512xf32, #tpu.memory_space<vmem>>) target(%dma_start3A_681 : memref<8x512xf32, #tpu.memory_space<hbm>>) target_semaphore(%arg19 : memref<!tpu.dma_semaphore, #tpu.memory_space<semaphore_mem>>)
      %dma_start3A_686 = arith.constant 1 : i32
      %dma_start3A_687 = arith.constant 0 : i32
      %dma_start3A_688 = arith.constant 0 : i32
      %dma_start3A_689 = tpu.memref_slice %arg12[%dma_start3A_686, %dma_start3A_687, %dma_start3A_688] : memref<4x8x512xf32, #tpu.memory_space<vmem>> -> memref<1x8x512xf32, #tpu.memory_space<vmem>>
      %dma_start3A_690 = tpu.memref_squeeze %dma_start3A_689 : memref<1x8x512xf32, #tpu.memory_space<vmem>> -> memref<8x512xf32, #tpu.memory_space<vmem>>
      %dma_start3A_691 = arith.constant 0 : i32
      %dma_start3A_692 = tpu.memref_slice %arg5[%select_n3A_648, %multiple_of3A_670, %dma_start3A_691] : memref<48x512x512xf32, #tpu.memory_space<hbm>> -> memref<1x8x512xf32, #tpu.memory_space<hbm>>
      %dma_start3A_693 = tpu.memref_squeeze %dma_start3A_692 : memref<1x8x512xf32, #tpu.memory_space<hbm>> -> memref<8x512xf32, #tpu.memory_space<hbm>>
      %dma_start3A_694 = arith.constant 0 : i32
      %dma_start3A_695 = tpu.memref_slice %arg5[%select_n3A_648, %multiple_of3A_670, %dma_start3A_694] : memref<48x512x512xf32, #tpu.memory_space<hbm>> -> memref<1x8x512xf32, #tpu.memory_space<hbm>>
      %dma_start3A_696 = tpu.memref_squeeze %dma_start3A_695 : memref<1x8x512xf32, #tpu.memory_space<hbm>> -> memref<8x512xf32, #tpu.memory_space<hbm>>
      %dma_start3A_697 = arith.constant 0 : i32
      %dma_start3A_698 = arith.constant 0 : i32
      %dma_start3A_699 = tpu.memref_slice %arg12[%dma_start3A_686, %dma_start3A_697, %dma_start3A_698] : memref<4x8x512xf32, #tpu.memory_space<vmem>> -> memref<1x8x512xf32, #tpu.memory_space<vmem>>
      %dma_start3A_700 = tpu.memref_squeeze %dma_start3A_699 : memref<1x8x512xf32, #tpu.memory_space<vmem>> -> memref<8x512xf32, #tpu.memory_space<vmem>>
      tpu.enqueue_dma source(%dma_start3A_700 : memref<8x512xf32, #tpu.memory_space<vmem>>) target(%dma_start3A_696 : memref<8x512xf32, #tpu.memory_space<hbm>>) target_semaphore(%arg19 : memref<!tpu.dma_semaphore, #tpu.memory_space<semaphore_mem>>)
      %dma_start3A_701 = arith.constant 1 : i32
      %dma_start3A_702 = arith.constant 0 : i32
      %dma_start3A_703 = arith.constant 0 : i32
      %dma_start3A_704 = tpu.memref_slice %arg13[%dma_start3A_701, %dma_start3A_702, %dma_start3A_703] : memref<4x8x512xf32, #tpu.memory_space<vmem>> -> memref<1x8x512xf32, #tpu.memory_space<vmem>>
      %dma_start3A_705 = tpu.memref_squeeze %dma_start3A_704 : memref<1x8x512xf32, #tpu.memory_space<vmem>> -> memref<8x512xf32, #tpu.memory_space<vmem>>
      %dma_start3A_706 = arith.constant 0 : i32
      %dma_start3A_707 = tpu.memref_slice %arg6[%select_n3A_648, %multiple_of3A_670, %dma_start3A_706] : memref<48x512x512xf32, #tpu.memory_space<hbm>> -> memref<1x8x512xf32, #tpu.memory_space<hbm>>
      %dma_start3A_708 = tpu.memref_squeeze %dma_start3A_707 : memref<1x8x512xf32, #tpu.memory_space<hbm>> -> memref<8x512xf32, #tpu.memory_space<hbm>>
      %dma_start3A_709 = arith.constant 0 : i32
      %dma_start3A_710 = tpu.memref_slice %arg6[%select_n3A_648, %multiple_of3A_670, %dma_start3A_709] : memref<48x512x512xf32, #tpu.memory_space<hbm>> -> memref<1x8x512xf32, #tpu.memory_space<hbm>>
      %dma_start3A_711 = tpu.memref_squeeze %dma_start3A_710 : memref<1x8x512xf32, #tpu.memory_space<hbm>> -> memref<8x512xf32, #tpu.memory_space<hbm>>
      %dma_start3A_712 = arith.constant 0 : i32
      %dma_start3A_713 = arith.constant 0 : i32
      %dma_start3A_714 = tpu.memref_slice %arg13[%dma_start3A_701, %dma_start3A_712, %dma_start3A_713] : memref<4x8x512xf32, #tpu.memory_space<vmem>> -> memref<1x8x512xf32, #tpu.memory_space<vmem>>
      %dma_start3A_715 = tpu.memref_squeeze %dma_start3A_714 : memref<1x8x512xf32, #tpu.memory_space<vmem>> -> memref<8x512xf32, #tpu.memory_space<vmem>>
      tpu.enqueue_dma source(%dma_start3A_715 : memref<8x512xf32, #tpu.memory_space<vmem>>) target(%dma_start3A_711 : memref<8x512xf32, #tpu.memory_space<hbm>>) target_semaphore(%arg19 : memref<!tpu.dma_semaphore, #tpu.memory_space<semaphore_mem>>)
      %mul3A_716 = arith.constant 4 : i32
      %mul3A_717 = arith.muli %mul3A_716, %scan3A_317 : i32
      %add3A_718 = arith.constant 2 : i32
      %add3A_719 = arith.addi %mul3A_717, %add3A_718 : i32
      %jit3A_720 = arith.constant 2 : i32
      %div3A_721 = arith.divsi %add3A_719, %jit3A_720 : i32
      %sign3A_722 = arith.constant 0 : i32
      %sign3A_723 = arith.cmpi sgt, %add3A_719, %sign3A_722 : i32
      %sign3A_724 = arith.extui %sign3A_723 : i1 to i32
      %sign3A_725 = arith.constant 0 : i32
      %sign3A_726 = arith.cmpi slt, %add3A_719, %sign3A_725 : i32
      %sign3A_727 = arith.extui %sign3A_726 : i1 to i32
      %sign3A_728 = arith.subi %sign3A_724, %sign3A_727 : i32
      %sign3A_729 = arith.constant 0 : i32
      %sign3A_730 = arith.cmpi sgt, %jit3A_720, %sign3A_729 : i32
      %sign3A_731 = arith.extui %sign3A_730 : i1 to i32
      %sign3A_732 = arith.constant 0 : i32
      %sign3A_733 = arith.cmpi slt, %jit3A_720, %sign3A_732 : i32
      %sign3A_734 = arith.extui %sign3A_733 : i1 to i32
      %sign3A_735 = arith.subi %sign3A_731, %sign3A_734 : i32
      %ne3A_736 = arith.cmpi ne, %sign3A_728, %sign3A_735 : i32
      %rem3A_737 = arith.remsi %add3A_719, %jit3A_720 : i32
      %ne3A_738 = arith.constant 0 : i32
      %ne3A_739 = arith.cmpi ne, %rem3A_737, %ne3A_738 : i32
      %and3A_740 = arith.andi %ne3A_736, %ne3A_739 : i1
      %sub3A_741 = arith.constant 1 : i32
      %sub3A_742 = arith.subi %div3A_721, %sub3A_741 : i32
      %select_n3A_743 = arith.select %and3A_740, %sub3A_742, %div3A_721 : i32
      %mul3A_744 = arith.constant 2 : i32
      %mul3A_745 = arith.muli %add3A, %mul3A_744 : i32
      %jit3A_746 = arith.constant 2 : i32
      %eq3A_747 = arith.constant 0 : i32
      %eq3A_748 = arith.cmpi eq, %jit3A_746, %eq3A_747 : i32
      %jit3A_749 = arith.constant 1 : i32
      %select_n3A_750 = arith.select %eq3A_748, %jit3A_749, %jit3A_746 : i32
      %rem3A_751 = arith.remsi %add3A_719, %select_n3A_750 : i32
      %ne3A_752 = arith.constant 0 : i32
      %ne3A_753 = arith.cmpi ne, %rem3A_751, %ne3A_752 : i32
      %lt3A_754 = arith.constant 0 : i32
      %lt3A_755 = arith.cmpi slt, %rem3A_751, %lt3A_754 : i32
      %lt3A_756 = arith.constant 0 : i32
      %lt3A_757 = arith.cmpi slt, %select_n3A_750, %lt3A_756 : i32
      %ne3A_758 = arith.xori %lt3A_755, %lt3A_757 : i1
      %and3A_759 = arith.andi %ne3A_758, %ne3A_753 : i1
      %add3A_760 = arith.addi %rem3A_751, %select_n3A_750 : i32
      %select_n3A_761 = arith.select %and3A_759, %add3A_760, %rem3A_751 : i32
      %add3A_762 = arith.addi %mul3A_745, %select_n3A_761 : i32
      %mul3A_763 = arith.constant 8 : i32
      %mul3A_764 = arith.muli %add3A_762, %mul3A_763 : i32
      %multiple_of3A_765 = tpu.assume_multiple %mul3A_764, 8 : i32
      %dma_wait3A_766 = arith.constant 2 : i32
      %dma_wait3A_767 = arith.constant 0 : i32
      %dma_wait3A_768 = arith.constant 0 : i32
      %dma_wait3A_769 = tpu.memref_slice %arg10[%dma_wait3A_766, %dma_wait3A_767, %dma_wait3A_768] : memref<4x8x512xf32, #tpu.memory_space<vmem>> -> memref<1x8x512xf32, #tpu.memory_space<vmem>>
      %dma_wait3A_770 = tpu.memref_squeeze %dma_wait3A_769 : memref<1x8x512xf32, #tpu.memory_space<vmem>> -> memref<8x512xf32, #tpu.memory_space<vmem>>
      %dma_wait3A_771 = arith.constant 0 : i32
      %dma_wait3A_772 = tpu.memref_slice %arg2[%select_n3A_743, %multiple_of3A_765, %dma_wait3A_771] : memref<48x512x512xf32, #tpu.memory_space<hbm>> -> memref<1x8x512xf32, #tpu.memory_space<hbm>>
      %dma_wait3A_773 = tpu.memref_squeeze %dma_wait3A_772 : memref<1x8x512xf32, #tpu.memory_space<hbm>> -> memref<8x512xf32, #tpu.memory_space<hbm>>
      %dma_wait3A_774 = arith.constant 0 : i32
      %dma_wait3A_775 = arith.constant 0 : i32
      %dma_wait3A_776 = tpu.memref_slice %arg10[%dma_wait3A_766, %dma_wait3A_774, %dma_wait3A_775] : memref<4x8x512xf32, #tpu.memory_space<vmem>> -> memref<1x8x512xf32, #tpu.memory_space<vmem>>
      %dma_wait3A_777 = tpu.memref_squeeze %dma_wait3A_776 : memref<1x8x512xf32, #tpu.memory_space<vmem>> -> memref<8x512xf32, #tpu.memory_space<vmem>>
      %dma_wait3A_778 = arith.constant 0 : i32
      %dma_wait3A_779 = tpu.memref_slice %arg2[%select_n3A_743, %multiple_of3A_765, %dma_wait3A_778] : memref<48x512x512xf32, #tpu.memory_space<hbm>> -> memref<1x8x512xf32, #tpu.memory_space<hbm>>
      %dma_wait3A_780 = tpu.memref_squeeze %dma_wait3A_779 : memref<1x8x512xf32, #tpu.memory_space<hbm>> -> memref<8x512xf32, #tpu.memory_space<hbm>>
      tpu.wait_dma2 semaphore(%arg16 : memref<!tpu.dma_semaphore, #tpu.memory_space<semaphore_mem>>) src(%dma_wait3A_780 : memref<8x512xf32, #tpu.memory_space<hbm>>) dst(%dma_wait3A_777 : memref<8x512xf32, #tpu.memory_space<vmem>>)
      %add3A_781 = arith.constant 4 : i32
      %add3A_782 = arith.addi %add3A_719, %add3A_781 : i32
      %sub3A_783 = arith.constant 1 : i32
      %sub3A_784 = arith.subi %add3A_782, %sub3A_783 : i32
      %lt3A_785 = arith.constant 96 : i32
      %lt3A_786 = arith.cmpi slt, %sub3A_784, %lt3A_785 : i32
      %convert_element_type3A_787 = arith.extui %lt3A_786 : i1 to i32
      %cond3A_788 = arith.constant 0 : i32
      %cond3A_789 = arith.cmpi ne, %convert_element_type3A_787, %cond3A_788 : i32
      scf.if %cond3A_789 {
        %jit3A_1129 = arith.constant 2 : i32
        %div3A_1130 = arith.divsi %sub3A_784, %jit3A_1129 : i32
        %sign3A_1131 = arith.constant 0 : i32
        %sign3A_1132 = arith.cmpi sgt, %sub3A_784, %sign3A_1131 : i32
        %sign3A_1133 = arith.extui %sign3A_1132 : i1 to i32
        %sign3A_1134 = arith.constant 0 : i32
        %sign3A_1135 = arith.cmpi slt, %sub3A_784, %sign3A_1134 : i32
        %sign3A_1136 = arith.extui %sign3A_1135 : i1 to i32
        %sign3A_1137 = arith.subi %sign3A_1133, %sign3A_1136 : i32
        %sign3A_1138 = arith.constant 0 : i32
        %sign3A_1139 = arith.cmpi sgt, %jit3A_1129, %sign3A_1138 : i32
        %sign3A_1140 = arith.extui %sign3A_1139 : i1 to i32
        %sign3A_1141 = arith.constant 0 : i32
        %sign3A_1142 = arith.cmpi slt, %jit3A_1129, %sign3A_1141 : i32
        %sign3A_1143 = arith.extui %sign3A_1142 : i1 to i32
        %sign3A_1144 = arith.subi %sign3A_1140, %sign3A_1143 : i32
        %ne3A_1145 = arith.cmpi ne, %sign3A_1137, %sign3A_1144 : i32
        %rem3A_1146 = arith.remsi %sub3A_784, %jit3A_1129 : i32
        %ne3A_1147 = arith.constant 0 : i32
        %ne3A_1148 = arith.cmpi ne, %rem3A_1146, %ne3A_1147 : i32
        %and3A_1149 = arith.andi %ne3A_1145, %ne3A_1148 : i1
        %sub3A_1150 = arith.constant 1 : i32
        %sub3A_1151 = arith.subi %div3A_1130, %sub3A_1150 : i32
        %select_n3A_1152 = arith.select %and3A_1149, %sub3A_1151, %div3A_1130 : i32
        %mul3A_1153 = arith.constant 2 : i32
        %mul3A_1154 = arith.muli %add3A, %mul3A_1153 : i32
        %jit3A_1155 = arith.constant 2 : i32
        %eq3A_1156 = arith.constant 0 : i32
        %eq3A_1157 = arith.cmpi eq, %jit3A_1155, %eq3A_1156 : i32
        %jit3A_1158 = arith.constant 1 : i32
        %select_n3A_1159 = arith.select %eq3A_1157, %jit3A_1158, %jit3A_1155 : i32
        %rem3A_1160 = arith.remsi %sub3A_784, %select_n3A_1159 : i32
        %ne3A_1161 = arith.constant 0 : i32
        %ne3A_1162 = arith.cmpi ne, %rem3A_1160, %ne3A_1161 : i32
        %lt3A_1163 = arith.constant 0 : i32
        %lt3A_1164 = arith.cmpi slt, %rem3A_1160, %lt3A_1163 : i32
        %lt3A_1165 = arith.constant 0 : i32
        %lt3A_1166 = arith.cmpi slt, %select_n3A_1159, %lt3A_1165 : i32
        %ne3A_1167 = arith.xori %lt3A_1164, %lt3A_1166 : i1
        %and3A_1168 = arith.andi %ne3A_1167, %ne3A_1162 : i1
        %add3A_1169 = arith.addi %rem3A_1160, %select_n3A_1159 : i32
        %select_n3A_1170 = arith.select %and3A_1168, %add3A_1169, %rem3A_1160 : i32
        %add3A_1171 = arith.addi %mul3A_1154, %select_n3A_1170 : i32
        %mul3A_1172 = arith.constant 8 : i32
        %mul3A_1173 = arith.muli %add3A_1171, %mul3A_1172 : i32
        %multiple_of3A_1174 = tpu.assume_multiple %mul3A_1173, 8 : i32
        %dma_start3A_1175 = arith.constant 1 : i32
        %dma_start3A_1176 = arith.constant 0 : i32
        %dma_start3A_1177 = arith.constant 0 : i32
        %dma_start3A_1178 = tpu.memref_slice %arg10[%dma_start3A_1175, %dma_start3A_1176, %dma_start3A_1177] : memref<4x8x512xf32, #tpu.memory_space<vmem>> -> memref<1x8x512xf32, #tpu.memory_space<vmem>>
        %dma_start3A_1179 = tpu.memref_squeeze %dma_start3A_1178 : memref<1x8x512xf32, #tpu.memory_space<vmem>> -> memref<8x512xf32, #tpu.memory_space<vmem>>
        %dma_start3A_1180 = arith.constant 0 : i32
        %dma_start3A_1181 = tpu.memref_slice %arg2[%select_n3A_1152, %multiple_of3A_1174, %dma_start3A_1180] : memref<48x512x512xf32, #tpu.memory_space<hbm>> -> memref<1x8x512xf32, #tpu.memory_space<hbm>>
        %dma_start3A_1182 = tpu.memref_squeeze %dma_start3A_1181 : memref<1x8x512xf32, #tpu.memory_space<hbm>> -> memref<8x512xf32, #tpu.memory_space<hbm>>
        %dma_start3A_1183 = arith.constant 0 : i32
        %dma_start3A_1184 = arith.constant 0 : i32
        %dma_start3A_1185 = tpu.memref_slice %arg10[%dma_start3A_1175, %dma_start3A_1183, %dma_start3A_1184] : memref<4x8x512xf32, #tpu.memory_space<vmem>> -> memref<1x8x512xf32, #tpu.memory_space<vmem>>
        %dma_start3A_1186 = tpu.memref_squeeze %dma_start3A_1185 : memref<1x8x512xf32, #tpu.memory_space<vmem>> -> memref<8x512xf32, #tpu.memory_space<vmem>>
        %dma_start3A_1187 = arith.constant 0 : i32
        %dma_start3A_1188 = tpu.memref_slice %arg2[%select_n3A_1152, %multiple_of3A_1174, %dma_start3A_1187] : memref<48x512x512xf32, #tpu.memory_space<hbm>> -> memref<1x8x512xf32, #tpu.memory_space<hbm>>
        %dma_start3A_1189 = tpu.memref_squeeze %dma_start3A_1188 : memref<1x8x512xf32, #tpu.memory_space<hbm>> -> memref<8x512xf32, #tpu.memory_space<hbm>>
        tpu.enqueue_dma source(%dma_start3A_1189 : memref<8x512xf32, #tpu.memory_space<hbm>>) target(%dma_start3A_1186 : memref<8x512xf32, #tpu.memory_space<vmem>>) target_semaphore(%arg15 : memref<!tpu.dma_semaphore, #tpu.memory_space<semaphore_mem>>)
      } else {
      }
      %gt3A_790 = arith.constant 0 : i32
      %gt3A_791 = arith.cmpi sgt, %scan3A_317, %gt3A_790 : i32
      %convert_element_type3A_792 = arith.extui %gt3A_791 : i1 to i32
      %cond3A_793 = arith.constant 0 : i32
      %cond3A_794 = arith.cmpi ne, %convert_element_type3A_792, %cond3A_793 : i32
      scf.if %cond3A_794 {
        %sub3A_1129 = arith.constant 4 : i32
        %sub3A_1130 = arith.subi %add3A_719, %sub3A_1129 : i32
        %jit3A_1131 = arith.constant 2 : i32
        %div3A_1132 = arith.divsi %sub3A_1130, %jit3A_1131 : i32
        %sign3A_1133 = arith.constant 0 : i32
        %sign3A_1134 = arith.cmpi sgt, %sub3A_1130, %sign3A_1133 : i32
        %sign3A_1135 = arith.extui %sign3A_1134 : i1 to i32
        %sign3A_1136 = arith.constant 0 : i32
        %sign3A_1137 = arith.cmpi slt, %sub3A_1130, %sign3A_1136 : i32
        %sign3A_1138 = arith.extui %sign3A_1137 : i1 to i32
        %sign3A_1139 = arith.subi %sign3A_1135, %sign3A_1138 : i32
        %sign3A_1140 = arith.constant 0 : i32
        %sign3A_1141 = arith.cmpi sgt, %jit3A_1131, %sign3A_1140 : i32
        %sign3A_1142 = arith.extui %sign3A_1141 : i1 to i32
        %sign3A_1143 = arith.constant 0 : i32
        %sign3A_1144 = arith.cmpi slt, %jit3A_1131, %sign3A_1143 : i32
        %sign3A_1145 = arith.extui %sign3A_1144 : i1 to i32
        %sign3A_1146 = arith.subi %sign3A_1142, %sign3A_1145 : i32
        %ne3A_1147 = arith.cmpi ne, %sign3A_1139, %sign3A_1146 : i32
        %rem3A_1148 = arith.remsi %sub3A_1130, %jit3A_1131 : i32
        %ne3A_1149 = arith.constant 0 : i32
        %ne3A_1150 = arith.cmpi ne, %rem3A_1148, %ne3A_1149 : i32
        %and3A_1151 = arith.andi %ne3A_1147, %ne3A_1150 : i1
        %sub3A_1152 = arith.constant 1 : i32
        %sub3A_1153 = arith.subi %div3A_1132, %sub3A_1152 : i32
        %select_n3A_1154 = arith.select %and3A_1151, %sub3A_1153, %div3A_1132 : i32
        %mul3A_1155 = arith.constant 2 : i32
        %mul3A_1156 = arith.muli %add3A, %mul3A_1155 : i32
        %jit3A_1157 = arith.constant 2 : i32
        %eq3A_1158 = arith.constant 0 : i32
        %eq3A_1159 = arith.cmpi eq, %jit3A_1157, %eq3A_1158 : i32
        %jit3A_1160 = arith.constant 1 : i32
        %select_n3A_1161 = arith.select %eq3A_1159, %jit3A_1160, %jit3A_1157 : i32
        %rem3A_1162 = arith.remsi %sub3A_1130, %select_n3A_1161 : i32
        %ne3A_1163 = arith.constant 0 : i32
        %ne3A_1164 = arith.cmpi ne, %rem3A_1162, %ne3A_1163 : i32
        %lt3A_1165 = arith.constant 0 : i32
        %lt3A_1166 = arith.cmpi slt, %rem3A_1162, %lt3A_1165 : i32
        %lt3A_1167 = arith.constant 0 : i32
        %lt3A_1168 = arith.cmpi slt, %select_n3A_1161, %lt3A_1167 : i32
        %ne3A_1169 = arith.xori %lt3A_1166, %lt3A_1168 : i1
        %and3A_1170 = arith.andi %ne3A_1169, %ne3A_1164 : i1
        %add3A_1171 = arith.addi %rem3A_1162, %select_n3A_1161 : i32
        %select_n3A_1172 = arith.select %and3A_1170, %add3A_1171, %rem3A_1162 : i32
        %add3A_1173 = arith.addi %mul3A_1156, %select_n3A_1172 : i32
        %mul3A_1174 = arith.constant 8 : i32
        %mul3A_1175 = arith.muli %add3A_1173, %mul3A_1174 : i32
        %multiple_of3A_1176 = tpu.assume_multiple %mul3A_1175, 8 : i32
        %dma_wait3A_1177 = arith.constant 2 : i32
        %dma_wait3A_1178 = arith.constant 0 : i32
        %dma_wait3A_1179 = arith.constant 0 : i32
        %dma_wait3A_1180 = tpu.memref_slice %arg11[%dma_wait3A_1177, %dma_wait3A_1178, %dma_wait3A_1179] : memref<4x8x512xf32, #tpu.memory_space<vmem>> -> memref<1x8x512xf32, #tpu.memory_space<vmem>>
        %dma_wait3A_1181 = tpu.memref_squeeze %dma_wait3A_1180 : memref<1x8x512xf32, #tpu.memory_space<vmem>> -> memref<8x512xf32, #tpu.memory_space<vmem>>
        %dma_wait3A_1182 = arith.constant 0 : i32
        %dma_wait3A_1183 = tpu.memref_slice %arg4[%select_n3A_1154, %multiple_of3A_1176, %dma_wait3A_1182] : memref<48x512x512xf32, #tpu.memory_space<hbm>> -> memref<1x8x512xf32, #tpu.memory_space<hbm>>
        %dma_wait3A_1184 = tpu.memref_squeeze %dma_wait3A_1183 : memref<1x8x512xf32, #tpu.memory_space<hbm>> -> memref<8x512xf32, #tpu.memory_space<hbm>>
        %dma_wait3A_1185 = arith.constant 0 : i32
        %dma_wait3A_1186 = tpu.memref_slice %arg4[%select_n3A_1154, %multiple_of3A_1176, %dma_wait3A_1185] : memref<48x512x512xf32, #tpu.memory_space<hbm>> -> memref<1x8x512xf32, #tpu.memory_space<hbm>>
        %dma_wait3A_1187 = tpu.memref_squeeze %dma_wait3A_1186 : memref<1x8x512xf32, #tpu.memory_space<hbm>> -> memref<8x512xf32, #tpu.memory_space<hbm>>
        %dma_wait3A_1188 = arith.constant 0 : i32
        %dma_wait3A_1189 = arith.constant 0 : i32
        %dma_wait3A_1190 = tpu.memref_slice %arg11[%dma_wait3A_1177, %dma_wait3A_1188, %dma_wait3A_1189] : memref<4x8x512xf32, #tpu.memory_space<vmem>> -> memref<1x8x512xf32, #tpu.memory_space<vmem>>
        %dma_wait3A_1191 = tpu.memref_squeeze %dma_wait3A_1190 : memref<1x8x512xf32, #tpu.memory_space<vmem>> -> memref<8x512xf32, #tpu.memory_space<vmem>>
        tpu.wait_dma2 semaphore(%arg20 : memref<!tpu.dma_semaphore, #tpu.memory_space<semaphore_mem>>) src(%dma_wait3A_1191 : memref<8x512xf32, #tpu.memory_space<vmem>>) dst(%dma_wait3A_1187 : memref<8x512xf32, #tpu.memory_space<hbm>>)
        %dma_wait3A_1192 = arith.constant 2 : i32
        %dma_wait3A_1193 = arith.constant 0 : i32
        %dma_wait3A_1194 = arith.constant 0 : i32
        %dma_wait3A_1195 = tpu.memref_slice %arg12[%dma_wait3A_1192, %dma_wait3A_1193, %dma_wait3A_1194] : memref<4x8x512xf32, #tpu.memory_space<vmem>> -> memref<1x8x512xf32, #tpu.memory_space<vmem>>
        %dma_wait3A_1196 = tpu.memref_squeeze %dma_wait3A_1195 : memref<1x8x512xf32, #tpu.memory_space<vmem>> -> memref<8x512xf32, #tpu.memory_space<vmem>>
        %dma_wait3A_1197 = arith.constant 0 : i32
        %dma_wait3A_1198 = tpu.memref_slice %arg5[%select_n3A_1154, %multiple_of3A_1176, %dma_wait3A_1197] : memref<48x512x512xf32, #tpu.memory_space<hbm>> -> memref<1x8x512xf32, #tpu.memory_space<hbm>>
        %dma_wait3A_1199 = tpu.memref_squeeze %dma_wait3A_1198 : memref<1x8x512xf32, #tpu.memory_space<hbm>> -> memref<8x512xf32, #tpu.memory_space<hbm>>
        %dma_wait3A_1200 = arith.constant 0 : i32
        %dma_wait3A_1201 = tpu.memref_slice %arg5[%select_n3A_1154, %multiple_of3A_1176, %dma_wait3A_1200] : memref<48x512x512xf32, #tpu.memory_space<hbm>> -> memref<1x8x512xf32, #tpu.memory_space<hbm>>
        %dma_wait3A_1202 = tpu.memref_squeeze %dma_wait3A_1201 : memref<1x8x512xf32, #tpu.memory_space<hbm>> -> memref<8x512xf32, #tpu.memory_space<hbm>>
        %dma_wait3A_1203 = arith.constant 0 : i32
        %dma_wait3A_1204 = arith.constant 0 : i32
        %dma_wait3A_1205 = tpu.memref_slice %arg12[%dma_wait3A_1192, %dma_wait3A_1203, %dma_wait3A_1204] : memref<4x8x512xf32, #tpu.memory_space<vmem>> -> memref<1x8x512xf32, #tpu.memory_space<vmem>>
        %dma_wait3A_1206 = tpu.memref_squeeze %dma_wait3A_1205 : memref<1x8x512xf32, #tpu.memory_space<vmem>> -> memref<8x512xf32, #tpu.memory_space<vmem>>
        tpu.wait_dma2 semaphore(%arg20 : memref<!tpu.dma_semaphore, #tpu.memory_space<semaphore_mem>>) src(%dma_wait3A_1206 : memref<8x512xf32, #tpu.memory_space<vmem>>) dst(%dma_wait3A_1202 : memref<8x512xf32, #tpu.memory_space<hbm>>)
        %dma_wait3A_1207 = arith.constant 2 : i32
        %dma_wait3A_1208 = arith.constant 0 : i32
        %dma_wait3A_1209 = arith.constant 0 : i32
        %dma_wait3A_1210 = tpu.memref_slice %arg13[%dma_wait3A_1207, %dma_wait3A_1208, %dma_wait3A_1209] : memref<4x8x512xf32, #tpu.memory_space<vmem>> -> memref<1x8x512xf32, #tpu.memory_space<vmem>>
        %dma_wait3A_1211 = tpu.memref_squeeze %dma_wait3A_1210 : memref<1x8x512xf32, #tpu.memory_space<vmem>> -> memref<8x512xf32, #tpu.memory_space<vmem>>
        %dma_wait3A_1212 = arith.constant 0 : i32
        %dma_wait3A_1213 = tpu.memref_slice %arg6[%select_n3A_1154, %multiple_of3A_1176, %dma_wait3A_1212] : memref<48x512x512xf32, #tpu.memory_space<hbm>> -> memref<1x8x512xf32, #tpu.memory_space<hbm>>
        %dma_wait3A_1214 = tpu.memref_squeeze %dma_wait3A_1213 : memref<1x8x512xf32, #tpu.memory_space<hbm>> -> memref<8x512xf32, #tpu.memory_space<hbm>>
        %dma_wait3A_1215 = arith.constant 0 : i32
        %dma_wait3A_1216 = tpu.memref_slice %arg6[%select_n3A_1154, %multiple_of3A_1176, %dma_wait3A_1215] : memref<48x512x512xf32, #tpu.memory_space<hbm>> -> memref<1x8x512xf32, #tpu.memory_space<hbm>>
        %dma_wait3A_1217 = tpu.memref_squeeze %dma_wait3A_1216 : memref<1x8x512xf32, #tpu.memory_space<hbm>> -> memref<8x512xf32, #tpu.memory_space<hbm>>
        %dma_wait3A_1218 = arith.constant 0 : i32
        %dma_wait3A_1219 = arith.constant 0 : i32
        %dma_wait3A_1220 = tpu.memref_slice %arg13[%dma_wait3A_1207, %dma_wait3A_1218, %dma_wait3A_1219] : memref<4x8x512xf32, #tpu.memory_space<vmem>> -> memref<1x8x512xf32, #tpu.memory_space<vmem>>
        %dma_wait3A_1221 = tpu.memref_squeeze %dma_wait3A_1220 : memref<1x8x512xf32, #tpu.memory_space<vmem>> -> memref<8x512xf32, #tpu.memory_space<vmem>>
        tpu.wait_dma2 semaphore(%arg20 : memref<!tpu.dma_semaphore, #tpu.memory_space<semaphore_mem>>) src(%dma_wait3A_1221 : memref<8x512xf32, #tpu.memory_space<vmem>>) dst(%dma_wait3A_1217 : memref<8x512xf32, #tpu.memory_space<hbm>>)
      } else {
      }
      %jit3A_795 = arith.constant 2 : i32
      %div3A_796 = arith.divsi %add3A_719, %jit3A_795 : i32
      %sign3A_797 = arith.constant 0 : i32
      %sign3A_798 = arith.cmpi sgt, %add3A_719, %sign3A_797 : i32
      %sign3A_799 = arith.extui %sign3A_798 : i1 to i32
      %sign3A_800 = arith.constant 0 : i32
      %sign3A_801 = arith.cmpi slt, %add3A_719, %sign3A_800 : i32
      %sign3A_802 = arith.extui %sign3A_801 : i1 to i32
      %sign3A_803 = arith.subi %sign3A_799, %sign3A_802 : i32
      %sign3A_804 = arith.constant 0 : i32
      %sign3A_805 = arith.cmpi sgt, %jit3A_795, %sign3A_804 : i32
      %sign3A_806 = arith.extui %sign3A_805 : i1 to i32
      %sign3A_807 = arith.constant 0 : i32
      %sign3A_808 = arith.cmpi slt, %jit3A_795, %sign3A_807 : i32
      %sign3A_809 = arith.extui %sign3A_808 : i1 to i32
      %sign3A_810 = arith.subi %sign3A_806, %sign3A_809 : i32
      %ne3A_811 = arith.cmpi ne, %sign3A_803, %sign3A_810 : i32
      %rem3A_812 = arith.remsi %add3A_719, %jit3A_795 : i32
      %ne3A_813 = arith.constant 0 : i32
      %ne3A_814 = arith.cmpi ne, %rem3A_812, %ne3A_813 : i32
      %and3A_815 = arith.andi %ne3A_811, %ne3A_814 : i1
      %sub3A_816 = arith.constant 1 : i32
      %sub3A_817 = arith.subi %div3A_796, %sub3A_816 : i32
      %select_n3A_818 = arith.select %and3A_815, %sub3A_817, %div3A_796 : i32
      %mul3A_819 = arith.constant 256 : i32
      %mul3A_820 = arith.muli %select_n3A_818, %mul3A_819 : i32
      %convert_element_type3A_821 = arith.sitofp %mul3A_820 : i32 to f32
      %add3A_822 = arith.constant 0x4B000000 : f32
      %add3A_823 = arith.addf %convert_element_type3A_821, %add3A_822 : f32
      %broadcast_in_dim3A_824 = arith.constant 0.000000e+00 : f32
      %broadcast_in_dim3A_825 = vector.broadcast %broadcast_in_dim3A_824 : f32 to vector<16xf32>
      %add3A_826 = vector.broadcast %add3A_823 : f32 to vector<16xf32>
      %add3A_827 = arith.addf %broadcast_in_dim3A_825, %add3A_826 : vector<16xf32>
      %parallel_loop3A_828 = arith.constant 0 : i32
      %parallel_loop3A_829 = arith.constant 256 : i32
      %parallel_loop3A_830 = arith.constant 1 : i32
      scf.for %parallel_loop3A_1129 = %parallel_loop3A_828 to %parallel_loop3A_829 step %parallel_loop3A_830  : i32 {
        %parallel_loop3A_1130 = arith.constant 32 : i32
        %parallel_loop3A_1131 = arith.divsi %parallel_loop3A_1129, %parallel_loop3A_1130 : i32
        %parallel_loop3A_1132 = arith.constant 0 : i32
        %parallel_loop3A_1133 = arith.cmpi sgt, %parallel_loop3A_1129, %parallel_loop3A_1132 : i32
        %parallel_loop3A_1134 = arith.extui %parallel_loop3A_1133 : i1 to i32
        %parallel_loop3A_1135 = arith.constant 0 : i32
        %parallel_loop3A_1136 = arith.cmpi slt, %parallel_loop3A_1129, %parallel_loop3A_1135 : i32
        %parallel_loop3A_1137 = arith.extui %parallel_loop3A_1136 : i1 to i32
        %parallel_loop3A_1138 = arith.subi %parallel_loop3A_1134, %parallel_loop3A_1137 : i32
        %parallel_loop3A_1139 = arith.constant 0 : i32
        %parallel_loop3A_1140 = arith.cmpi sgt, %parallel_loop3A_1130, %parallel_loop3A_1139 : i32
        %parallel_loop3A_1141 = arith.extui %parallel_loop3A_1140 : i1 to i32
        %parallel_loop3A_1142 = arith.constant 0 : i32
        %parallel_loop3A_1143 = arith.cmpi slt, %parallel_loop3A_1130, %parallel_loop3A_1142 : i32
        %parallel_loop3A_1144 = arith.extui %parallel_loop3A_1143 : i1 to i32
        %parallel_loop3A_1145 = arith.subi %parallel_loop3A_1141, %parallel_loop3A_1144 : i32
        %parallel_loop3A_1146 = arith.cmpi ne, %parallel_loop3A_1138, %parallel_loop3A_1145 : i32
        %parallel_loop3A_1147 = arith.remsi %parallel_loop3A_1129, %parallel_loop3A_1130 : i32
        %parallel_loop3A_1148 = arith.constant 0 : i32
        %parallel_loop3A_1149 = arith.cmpi ne, %parallel_loop3A_1147, %parallel_loop3A_1148 : i32
        %parallel_loop3A_1150 = arith.andi %parallel_loop3A_1146, %parallel_loop3A_1149 : i1
        %parallel_loop3A_1151 = arith.constant 1 : i32
        %parallel_loop3A_1152 = arith.subi %parallel_loop3A_1131, %parallel_loop3A_1151 : i32
        %parallel_loop3A_1153 = arith.select %parallel_loop3A_1150, %parallel_loop3A_1152, %parallel_loop3A_1131 : i32
        %parallel_loop3A_1154 = arith.constant 32 : i32
        %parallel_loop3A_1155 = arith.constant 0 : i32
        %parallel_loop3A_1156 = arith.cmpi eq, %parallel_loop3A_1154, %parallel_loop3A_1155 : i32
        %parallel_loop3A_1157 = arith.constant 1 : i32
        %parallel_loop3A_1158 = arith.select %parallel_loop3A_1156, %parallel_loop3A_1157, %parallel_loop3A_1154 : i32
        %parallel_loop3A_1159 = arith.remsi %parallel_loop3A_1129, %parallel_loop3A_1158 : i32
        %parallel_loop3A_1160 = arith.constant 0 : i32
        %parallel_loop3A_1161 = arith.cmpi ne, %parallel_loop3A_1159, %parallel_loop3A_1160 : i32
        %parallel_loop3A_1162 = arith.constant 0 : i32
        %parallel_loop3A_1163 = arith.cmpi slt, %parallel_loop3A_1159, %parallel_loop3A_1162 : i32
        %parallel_loop3A_1164 = arith.constant 0 : i32
        %parallel_loop3A_1165 = arith.cmpi slt, %parallel_loop3A_1158, %parallel_loop3A_1164 : i32
        %parallel_loop3A_1166 = arith.xori %parallel_loop3A_1163, %parallel_loop3A_1165 : i1
        %parallel_loop3A_1167 = arith.andi %parallel_loop3A_1166, %parallel_loop3A_1161 : i1
        %parallel_loop3A_1168 = arith.addi %parallel_loop3A_1159, %parallel_loop3A_1158 : i32
        %parallel_loop3A_1169 = arith.select %parallel_loop3A_1167, %parallel_loop3A_1168, %parallel_loop3A_1159 : i32
        %parallel_loop3A_1170 = arith.constant 16 : i32
        %parallel_loop3A_1171 = arith.muli %parallel_loop3A_1169, %parallel_loop3A_1170 : i32
        %parallel_loop3A_1172 = arith.constant 2 : i32
        %parallel_loop3A_1173 = arith.index_cast %parallel_loop3A_1172 : i32 to index
        %parallel_loop3A_1174 = arith.index_cast %parallel_loop3A_1153 : i32 to index
        %parallel_loop3A_1175 = arith.index_cast %parallel_loop3A_1171 : i32 to index
        %parallel_loop3A_1176 = tpu.vector_load %arg10[%parallel_loop3A_1173, %parallel_loop3A_1174, %parallel_loop3A_1175] {strides = array<i32>} : memref<4x8x512xf32, #tpu.memory_space<vmem>>, vector<16xf32>,
        %parallel_loop3A_1177 = arith.constant 2.550000e+02 : f32
        %parallel_loop3A_1178 = vector.broadcast %parallel_loop3A_1177 : f32 to vector<16xf32>
        %parallel_loop3A_1179 = arith.mulf %parallel_loop3A_1176, %parallel_loop3A_1178 : vector<16xf32>
        %parallel_loop3A_1180 = arith.addf %parallel_loop3A_1179, %add3A_827 : vector<16xf32>
        %parallel_loop3A_1181 = tpu.bitcast %parallel_loop3A_1180 : vector<16xf32> -> vector<16xi32>
        %parallel_loop3A_1182 = arith.constant 16383 : i32
        %parallel_loop3A_1183 = vector.broadcast %parallel_loop3A_1182 : i32 to vector<16xi32>
        %parallel_loop3A_1184 = arith.andi %parallel_loop3A_1181, %parallel_loop3A_1183 : vector<16xi32>
        %parallel_loop3A_1185 = tpu.vector_load_idx %arg7[%parallel_loop3A_1184] : memref<12288xf32, #tpu.memory_space<vmem>>[vector<16xi32>], vector<16xf32>,
        %parallel_loop3A_1186 = arith.constant 2 : i32
        %parallel_loop3A_1187 = arith.index_cast %parallel_loop3A_1186 : i32 to index
        %parallel_loop3A_1188 = arith.index_cast %parallel_loop3A_1153 : i32 to index
        %parallel_loop3A_1189 = arith.index_cast %parallel_loop3A_1171 : i32 to index
        %parallel_loop3A_1190 = tpu.vector_load %arg11[%parallel_loop3A_1187, %parallel_loop3A_1188, %parallel_loop3A_1189] {strides = array<i32>} : memref<4x8x512xf32, #tpu.memory_space<vmem>>, vector<16xf32>,
        tpu.vector_store %arg11[%parallel_loop3A_1187, %parallel_loop3A_1188, %parallel_loop3A_1189], %parallel_loop3A_1185 {strides = array<i32>} : memref<4x8x512xf32, #tpu.memory_space<vmem>>, vector<16xf32>,
        %parallel_loop3A_1191 = tpu.vector_load_idx %arg8[%parallel_loop3A_1184] : memref<12288xf32, #tpu.memory_space<vmem>>[vector<16xi32>], vector<16xf32>,
        %parallel_loop3A_1192 = arith.constant 2 : i32
        %parallel_loop3A_1193 = arith.index_cast %parallel_loop3A_1192 : i32 to index
        %parallel_loop3A_1194 = arith.index_cast %parallel_loop3A_1153 : i32 to index
        %parallel_loop3A_1195 = arith.index_cast %parallel_loop3A_1171 : i32 to index
        %parallel_loop3A_1196 = tpu.vector_load %arg12[%parallel_loop3A_1193, %parallel_loop3A_1194, %parallel_loop3A_1195] {strides = array<i32>} : memref<4x8x512xf32, #tpu.memory_space<vmem>>, vector<16xf32>,
        tpu.vector_store %arg12[%parallel_loop3A_1193, %parallel_loop3A_1194, %parallel_loop3A_1195], %parallel_loop3A_1191 {strides = array<i32>} : memref<4x8x512xf32, #tpu.memory_space<vmem>>, vector<16xf32>,
        %parallel_loop3A_1197 = tpu.vector_load_idx %arg9[%parallel_loop3A_1184] : memref<12288xf32, #tpu.memory_space<vmem>>[vector<16xi32>], vector<16xf32>,
        %parallel_loop3A_1198 = arith.constant 2 : i32
        %parallel_loop3A_1199 = arith.index_cast %parallel_loop3A_1198 : i32 to index
        %parallel_loop3A_1200 = arith.index_cast %parallel_loop3A_1153 : i32 to index
        %parallel_loop3A_1201 = arith.index_cast %parallel_loop3A_1171 : i32 to index
        %parallel_loop3A_1202 = tpu.vector_load %arg13[%parallel_loop3A_1199, %parallel_loop3A_1200, %parallel_loop3A_1201] {strides = array<i32>} : memref<4x8x512xf32, #tpu.memory_space<vmem>>, vector<16xf32>,
        tpu.vector_store %arg13[%parallel_loop3A_1199, %parallel_loop3A_1200, %parallel_loop3A_1201], %parallel_loop3A_1197 {strides = array<i32>} : memref<4x8x512xf32, #tpu.memory_space<vmem>>, vector<16xf32>,
      } {sc.loop_unroll_factor = 8 : i64, sc.parallel_access}
      %jit3A_831 = arith.constant 2 : i32
      %div3A_832 = arith.divsi %add3A_719, %jit3A_831 : i32
      %sign3A_833 = arith.constant 0 : i32
      %sign3A_834 = arith.cmpi sgt, %add3A_719, %sign3A_833 : i32
      %sign3A_835 = arith.extui %sign3A_834 : i1 to i32
      %sign3A_836 = arith.constant 0 : i32
      %sign3A_837 = arith.cmpi slt, %add3A_719, %sign3A_836 : i32
      %sign3A_838 = arith.extui %sign3A_837 : i1 to i32
      %sign3A_839 = arith.subi %sign3A_835, %sign3A_838 : i32
      %sign3A_840 = arith.constant 0 : i32
      %sign3A_841 = arith.cmpi sgt, %jit3A_831, %sign3A_840 : i32
      %sign3A_842 = arith.extui %sign3A_841 : i1 to i32
      %sign3A_843 = arith.constant 0 : i32
      %sign3A_844 = arith.cmpi slt, %jit3A_831, %sign3A_843 : i32
      %sign3A_845 = arith.extui %sign3A_844 : i1 to i32
      %sign3A_846 = arith.subi %sign3A_842, %sign3A_845 : i32
      %ne3A_847 = arith.cmpi ne, %sign3A_839, %sign3A_846 : i32
      %rem3A_848 = arith.remsi %add3A_719, %jit3A_831 : i32
      %ne3A_849 = arith.constant 0 : i32
      %ne3A_850 = arith.cmpi ne, %rem3A_848, %ne3A_849 : i32
      %and3A_851 = arith.andi %ne3A_847, %ne3A_850 : i1
      %sub3A_852 = arith.constant 1 : i32
      %sub3A_853 = arith.subi %div3A_832, %sub3A_852 : i32
      %select_n3A_854 = arith.select %and3A_851, %sub3A_853, %div3A_832 : i32
      %mul3A_855 = arith.constant 2 : i32
      %mul3A_856 = arith.muli %add3A, %mul3A_855 : i32
      %jit3A_857 = arith.constant 2 : i32
      %eq3A_858 = arith.constant 0 : i32
      %eq3A_859 = arith.cmpi eq, %jit3A_857, %eq3A_858 : i32
      %jit3A_860 = arith.constant 1 : i32
      %select_n3A_861 = arith.select %eq3A_859, %jit3A_860, %jit3A_857 : i32
      %rem3A_862 = arith.remsi %add3A_719, %select_n3A_861 : i32
      %ne3A_863 = arith.constant 0 : i32
      %ne3A_864 = arith.cmpi ne, %rem3A_862, %ne3A_863 : i32
      %lt3A_865 = arith.constant 0 : i32
      %lt3A_866 = arith.cmpi slt, %rem3A_862, %lt3A_865 : i32
      %lt3A_867 = arith.constant 0 : i32
      %lt3A_868 = arith.cmpi slt, %select_n3A_861, %lt3A_867 : i32
      %ne3A_869 = arith.xori %lt3A_866, %lt3A_868 : i1
      %and3A_870 = arith.andi %ne3A_869, %ne3A_864 : i1
      %add3A_871 = arith.addi %rem3A_862, %select_n3A_861 : i32
      %select_n3A_872 = arith.select %and3A_870, %add3A_871, %rem3A_862 : i32
      %add3A_873 = arith.addi %mul3A_856, %select_n3A_872 : i32
      %mul3A_874 = arith.constant 8 : i32
      %mul3A_875 = arith.muli %add3A_873, %mul3A_874 : i32
      %multiple_of3A_876 = tpu.assume_multiple %mul3A_875, 8 : i32
      %dma_start3A_877 = arith.constant 2 : i32
      %dma_start3A_878 = arith.constant 0 : i32
      %dma_start3A_879 = arith.constant 0 : i32
      %dma_start3A_880 = tpu.memref_slice %arg11[%dma_start3A_877, %dma_start3A_878, %dma_start3A_879] : memref<4x8x512xf32, #tpu.memory_space<vmem>> -> memref<1x8x512xf32, #tpu.memory_space<vmem>>
      %dma_start3A_881 = tpu.memref_squeeze %dma_start3A_880 : memref<1x8x512xf32, #tpu.memory_space<vmem>> -> memref<8x512xf32, #tpu.memory_space<vmem>>
      %dma_start3A_882 = arith.constant 0 : i32
      %dma_start3A_883 = tpu.memref_slice %arg4[%select_n3A_854, %multiple_of3A_876, %dma_start3A_882] : memref<48x512x512xf32, #tpu.memory_space<hbm>> -> memref<1x8x512xf32, #tpu.memory_space<hbm>>
      %dma_start3A_884 = tpu.memref_squeeze %dma_start3A_883 : memref<1x8x512xf32, #tpu.memory_space<hbm>> -> memref<8x512xf32, #tpu.memory_space<hbm>>
      %dma_start3A_885 = arith.constant 0 : i32
      %dma_start3A_886 = tpu.memref_slice %arg4[%select_n3A_854, %multiple_of3A_876, %dma_start3A_885] : memref<48x512x512xf32, #tpu.memory_space<hbm>> -> memref<1x8x512xf32, #tpu.memory_space<hbm>>
      %dma_start3A_887 = tpu.memref_squeeze %dma_start3A_886 : memref<1x8x512xf32, #tpu.memory_space<hbm>> -> memref<8x512xf32, #tpu.memory_space<hbm>>
      %dma_start3A_888 = arith.constant 0 : i32
      %dma_start3A_889 = arith.constant 0 : i32
      %dma_start3A_890 = tpu.memref_slice %arg11[%dma_start3A_877, %dma_start3A_888, %dma_start3A_889] : memref<4x8x512xf32, #tpu.memory_space<vmem>> -> memref<1x8x512xf32, #tpu.memory_space<vmem>>
      %dma_start3A_891 = tpu.memref_squeeze %dma_start3A_890 : memref<1x8x512xf32, #tpu.memory_space<vmem>> -> memref<8x512xf32, #tpu.memory_space<vmem>>
      tpu.enqueue_dma source(%dma_start3A_891 : memref<8x512xf32, #tpu.memory_space<vmem>>) target(%dma_start3A_887 : memref<8x512xf32, #tpu.memory_space<hbm>>) target_semaphore(%arg20 : memref<!tpu.dma_semaphore, #tpu.memory_space<semaphore_mem>>)
      %dma_start3A_892 = arith.constant 2 : i32
      %dma_start3A_893 = arith.constant 0 : i32
      %dma_start3A_894 = arith.constant 0 : i32
      %dma_start3A_895 = tpu.memref_slice %arg12[%dma_start3A_892, %dma_start3A_893, %dma_start3A_894] : memref<4x8x512xf32, #tpu.memory_space<vmem>> -> memref<1x8x512xf32, #tpu.memory_space<vmem>>
      %dma_start3A_896 = tpu.memref_squeeze %dma_start3A_895 : memref<1x8x512xf32, #tpu.memory_space<vmem>> -> memref<8x512xf32, #tpu.memory_space<vmem>>
      %dma_start3A_897 = arith.constant 0 : i32
      %dma_start3A_898 = tpu.memref_slice %arg5[%select_n3A_854, %multiple_of3A_876, %dma_start3A_897] : memref<48x512x512xf32, #tpu.memory_space<hbm>> -> memref<1x8x512xf32, #tpu.memory_space<hbm>>
      %dma_start3A_899 = tpu.memref_squeeze %dma_start3A_898 : memref<1x8x512xf32, #tpu.memory_space<hbm>> -> memref<8x512xf32, #tpu.memory_space<hbm>>
      %dma_start3A_900 = arith.constant 0 : i32
      %dma_start3A_901 = tpu.memref_slice %arg5[%select_n3A_854, %multiple_of3A_876, %dma_start3A_900] : memref<48x512x512xf32, #tpu.memory_space<hbm>> -> memref<1x8x512xf32, #tpu.memory_space<hbm>>
      %dma_start3A_902 = tpu.memref_squeeze %dma_start3A_901 : memref<1x8x512xf32, #tpu.memory_space<hbm>> -> memref<8x512xf32, #tpu.memory_space<hbm>>
      %dma_start3A_903 = arith.constant 0 : i32
      %dma_start3A_904 = arith.constant 0 : i32
      %dma_start3A_905 = tpu.memref_slice %arg12[%dma_start3A_892, %dma_start3A_903, %dma_start3A_904] : memref<4x8x512xf32, #tpu.memory_space<vmem>> -> memref<1x8x512xf32, #tpu.memory_space<vmem>>
      %dma_start3A_906 = tpu.memref_squeeze %dma_start3A_905 : memref<1x8x512xf32, #tpu.memory_space<vmem>> -> memref<8x512xf32, #tpu.memory_space<vmem>>
      tpu.enqueue_dma source(%dma_start3A_906 : memref<8x512xf32, #tpu.memory_space<vmem>>) target(%dma_start3A_902 : memref<8x512xf32, #tpu.memory_space<hbm>>) target_semaphore(%arg20 : memref<!tpu.dma_semaphore, #tpu.memory_space<semaphore_mem>>)
      %dma_start3A_907 = arith.constant 2 : i32
      %dma_start3A_908 = arith.constant 0 : i32
      %dma_start3A_909 = arith.constant 0 : i32
      %dma_start3A_910 = tpu.memref_slice %arg13[%dma_start3A_907, %dma_start3A_908, %dma_start3A_909] : memref<4x8x512xf32, #tpu.memory_space<vmem>> -> memref<1x8x512xf32, #tpu.memory_space<vmem>>
      %dma_start3A_911 = tpu.memref_squeeze %dma_start3A_910 : memref<1x8x512xf32, #tpu.memory_space<vmem>> -> memref<8x512xf32, #tpu.memory_space<vmem>>
      %dma_start3A_912 = arith.constant 0 : i32
      %dma_start3A_913 = tpu.memref_slice %arg6[%select_n3A_854, %multiple_of3A_876, %dma_start3A_912] : memref<48x512x512xf32, #tpu.memory_space<hbm>> -> memref<1x8x512xf32, #tpu.memory_space<hbm>>
      %dma_start3A_914 = tpu.memref_squeeze %dma_start3A_913 : memref<1x8x512xf32, #tpu.memory_space<hbm>> -> memref<8x512xf32, #tpu.memory_space<hbm>>
      %dma_start3A_915 = arith.constant 0 : i32
      %dma_start3A_916 = tpu.memref_slice %arg6[%select_n3A_854, %multiple_of3A_876, %dma_start3A_915] : memref<48x512x512xf32, #tpu.memory_space<hbm>> -> memref<1x8x512xf32, #tpu.memory_space<hbm>>
      %dma_start3A_917 = tpu.memref_squeeze %dma_start3A_916 : memref<1x8x512xf32, #tpu.memory_space<hbm>> -> memref<8x512xf32, #tpu.memory_space<hbm>>
      %dma_start3A_918 = arith.constant 0 : i32
      %dma_start3A_919 = arith.constant 0 : i32
      %dma_start3A_920 = tpu.memref_slice %arg13[%dma_start3A_907, %dma_start3A_918, %dma_start3A_919] : memref<4x8x512xf32, #tpu.memory_space<vmem>> -> memref<1x8x512xf32, #tpu.memory_space<vmem>>
      %dma_start3A_921 = tpu.memref_squeeze %dma_start3A_920 : memref<1x8x512xf32, #tpu.memory_space<vmem>> -> memref<8x512xf32, #tpu.memory_space<vmem>>
      tpu.enqueue_dma source(%dma_start3A_921 : memref<8x512xf32, #tpu.memory_space<vmem>>) target(%dma_start3A_917 : memref<8x512xf32, #tpu.memory_space<hbm>>) target_semaphore(%arg20 : memref<!tpu.dma_semaphore, #tpu.memory_space<semaphore_mem>>)
      %mul3A_922 = arith.constant 4 : i32
      %mul3A_923 = arith.muli %mul3A_922, %scan3A_317 : i32
      %add3A_924 = arith.constant 3 : i32
      %add3A_925 = arith.addi %mul3A_923, %add3A_924 : i32
      %jit3A_926 = arith.constant 2 : i32
      %div3A_927 = arith.divsi %add3A_925, %jit3A_926 : i32
      %sign3A_928 = arith.constant 0 : i32
      %sign3A_929 = arith.cmpi sgt, %add3A_925, %sign3A_928 : i32
      %sign3A_930 = arith.extui %sign3A_929 : i1 to i32
      %sign3A_931 = arith.constant 0 : i32
      %sign3A_932 = arith.cmpi slt, %add3A_925, %sign3A_931 : i32
      %sign3A_933 = arith.extui %sign3A_932 : i1 to i32
      %sign3A_934 = arith.subi %sign3A_930, %sign3A_933 : i32
      %sign3A_935 = arith.constant 0 : i32
      %sign3A_936 = arith.cmpi sgt, %jit3A_926, %sign3A_935 : i32
      %sign3A_937 = arith.extui %sign3A_936 : i1 to i32
      %sign3A_938 = arith.constant 0 : i32
      %sign3A_939 = arith.cmpi slt, %jit3A_926, %sign3A_938 : i32
      %sign3A_940 = arith.extui %sign3A_939 : i1 to i32
      %sign3A_941 = arith.subi %sign3A_937, %sign3A_940 : i32
      %ne3A_942 = arith.cmpi ne, %sign3A_934, %sign3A_941 : i32
      %rem3A_943 = arith.remsi %add3A_925, %jit3A_926 : i32
      %ne3A_944 = arith.constant 0 : i32
      %ne3A_945 = arith.cmpi ne, %rem3A_943, %ne3A_944 : i32
      %and3A_946 = arith.andi %ne3A_942, %ne3A_945 : i1
      %sub3A_947 = arith.constant 1 : i32
      %sub3A_948 = arith.subi %div3A_927, %sub3A_947 : i32
      %select_n3A_949 = arith.select %and3A_946, %sub3A_948, %div3A_927 : i32
      %mul3A_950 = arith.constant 2 : i32
      %mul3A_951 = arith.muli %add3A, %mul3A_950 : i32
      %jit3A_952 = arith.constant 2 : i32
      %eq3A_953 = arith.constant 0 : i32
      %eq3A_954 = arith.cmpi eq, %jit3A_952, %eq3A_953 : i32
      %jit3A_955 = arith.constant 1 : i32
      %select_n3A_956 = arith.select %eq3A_954, %jit3A_955, %jit3A_952 : i32
      %rem3A_957 = arith.remsi %add3A_925, %select_n3A_956 : i32
      %ne3A_958 = arith.constant 0 : i32
      %ne3A_959 = arith.cmpi ne, %rem3A_957, %ne3A_958 : i32
      %lt3A_960 = arith.constant 0 : i32
      %lt3A_961 = arith.cmpi slt, %rem3A_957, %lt3A_960 : i32
      %lt3A_962 = arith.constant 0 : i32
      %lt3A_963 = arith.cmpi slt, %select_n3A_956, %lt3A_962 : i32
      %ne3A_964 = arith.xori %lt3A_961, %lt3A_963 : i1
      %and3A_965 = arith.andi %ne3A_964, %ne3A_959 : i1
      %add3A_966 = arith.addi %rem3A_957, %select_n3A_956 : i32
      %select_n3A_967 = arith.select %and3A_965, %add3A_966, %rem3A_957 : i32
      %add3A_968 = arith.addi %mul3A_951, %select_n3A_967 : i32
      %mul3A_969 = arith.constant 8 : i32
      %mul3A_970 = arith.muli %add3A_968, %mul3A_969 : i32
      %multiple_of3A_971 = tpu.assume_multiple %mul3A_970, 8 : i32
      %dma_wait3A_972 = arith.constant 3 : i32
      %dma_wait3A_973 = arith.constant 0 : i32
      %dma_wait3A_974 = arith.constant 0 : i32
      %dma_wait3A_975 = tpu.memref_slice %arg10[%dma_wait3A_972, %dma_wait3A_973, %dma_wait3A_974] : memref<4x8x512xf32, #tpu.memory_space<vmem>> -> memref<1x8x512xf32, #tpu.memory_space<vmem>>
      %dma_wait3A_976 = tpu.memref_squeeze %dma_wait3A_975 : memref<1x8x512xf32, #tpu.memory_space<vmem>> -> memref<8x512xf32, #tpu.memory_space<vmem>>
      %dma_wait3A_977 = arith.constant 0 : i32
      %dma_wait3A_978 = tpu.memref_slice %arg2[%select_n3A_949, %multiple_of3A_971, %dma_wait3A_977] : memref<48x512x512xf32, #tpu.memory_space<hbm>> -> memref<1x8x512xf32, #tpu.memory_space<hbm>>
      %dma_wait3A_979 = tpu.memref_squeeze %dma_wait3A_978 : memref<1x8x512xf32, #tpu.memory_space<hbm>> -> memref<8x512xf32, #tpu.memory_space<hbm>>
      %dma_wait3A_980 = arith.constant 0 : i32
      %dma_wait3A_981 = arith.constant 0 : i32
      %dma_wait3A_982 = tpu.memref_slice %arg10[%dma_wait3A_972, %dma_wait3A_980, %dma_wait3A_981] : memref<4x8x512xf32, #tpu.memory_space<vmem>> -> memref<1x8x512xf32, #tpu.memory_space<vmem>>
      %dma_wait3A_983 = tpu.memref_squeeze %dma_wait3A_982 : memref<1x8x512xf32, #tpu.memory_space<vmem>> -> memref<8x512xf32, #tpu.memory_space<vmem>>
      %dma_wait3A_984 = arith.constant 0 : i32
      %dma_wait3A_985 = tpu.memref_slice %arg2[%select_n3A_949, %multiple_of3A_971, %dma_wait3A_984] : memref<48x512x512xf32, #tpu.memory_space<hbm>> -> memref<1x8x512xf32, #tpu.memory_space<hbm>>
      %dma_wait3A_986 = tpu.memref_squeeze %dma_wait3A_985 : memref<1x8x512xf32, #tpu.memory_space<hbm>> -> memref<8x512xf32, #tpu.memory_space<hbm>>
      tpu.wait_dma2 semaphore(%arg17 : memref<!tpu.dma_semaphore, #tpu.memory_space<semaphore_mem>>) src(%dma_wait3A_986 : memref<8x512xf32, #tpu.memory_space<hbm>>) dst(%dma_wait3A_983 : memref<8x512xf32, #tpu.memory_space<vmem>>)
      %add3A_987 = arith.constant 4 : i32
      %add3A_988 = arith.addi %add3A_925, %add3A_987 : i32
      %sub3A_989 = arith.constant 1 : i32
      %sub3A_990 = arith.subi %add3A_988, %sub3A_989 : i32
      %lt3A_991 = arith.constant 96 : i32
      %lt3A_992 = arith.cmpi slt, %sub3A_990, %lt3A_991 : i32
      %convert_element_type3A_993 = arith.extui %lt3A_992 : i1 to i32
      %cond3A_994 = arith.constant 0 : i32
      %cond3A_995 = arith.cmpi ne, %convert_element_type3A_993, %cond3A_994 : i32
      scf.if %cond3A_995 {
        %jit3A_1129 = arith.constant 2 : i32
        %div3A_1130 = arith.divsi %sub3A_990, %jit3A_1129 : i32
        %sign3A_1131 = arith.constant 0 : i32
        %sign3A_1132 = arith.cmpi sgt, %sub3A_990, %sign3A_1131 : i32
        %sign3A_1133 = arith.extui %sign3A_1132 : i1 to i32
        %sign3A_1134 = arith.constant 0 : i32
        %sign3A_1135 = arith.cmpi slt, %sub3A_990, %sign3A_1134 : i32
        %sign3A_1136 = arith.extui %sign3A_1135 : i1 to i32
        %sign3A_1137 = arith.subi %sign3A_1133, %sign3A_1136 : i32
        %sign3A_1138 = arith.constant 0 : i32
        %sign3A_1139 = arith.cmpi sgt, %jit3A_1129, %sign3A_1138 : i32
        %sign3A_1140 = arith.extui %sign3A_1139 : i1 to i32
        %sign3A_1141 = arith.constant 0 : i32
        %sign3A_1142 = arith.cmpi slt, %jit3A_1129, %sign3A_1141 : i32
        %sign3A_1143 = arith.extui %sign3A_1142 : i1 to i32
        %sign3A_1144 = arith.subi %sign3A_1140, %sign3A_1143 : i32
        %ne3A_1145 = arith.cmpi ne, %sign3A_1137, %sign3A_1144 : i32
        %rem3A_1146 = arith.remsi %sub3A_990, %jit3A_1129 : i32
        %ne3A_1147 = arith.constant 0 : i32
        %ne3A_1148 = arith.cmpi ne, %rem3A_1146, %ne3A_1147 : i32
        %and3A_1149 = arith.andi %ne3A_1145, %ne3A_1148 : i1
        %sub3A_1150 = arith.constant 1 : i32
        %sub3A_1151 = arith.subi %div3A_1130, %sub3A_1150 : i32
        %select_n3A_1152 = arith.select %and3A_1149, %sub3A_1151, %div3A_1130 : i32
        %mul3A_1153 = arith.constant 2 : i32
        %mul3A_1154 = arith.muli %add3A, %mul3A_1153 : i32
        %jit3A_1155 = arith.constant 2 : i32
        %eq3A_1156 = arith.constant 0 : i32
        %eq3A_1157 = arith.cmpi eq, %jit3A_1155, %eq3A_1156 : i32
        %jit3A_1158 = arith.constant 1 : i32
        %select_n3A_1159 = arith.select %eq3A_1157, %jit3A_1158, %jit3A_1155 : i32
        %rem3A_1160 = arith.remsi %sub3A_990, %select_n3A_1159 : i32
        %ne3A_1161 = arith.constant 0 : i32
        %ne3A_1162 = arith.cmpi ne, %rem3A_1160, %ne3A_1161 : i32
        %lt3A_1163 = arith.constant 0 : i32
        %lt3A_1164 = arith.cmpi slt, %rem3A_1160, %lt3A_1163 : i32
        %lt3A_1165 = arith.constant 0 : i32
        %lt3A_1166 = arith.cmpi slt, %select_n3A_1159, %lt3A_1165 : i32
        %ne3A_1167 = arith.xori %lt3A_1164, %lt3A_1166 : i1
        %and3A_1168 = arith.andi %ne3A_1167, %ne3A_1162 : i1
        %add3A_1169 = arith.addi %rem3A_1160, %select_n3A_1159 : i32
        %select_n3A_1170 = arith.select %and3A_1168, %add3A_1169, %rem3A_1160 : i32
        %add3A_1171 = arith.addi %mul3A_1154, %select_n3A_1170 : i32
        %mul3A_1172 = arith.constant 8 : i32
        %mul3A_1173 = arith.muli %add3A_1171, %mul3A_1172 : i32
        %multiple_of3A_1174 = tpu.assume_multiple %mul3A_1173, 8 : i32
        %dma_start3A_1175 = arith.constant 2 : i32
        %dma_start3A_1176 = arith.constant 0 : i32
        %dma_start3A_1177 = arith.constant 0 : i32
        %dma_start3A_1178 = tpu.memref_slice %arg10[%dma_start3A_1175, %dma_start3A_1176, %dma_start3A_1177] : memref<4x8x512xf32, #tpu.memory_space<vmem>> -> memref<1x8x512xf32, #tpu.memory_space<vmem>>
        %dma_start3A_1179 = tpu.memref_squeeze %dma_start3A_1178 : memref<1x8x512xf32, #tpu.memory_space<vmem>> -> memref<8x512xf32, #tpu.memory_space<vmem>>
        %dma_start3A_1180 = arith.constant 0 : i32
        %dma_start3A_1181 = tpu.memref_slice %arg2[%select_n3A_1152, %multiple_of3A_1174, %dma_start3A_1180] : memref<48x512x512xf32, #tpu.memory_space<hbm>> -> memref<1x8x512xf32, #tpu.memory_space<hbm>>
        %dma_start3A_1182 = tpu.memref_squeeze %dma_start3A_1181 : memref<1x8x512xf32, #tpu.memory_space<hbm>> -> memref<8x512xf32, #tpu.memory_space<hbm>>
        %dma_start3A_1183 = arith.constant 0 : i32
        %dma_start3A_1184 = arith.constant 0 : i32
        %dma_start3A_1185 = tpu.memref_slice %arg10[%dma_start3A_1175, %dma_start3A_1183, %dma_start3A_1184] : memref<4x8x512xf32, #tpu.memory_space<vmem>> -> memref<1x8x512xf32, #tpu.memory_space<vmem>>
        %dma_start3A_1186 = tpu.memref_squeeze %dma_start3A_1185 : memref<1x8x512xf32, #tpu.memory_space<vmem>> -> memref<8x512xf32, #tpu.memory_space<vmem>>
        %dma_start3A_1187 = arith.constant 0 : i32
        %dma_start3A_1188 = tpu.memref_slice %arg2[%select_n3A_1152, %multiple_of3A_1174, %dma_start3A_1187] : memref<48x512x512xf32, #tpu.memory_space<hbm>> -> memref<1x8x512xf32, #tpu.memory_space<hbm>>
        %dma_start3A_1189 = tpu.memref_squeeze %dma_start3A_1188 : memref<1x8x512xf32, #tpu.memory_space<hbm>> -> memref<8x512xf32, #tpu.memory_space<hbm>>
        tpu.enqueue_dma source(%dma_start3A_1189 : memref<8x512xf32, #tpu.memory_space<hbm>>) target(%dma_start3A_1186 : memref<8x512xf32, #tpu.memory_space<vmem>>) target_semaphore(%arg16 : memref<!tpu.dma_semaphore, #tpu.memory_space<semaphore_mem>>)
      } else {
      }
      %gt3A_996 = arith.constant 0 : i32
      %gt3A_997 = arith.cmpi sgt, %scan3A_317, %gt3A_996 : i32
      %convert_element_type3A_998 = arith.extui %gt3A_997 : i1 to i32
      %cond3A_999 = arith.constant 0 : i32
      %cond3A_1000 = arith.cmpi ne, %convert_element_type3A_998, %cond3A_999 : i32
      scf.if %cond3A_1000 {
        %sub3A_1129 = arith.constant 4 : i32
        %sub3A_1130 = arith.subi %add3A_925, %sub3A_1129 : i32
        %jit3A_1131 = arith.constant 2 : i32
        %div3A_1132 = arith.divsi %sub3A_1130, %jit3A_1131 : i32
        %sign3A_1133 = arith.constant 0 : i32
        %sign3A_1134 = arith.cmpi sgt, %sub3A_1130, %sign3A_1133 : i32
        %sign3A_1135 = arith.extui %sign3A_1134 : i1 to i32
        %sign3A_1136 = arith.constant 0 : i32
        %sign3A_1137 = arith.cmpi slt, %sub3A_1130, %sign3A_1136 : i32
        %sign3A_1138 = arith.extui %sign3A_1137 : i1 to i32
        %sign3A_1139 = arith.subi %sign3A_1135, %sign3A_1138 : i32
        %sign3A_1140 = arith.constant 0 : i32
        %sign3A_1141 = arith.cmpi sgt, %jit3A_1131, %sign3A_1140 : i32
        %sign3A_1142 = arith.extui %sign3A_1141 : i1 to i32
        %sign3A_1143 = arith.constant 0 : i32
        %sign3A_1144 = arith.cmpi slt, %jit3A_1131, %sign3A_1143 : i32
        %sign3A_1145 = arith.extui %sign3A_1144 : i1 to i32
        %sign3A_1146 = arith.subi %sign3A_1142, %sign3A_1145 : i32
        %ne3A_1147 = arith.cmpi ne, %sign3A_1139, %sign3A_1146 : i32
        %rem3A_1148 = arith.remsi %sub3A_1130, %jit3A_1131 : i32
        %ne3A_1149 = arith.constant 0 : i32
        %ne3A_1150 = arith.cmpi ne, %rem3A_1148, %ne3A_1149 : i32
        %and3A_1151 = arith.andi %ne3A_1147, %ne3A_1150 : i1
        %sub3A_1152 = arith.constant 1 : i32
        %sub3A_1153 = arith.subi %div3A_1132, %sub3A_1152 : i32
        %select_n3A_1154 = arith.select %and3A_1151, %sub3A_1153, %div3A_1132 : i32
        %mul3A_1155 = arith.constant 2 : i32
        %mul3A_1156 = arith.muli %add3A, %mul3A_1155 : i32
        %jit3A_1157 = arith.constant 2 : i32
        %eq3A_1158 = arith.constant 0 : i32
        %eq3A_1159 = arith.cmpi eq, %jit3A_1157, %eq3A_1158 : i32
        %jit3A_1160 = arith.constant 1 : i32
        %select_n3A_1161 = arith.select %eq3A_1159, %jit3A_1160, %jit3A_1157 : i32
        %rem3A_1162 = arith.remsi %sub3A_1130, %select_n3A_1161 : i32
        %ne3A_1163 = arith.constant 0 : i32
        %ne3A_1164 = arith.cmpi ne, %rem3A_1162, %ne3A_1163 : i32
        %lt3A_1165 = arith.constant 0 : i32
        %lt3A_1166 = arith.cmpi slt, %rem3A_1162, %lt3A_1165 : i32
        %lt3A_1167 = arith.constant 0 : i32
        %lt3A_1168 = arith.cmpi slt, %select_n3A_1161, %lt3A_1167 : i32
        %ne3A_1169 = arith.xori %lt3A_1166, %lt3A_1168 : i1
        %and3A_1170 = arith.andi %ne3A_1169, %ne3A_1164 : i1
        %add3A_1171 = arith.addi %rem3A_1162, %select_n3A_1161 : i32
        %select_n3A_1172 = arith.select %and3A_1170, %add3A_1171, %rem3A_1162 : i32
        %add3A_1173 = arith.addi %mul3A_1156, %select_n3A_1172 : i32
        %mul3A_1174 = arith.constant 8 : i32
        %mul3A_1175 = arith.muli %add3A_1173, %mul3A_1174 : i32
        %multiple_of3A_1176 = tpu.assume_multiple %mul3A_1175, 8 : i32
        %dma_wait3A_1177 = arith.constant 3 : i32
        %dma_wait3A_1178 = arith.constant 0 : i32
        %dma_wait3A_1179 = arith.constant 0 : i32
        %dma_wait3A_1180 = tpu.memref_slice %arg11[%dma_wait3A_1177, %dma_wait3A_1178, %dma_wait3A_1179] : memref<4x8x512xf32, #tpu.memory_space<vmem>> -> memref<1x8x512xf32, #tpu.memory_space<vmem>>
        %dma_wait3A_1181 = tpu.memref_squeeze %dma_wait3A_1180 : memref<1x8x512xf32, #tpu.memory_space<vmem>> -> memref<8x512xf32, #tpu.memory_space<vmem>>
        %dma_wait3A_1182 = arith.constant 0 : i32
        %dma_wait3A_1183 = tpu.memref_slice %arg4[%select_n3A_1154, %multiple_of3A_1176, %dma_wait3A_1182] : memref<48x512x512xf32, #tpu.memory_space<hbm>> -> memref<1x8x512xf32, #tpu.memory_space<hbm>>
        %dma_wait3A_1184 = tpu.memref_squeeze %dma_wait3A_1183 : memref<1x8x512xf32, #tpu.memory_space<hbm>> -> memref<8x512xf32, #tpu.memory_space<hbm>>
        %dma_wait3A_1185 = arith.constant 0 : i32
        %dma_wait3A_1186 = tpu.memref_slice %arg4[%select_n3A_1154, %multiple_of3A_1176, %dma_wait3A_1185] : memref<48x512x512xf32, #tpu.memory_space<hbm>> -> memref<1x8x512xf32, #tpu.memory_space<hbm>>
        %dma_wait3A_1187 = tpu.memref_squeeze %dma_wait3A_1186 : memref<1x8x512xf32, #tpu.memory_space<hbm>> -> memref<8x512xf32, #tpu.memory_space<hbm>>
        %dma_wait3A_1188 = arith.constant 0 : i32
        %dma_wait3A_1189 = arith.constant 0 : i32
        %dma_wait3A_1190 = tpu.memref_slice %arg11[%dma_wait3A_1177, %dma_wait3A_1188, %dma_wait3A_1189] : memref<4x8x512xf32, #tpu.memory_space<vmem>> -> memref<1x8x512xf32, #tpu.memory_space<vmem>>
        %dma_wait3A_1191 = tpu.memref_squeeze %dma_wait3A_1190 : memref<1x8x512xf32, #tpu.memory_space<vmem>> -> memref<8x512xf32, #tpu.memory_space<vmem>>
        tpu.wait_dma2 semaphore(%arg21 : memref<!tpu.dma_semaphore, #tpu.memory_space<semaphore_mem>>) src(%dma_wait3A_1191 : memref<8x512xf32, #tpu.memory_space<vmem>>) dst(%dma_wait3A_1187 : memref<8x512xf32, #tpu.memory_space<hbm>>)
        %dma_wait3A_1192 = arith.constant 3 : i32
        %dma_wait3A_1193 = arith.constant 0 : i32
        %dma_wait3A_1194 = arith.constant 0 : i32
        %dma_wait3A_1195 = tpu.memref_slice %arg12[%dma_wait3A_1192, %dma_wait3A_1193, %dma_wait3A_1194] : memref<4x8x512xf32, #tpu.memory_space<vmem>> -> memref<1x8x512xf32, #tpu.memory_space<vmem>>
        %dma_wait3A_1196 = tpu.memref_squeeze %dma_wait3A_1195 : memref<1x8x512xf32, #tpu.memory_space<vmem>> -> memref<8x512xf32, #tpu.memory_space<vmem>>
        %dma_wait3A_1197 = arith.constant 0 : i32
        %dma_wait3A_1198 = tpu.memref_slice %arg5[%select_n3A_1154, %multiple_of3A_1176, %dma_wait3A_1197] : memref<48x512x512xf32, #tpu.memory_space<hbm>> -> memref<1x8x512xf32, #tpu.memory_space<hbm>>
        %dma_wait3A_1199 = tpu.memref_squeeze %dma_wait3A_1198 : memref<1x8x512xf32, #tpu.memory_space<hbm>> -> memref<8x512xf32, #tpu.memory_space<hbm>>
        %dma_wait3A_1200 = arith.constant 0 : i32
        %dma_wait3A_1201 = tpu.memref_slice %arg5[%select_n3A_1154, %multiple_of3A_1176, %dma_wait3A_1200] : memref<48x512x512xf32, #tpu.memory_space<hbm>> -> memref<1x8x512xf32, #tpu.memory_space<hbm>>
        %dma_wait3A_1202 = tpu.memref_squeeze %dma_wait3A_1201 : memref<1x8x512xf32, #tpu.memory_space<hbm>> -> memref<8x512xf32, #tpu.memory_space<hbm>>
        %dma_wait3A_1203 = arith.constant 0 : i32
        %dma_wait3A_1204 = arith.constant 0 : i32
        %dma_wait3A_1205 = tpu.memref_slice %arg12[%dma_wait3A_1192, %dma_wait3A_1203, %dma_wait3A_1204] : memref<4x8x512xf32, #tpu.memory_space<vmem>> -> memref<1x8x512xf32, #tpu.memory_space<vmem>>
        %dma_wait3A_1206 = tpu.memref_squeeze %dma_wait3A_1205 : memref<1x8x512xf32, #tpu.memory_space<vmem>> -> memref<8x512xf32, #tpu.memory_space<vmem>>
        tpu.wait_dma2 semaphore(%arg21 : memref<!tpu.dma_semaphore, #tpu.memory_space<semaphore_mem>>) src(%dma_wait3A_1206 : memref<8x512xf32, #tpu.memory_space<vmem>>) dst(%dma_wait3A_1202 : memref<8x512xf32, #tpu.memory_space<hbm>>)
        %dma_wait3A_1207 = arith.constant 3 : i32
        %dma_wait3A_1208 = arith.constant 0 : i32
        %dma_wait3A_1209 = arith.constant 0 : i32
        %dma_wait3A_1210 = tpu.memref_slice %arg13[%dma_wait3A_1207, %dma_wait3A_1208, %dma_wait3A_1209] : memref<4x8x512xf32, #tpu.memory_space<vmem>> -> memref<1x8x512xf32, #tpu.memory_space<vmem>>
        %dma_wait3A_1211 = tpu.memref_squeeze %dma_wait3A_1210 : memref<1x8x512xf32, #tpu.memory_space<vmem>> -> memref<8x512xf32, #tpu.memory_space<vmem>>
        %dma_wait3A_1212 = arith.constant 0 : i32
        %dma_wait3A_1213 = tpu.memref_slice %arg6[%select_n3A_1154, %multiple_of3A_1176, %dma_wait3A_1212] : memref<48x512x512xf32, #tpu.memory_space<hbm>> -> memref<1x8x512xf32, #tpu.memory_space<hbm>>
        %dma_wait3A_1214 = tpu.memref_squeeze %dma_wait3A_1213 : memref<1x8x512xf32, #tpu.memory_space<hbm>> -> memref<8x512xf32, #tpu.memory_space<hbm>>
        %dma_wait3A_1215 = arith.constant 0 : i32
        %dma_wait3A_1216 = tpu.memref_slice %arg6[%select_n3A_1154, %multiple_of3A_1176, %dma_wait3A_1215] : memref<48x512x512xf32, #tpu.memory_space<hbm>> -> memref<1x8x512xf32, #tpu.memory_space<hbm>>
        %dma_wait3A_1217 = tpu.memref_squeeze %dma_wait3A_1216 : memref<1x8x512xf32, #tpu.memory_space<hbm>> -> memref<8x512xf32, #tpu.memory_space<hbm>>
        %dma_wait3A_1218 = arith.constant 0 : i32
        %dma_wait3A_1219 = arith.constant 0 : i32
        %dma_wait3A_1220 = tpu.memref_slice %arg13[%dma_wait3A_1207, %dma_wait3A_1218, %dma_wait3A_1219] : memref<4x8x512xf32, #tpu.memory_space<vmem>> -> memref<1x8x512xf32, #tpu.memory_space<vmem>>
        %dma_wait3A_1221 = tpu.memref_squeeze %dma_wait3A_1220 : memref<1x8x512xf32, #tpu.memory_space<vmem>> -> memref<8x512xf32, #tpu.memory_space<vmem>>
        tpu.wait_dma2 semaphore(%arg21 : memref<!tpu.dma_semaphore, #tpu.memory_space<semaphore_mem>>) src(%dma_wait3A_1221 : memref<8x512xf32, #tpu.memory_space<vmem>>) dst(%dma_wait3A_1217 : memref<8x512xf32, #tpu.memory_space<hbm>>)
      } else {
      }
      %jit3A_1001 = arith.constant 2 : i32
      %div3A_1002 = arith.divsi %add3A_925, %jit3A_1001 : i32
      %sign3A_1003 = arith.constant 0 : i32
      %sign3A_1004 = arith.cmpi sgt, %add3A_925, %sign3A_1003 : i32
      %sign3A_1005 = arith.extui %sign3A_1004 : i1 to i32
      %sign3A_1006 = arith.constant 0 : i32
      %sign3A_1007 = arith.cmpi slt, %add3A_925, %sign3A_1006 : i32
      %sign3A_1008 = arith.extui %sign3A_1007 : i1 to i32
      %sign3A_1009 = arith.subi %sign3A_1005, %sign3A_1008 : i32
      %sign3A_1010 = arith.constant 0 : i32
      %sign3A_1011 = arith.cmpi sgt, %jit3A_1001, %sign3A_1010 : i32
      %sign3A_1012 = arith.extui %sign3A_1011 : i1 to i32
      %sign3A_1013 = arith.constant 0 : i32
      %sign3A_1014 = arith.cmpi slt, %jit3A_1001, %sign3A_1013 : i32
      %sign3A_1015 = arith.extui %sign3A_1014 : i1 to i32
      %sign3A_1016 = arith.subi %sign3A_1012, %sign3A_1015 : i32
      %ne3A_1017 = arith.cmpi ne, %sign3A_1009, %sign3A_1016 : i32
      %rem3A_1018 = arith.remsi %add3A_925, %jit3A_1001 : i32
      %ne3A_1019 = arith.constant 0 : i32
      %ne3A_1020 = arith.cmpi ne, %rem3A_1018, %ne3A_1019 : i32
      %and3A_1021 = arith.andi %ne3A_1017, %ne3A_1020 : i1
      %sub3A_1022 = arith.constant 1 : i32
      %sub3A_1023 = arith.subi %div3A_1002, %sub3A_1022 : i32
      %select_n3A_1024 = arith.select %and3A_1021, %sub3A_1023, %div3A_1002 : i32
      %mul3A_1025 = arith.constant 256 : i32
      %mul3A_1026 = arith.muli %select_n3A_1024, %mul3A_1025 : i32
      %convert_element_type3A_1027 = arith.sitofp %mul3A_1026 : i32 to f32
      %add3A_1028 = arith.constant 0x4B000000 : f32
      %add3A_1029 = arith.addf %convert_element_type3A_1027, %add3A_1028 : f32
      %broadcast_in_dim3A_1030 = arith.constant 0.000000e+00 : f32
      %broadcast_in_dim3A_1031 = vector.broadcast %broadcast_in_dim3A_1030 : f32 to vector<16xf32>
      %add3A_1032 = vector.broadcast %add3A_1029 : f32 to vector<16xf32>
      %add3A_1033 = arith.addf %broadcast_in_dim3A_1031, %add3A_1032 : vector<16xf32>
      %parallel_loop3A_1034 = arith.constant 0 : i32
      %parallel_loop3A_1035 = arith.constant 256 : i32
      %parallel_loop3A_1036 = arith.constant 1 : i32
      scf.for %parallel_loop3A_1129 = %parallel_loop3A_1034 to %parallel_loop3A_1035 step %parallel_loop3A_1036  : i32 {
        %parallel_loop3A_1130 = arith.constant 32 : i32
        %parallel_loop3A_1131 = arith.divsi %parallel_loop3A_1129, %parallel_loop3A_1130 : i32
        %parallel_loop3A_1132 = arith.constant 0 : i32
        %parallel_loop3A_1133 = arith.cmpi sgt, %parallel_loop3A_1129, %parallel_loop3A_1132 : i32
        %parallel_loop3A_1134 = arith.extui %parallel_loop3A_1133 : i1 to i32
        %parallel_loop3A_1135 = arith.constant 0 : i32
        %parallel_loop3A_1136 = arith.cmpi slt, %parallel_loop3A_1129, %parallel_loop3A_1135 : i32
        %parallel_loop3A_1137 = arith.extui %parallel_loop3A_1136 : i1 to i32
        %parallel_loop3A_1138 = arith.subi %parallel_loop3A_1134, %parallel_loop3A_1137 : i32
        %parallel_loop3A_1139 = arith.constant 0 : i32
        %parallel_loop3A_1140 = arith.cmpi sgt, %parallel_loop3A_1130, %parallel_loop3A_1139 : i32
        %parallel_loop3A_1141 = arith.extui %parallel_loop3A_1140 : i1 to i32
        %parallel_loop3A_1142 = arith.constant 0 : i32
        %parallel_loop3A_1143 = arith.cmpi slt, %parallel_loop3A_1130, %parallel_loop3A_1142 : i32
        %parallel_loop3A_1144 = arith.extui %parallel_loop3A_1143 : i1 to i32
        %parallel_loop3A_1145 = arith.subi %parallel_loop3A_1141, %parallel_loop3A_1144 : i32
        %parallel_loop3A_1146 = arith.cmpi ne, %parallel_loop3A_1138, %parallel_loop3A_1145 : i32
        %parallel_loop3A_1147 = arith.remsi %parallel_loop3A_1129, %parallel_loop3A_1130 : i32
        %parallel_loop3A_1148 = arith.constant 0 : i32
        %parallel_loop3A_1149 = arith.cmpi ne, %parallel_loop3A_1147, %parallel_loop3A_1148 : i32
        %parallel_loop3A_1150 = arith.andi %parallel_loop3A_1146, %parallel_loop3A_1149 : i1
        %parallel_loop3A_1151 = arith.constant 1 : i32
        %parallel_loop3A_1152 = arith.subi %parallel_loop3A_1131, %parallel_loop3A_1151 : i32
        %parallel_loop3A_1153 = arith.select %parallel_loop3A_1150, %parallel_loop3A_1152, %parallel_loop3A_1131 : i32
        %parallel_loop3A_1154 = arith.constant 32 : i32
        %parallel_loop3A_1155 = arith.constant 0 : i32
        %parallel_loop3A_1156 = arith.cmpi eq, %parallel_loop3A_1154, %parallel_loop3A_1155 : i32
        %parallel_loop3A_1157 = arith.constant 1 : i32
        %parallel_loop3A_1158 = arith.select %parallel_loop3A_1156, %parallel_loop3A_1157, %parallel_loop3A_1154 : i32
        %parallel_loop3A_1159 = arith.remsi %parallel_loop3A_1129, %parallel_loop3A_1158 : i32
        %parallel_loop3A_1160 = arith.constant 0 : i32
        %parallel_loop3A_1161 = arith.cmpi ne, %parallel_loop3A_1159, %parallel_loop3A_1160 : i32
        %parallel_loop3A_1162 = arith.constant 0 : i32
        %parallel_loop3A_1163 = arith.cmpi slt, %parallel_loop3A_1159, %parallel_loop3A_1162 : i32
        %parallel_loop3A_1164 = arith.constant 0 : i32
        %parallel_loop3A_1165 = arith.cmpi slt, %parallel_loop3A_1158, %parallel_loop3A_1164 : i32
        %parallel_loop3A_1166 = arith.xori %parallel_loop3A_1163, %parallel_loop3A_1165 : i1
        %parallel_loop3A_1167 = arith.andi %parallel_loop3A_1166, %parallel_loop3A_1161 : i1
        %parallel_loop3A_1168 = arith.addi %parallel_loop3A_1159, %parallel_loop3A_1158 : i32
        %parallel_loop3A_1169 = arith.select %parallel_loop3A_1167, %parallel_loop3A_1168, %parallel_loop3A_1159 : i32
        %parallel_loop3A_1170 = arith.constant 16 : i32
        %parallel_loop3A_1171 = arith.muli %parallel_loop3A_1169, %parallel_loop3A_1170 : i32
        %parallel_loop3A_1172 = arith.constant 3 : i32
        %parallel_loop3A_1173 = arith.index_cast %parallel_loop3A_1172 : i32 to index
        %parallel_loop3A_1174 = arith.index_cast %parallel_loop3A_1153 : i32 to index
        %parallel_loop3A_1175 = arith.index_cast %parallel_loop3A_1171 : i32 to index
        %parallel_loop3A_1176 = tpu.vector_load %arg10[%parallel_loop3A_1173, %parallel_loop3A_1174, %parallel_loop3A_1175] {strides = array<i32>} : memref<4x8x512xf32, #tpu.memory_space<vmem>>, vector<16xf32>,
        %parallel_loop3A_1177 = arith.constant 2.550000e+02 : f32
        %parallel_loop3A_1178 = vector.broadcast %parallel_loop3A_1177 : f32 to vector<16xf32>
        %parallel_loop3A_1179 = arith.mulf %parallel_loop3A_1176, %parallel_loop3A_1178 : vector<16xf32>
        %parallel_loop3A_1180 = arith.addf %parallel_loop3A_1179, %add3A_1033 : vector<16xf32>
        %parallel_loop3A_1181 = tpu.bitcast %parallel_loop3A_1180 : vector<16xf32> -> vector<16xi32>
        %parallel_loop3A_1182 = arith.constant 16383 : i32
        %parallel_loop3A_1183 = vector.broadcast %parallel_loop3A_1182 : i32 to vector<16xi32>
        %parallel_loop3A_1184 = arith.andi %parallel_loop3A_1181, %parallel_loop3A_1183 : vector<16xi32>
        %parallel_loop3A_1185 = tpu.vector_load_idx %arg7[%parallel_loop3A_1184] : memref<12288xf32, #tpu.memory_space<vmem>>[vector<16xi32>], vector<16xf32>,
        %parallel_loop3A_1186 = arith.constant 3 : i32
        %parallel_loop3A_1187 = arith.index_cast %parallel_loop3A_1186 : i32 to index
        %parallel_loop3A_1188 = arith.index_cast %parallel_loop3A_1153 : i32 to index
        %parallel_loop3A_1189 = arith.index_cast %parallel_loop3A_1171 : i32 to index
        %parallel_loop3A_1190 = tpu.vector_load %arg11[%parallel_loop3A_1187, %parallel_loop3A_1188, %parallel_loop3A_1189] {strides = array<i32>} : memref<4x8x512xf32, #tpu.memory_space<vmem>>, vector<16xf32>,
        tpu.vector_store %arg11[%parallel_loop3A_1187, %parallel_loop3A_1188, %parallel_loop3A_1189], %parallel_loop3A_1185 {strides = array<i32>} : memref<4x8x512xf32, #tpu.memory_space<vmem>>, vector<16xf32>,
        %parallel_loop3A_1191 = tpu.vector_load_idx %arg8[%parallel_loop3A_1184] : memref<12288xf32, #tpu.memory_space<vmem>>[vector<16xi32>], vector<16xf32>,
        %parallel_loop3A_1192 = arith.constant 3 : i32
        %parallel_loop3A_1193 = arith.index_cast %parallel_loop3A_1192 : i32 to index
        %parallel_loop3A_1194 = arith.index_cast %parallel_loop3A_1153 : i32 to index
        %parallel_loop3A_1195 = arith.index_cast %parallel_loop3A_1171 : i32 to index
        %parallel_loop3A_1196 = tpu.vector_load %arg12[%parallel_loop3A_1193, %parallel_loop3A_1194, %parallel_loop3A_1195] {strides = array<i32>} : memref<4x8x512xf32, #tpu.memory_space<vmem>>, vector<16xf32>,
        tpu.vector_store %arg12[%parallel_loop3A_1193, %parallel_loop3A_1194, %parallel_loop3A_1195], %parallel_loop3A_1191 {strides = array<i32>} : memref<4x8x512xf32, #tpu.memory_space<vmem>>, vector<16xf32>,
        %parallel_loop3A_1197 = tpu.vector_load_idx %arg9[%parallel_loop3A_1184] : memref<12288xf32, #tpu.memory_space<vmem>>[vector<16xi32>], vector<16xf32>,
        %parallel_loop3A_1198 = arith.constant 3 : i32
        %parallel_loop3A_1199 = arith.index_cast %parallel_loop3A_1198 : i32 to index
        %parallel_loop3A_1200 = arith.index_cast %parallel_loop3A_1153 : i32 to index
        %parallel_loop3A_1201 = arith.index_cast %parallel_loop3A_1171 : i32 to index
        %parallel_loop3A_1202 = tpu.vector_load %arg13[%parallel_loop3A_1199, %parallel_loop3A_1200, %parallel_loop3A_1201] {strides = array<i32>} : memref<4x8x512xf32, #tpu.memory_space<vmem>>, vector<16xf32>,
        tpu.vector_store %arg13[%parallel_loop3A_1199, %parallel_loop3A_1200, %parallel_loop3A_1201], %parallel_loop3A_1197 {strides = array<i32>} : memref<4x8x512xf32, #tpu.memory_space<vmem>>, vector<16xf32>,
      } {sc.loop_unroll_factor = 8 : i64, sc.parallel_access}
      %jit3A_1037 = arith.constant 2 : i32
      %div3A_1038 = arith.divsi %add3A_925, %jit3A_1037 : i32
      %sign3A_1039 = arith.constant 0 : i32
      %sign3A_1040 = arith.cmpi sgt, %add3A_925, %sign3A_1039 : i32
      %sign3A_1041 = arith.extui %sign3A_1040 : i1 to i32
      %sign3A_1042 = arith.constant 0 : i32
      %sign3A_1043 = arith.cmpi slt, %add3A_925, %sign3A_1042 : i32
      %sign3A_1044 = arith.extui %sign3A_1043 : i1 to i32
      %sign3A_1045 = arith.subi %sign3A_1041, %sign3A_1044 : i32
      %sign3A_1046 = arith.constant 0 : i32
      %sign3A_1047 = arith.cmpi sgt, %jit3A_1037, %sign3A_1046 : i32
      %sign3A_1048 = arith.extui %sign3A_1047 : i1 to i32
      %sign3A_1049 = arith.constant 0 : i32
      %sign3A_1050 = arith.cmpi slt, %jit3A_1037, %sign3A_1049 : i32
      %sign3A_1051 = arith.extui %sign3A_1050 : i1 to i32
      %sign3A_1052 = arith.subi %sign3A_1048, %sign3A_1051 : i32
      %ne3A_1053 = arith.cmpi ne, %sign3A_1045, %sign3A_1052 : i32
      %rem3A_1054 = arith.remsi %add3A_925, %jit3A_1037 : i32
      %ne3A_1055 = arith.constant 0 : i32
      %ne3A_1056 = arith.cmpi ne, %rem3A_1054, %ne3A_1055 : i32
      %and3A_1057 = arith.andi %ne3A_1053, %ne3A_1056 : i1
      %sub3A_1058 = arith.constant 1 : i32
      %sub3A_1059 = arith.subi %div3A_1038, %sub3A_1058 : i32
      %select_n3A_1060 = arith.select %and3A_1057, %sub3A_1059, %div3A_1038 : i32
      %mul3A_1061 = arith.constant 2 : i32
      %mul3A_1062 = arith.muli %add3A, %mul3A_1061 : i32
      %jit3A_1063 = arith.constant 2 : i32
      %eq3A_1064 = arith.constant 0 : i32
      %eq3A_1065 = arith.cmpi eq, %jit3A_1063, %eq3A_1064 : i32
      %jit3A_1066 = arith.constant 1 : i32
      %select_n3A_1067 = arith.select %eq3A_1065, %jit3A_1066, %jit3A_1063 : i32
      %rem3A_1068 = arith.remsi %add3A_925, %select_n3A_1067 : i32
      %ne3A_1069 = arith.constant 0 : i32
      %ne3A_1070 = arith.cmpi ne, %rem3A_1068, %ne3A_1069 : i32
      %lt3A_1071 = arith.constant 0 : i32
      %lt3A_1072 = arith.cmpi slt, %rem3A_1068, %lt3A_1071 : i32
      %lt3A_1073 = arith.constant 0 : i32
      %lt3A_1074 = arith.cmpi slt, %select_n3A_1067, %lt3A_1073 : i32
      %ne3A_1075 = arith.xori %lt3A_1072, %lt3A_1074 : i1
      %and3A_1076 = arith.andi %ne3A_1075, %ne3A_1070 : i1
      %add3A_1077 = arith.addi %rem3A_1068, %select_n3A_1067 : i32
      %select_n3A_1078 = arith.select %and3A_1076, %add3A_1077, %rem3A_1068 : i32
      %add3A_1079 = arith.addi %mul3A_1062, %select_n3A_1078 : i32
      %mul3A_1080 = arith.constant 8 : i32
      %mul3A_1081 = arith.muli %add3A_1079, %mul3A_1080 : i32
      %multiple_of3A_1082 = tpu.assume_multiple %mul3A_1081, 8 : i32
      %dma_start3A_1083 = arith.constant 3 : i32
      %dma_start3A_1084 = arith.constant 0 : i32
      %dma_start3A_1085 = arith.constant 0 : i32
      %dma_start3A_1086 = tpu.memref_slice %arg11[%dma_start3A_1083, %dma_start3A_1084, %dma_start3A_1085] : memref<4x8x512xf32, #tpu.memory_space<vmem>> -> memref<1x8x512xf32, #tpu.memory_space<vmem>>
      %dma_start3A_1087 = tpu.memref_squeeze %dma_start3A_1086 : memref<1x8x512xf32, #tpu.memory_space<vmem>> -> memref<8x512xf32, #tpu.memory_space<vmem>>
      %dma_start3A_1088 = arith.constant 0 : i32
      %dma_start3A_1089 = tpu.memref_slice %arg4[%select_n3A_1060, %multiple_of3A_1082, %dma_start3A_1088] : memref<48x512x512xf32, #tpu.memory_space<hbm>> -> memref<1x8x512xf32, #tpu.memory_space<hbm>>
      %dma_start3A_1090 = tpu.memref_squeeze %dma_start3A_1089 : memref<1x8x512xf32, #tpu.memory_space<hbm>> -> memref<8x512xf32, #tpu.memory_space<hbm>>
      %dma_start3A_1091 = arith.constant 0 : i32
      %dma_start3A_1092 = tpu.memref_slice %arg4[%select_n3A_1060, %multiple_of3A_1082, %dma_start3A_1091] : memref<48x512x512xf32, #tpu.memory_space<hbm>> -> memref<1x8x512xf32, #tpu.memory_space<hbm>>
      %dma_start3A_1093 = tpu.memref_squeeze %dma_start3A_1092 : memref<1x8x512xf32, #tpu.memory_space<hbm>> -> memref<8x512xf32, #tpu.memory_space<hbm>>
      %dma_start3A_1094 = arith.constant 0 : i32
      %dma_start3A_1095 = arith.constant 0 : i32
      %dma_start3A_1096 = tpu.memref_slice %arg11[%dma_start3A_1083, %dma_start3A_1094, %dma_start3A_1095] : memref<4x8x512xf32, #tpu.memory_space<vmem>> -> memref<1x8x512xf32, #tpu.memory_space<vmem>>
      %dma_start3A_1097 = tpu.memref_squeeze %dma_start3A_1096 : memref<1x8x512xf32, #tpu.memory_space<vmem>> -> memref<8x512xf32, #tpu.memory_space<vmem>>
      tpu.enqueue_dma source(%dma_start3A_1097 : memref<8x512xf32, #tpu.memory_space<vmem>>) target(%dma_start3A_1093 : memref<8x512xf32, #tpu.memory_space<hbm>>) target_semaphore(%arg21 : memref<!tpu.dma_semaphore, #tpu.memory_space<semaphore_mem>>)
      %dma_start3A_1098 = arith.constant 3 : i32
      %dma_start3A_1099 = arith.constant 0 : i32
      %dma_start3A_1100 = arith.constant 0 : i32
      %dma_start3A_1101 = tpu.memref_slice %arg12[%dma_start3A_1098, %dma_start3A_1099, %dma_start3A_1100] : memref<4x8x512xf32, #tpu.memory_space<vmem>> -> memref<1x8x512xf32, #tpu.memory_space<vmem>>
      %dma_start3A_1102 = tpu.memref_squeeze %dma_start3A_1101 : memref<1x8x512xf32, #tpu.memory_space<vmem>> -> memref<8x512xf32, #tpu.memory_space<vmem>>
      %dma_start3A_1103 = arith.constant 0 : i32
      %dma_start3A_1104 = tpu.memref_slice %arg5[%select_n3A_1060, %multiple_of3A_1082, %dma_start3A_1103] : memref<48x512x512xf32, #tpu.memory_space<hbm>> -> memref<1x8x512xf32, #tpu.memory_space<hbm>>
      %dma_start3A_1105 = tpu.memref_squeeze %dma_start3A_1104 : memref<1x8x512xf32, #tpu.memory_space<hbm>> -> memref<8x512xf32, #tpu.memory_space<hbm>>
      %dma_start3A_1106 = arith.constant 0 : i32
      %dma_start3A_1107 = tpu.memref_slice %arg5[%select_n3A_1060, %multiple_of3A_1082, %dma_start3A_1106] : memref<48x512x512xf32, #tpu.memory_space<hbm>> -> memref<1x8x512xf32, #tpu.memory_space<hbm>>
      %dma_start3A_1108 = tpu.memref_squeeze %dma_start3A_1107 : memref<1x8x512xf32, #tpu.memory_space<hbm>> -> memref<8x512xf32, #tpu.memory_space<hbm>>
      %dma_start3A_1109 = arith.constant 0 : i32
      %dma_start3A_1110 = arith.constant 0 : i32
      %dma_start3A_1111 = tpu.memref_slice %arg12[%dma_start3A_1098, %dma_start3A_1109, %dma_start3A_1110] : memref<4x8x512xf32, #tpu.memory_space<vmem>> -> memref<1x8x512xf32, #tpu.memory_space<vmem>>
      %dma_start3A_1112 = tpu.memref_squeeze %dma_start3A_1111 : memref<1x8x512xf32, #tpu.memory_space<vmem>> -> memref<8x512xf32, #tpu.memory_space<vmem>>
      tpu.enqueue_dma source(%dma_start3A_1112 : memref<8x512xf32, #tpu.memory_space<vmem>>) target(%dma_start3A_1108 : memref<8x512xf32, #tpu.memory_space<hbm>>) target_semaphore(%arg21 : memref<!tpu.dma_semaphore, #tpu.memory_space<semaphore_mem>>)
      %dma_start3A_1113 = arith.constant 3 : i32
      %dma_start3A_1114 = arith.constant 0 : i32
      %dma_start3A_1115 = arith.constant 0 : i32
      %dma_start3A_1116 = tpu.memref_slice %arg13[%dma_start3A_1113, %dma_start3A_1114, %dma_start3A_1115] : memref<4x8x512xf32, #tpu.memory_space<vmem>> -> memref<1x8x512xf32, #tpu.memory_space<vmem>>
      %dma_start3A_1117 = tpu.memref_squeeze %dma_start3A_1116 : memref<1x8x512xf32, #tpu.memory_space<vmem>> -> memref<8x512xf32, #tpu.memory_space<vmem>>
      %dma_start3A_1118 = arith.constant 0 : i32
      %dma_start3A_1119 = tpu.memref_slice %arg6[%select_n3A_1060, %multiple_of3A_1082, %dma_start3A_1118] : memref<48x512x512xf32, #tpu.memory_space<hbm>> -> memref<1x8x512xf32, #tpu.memory_space<hbm>>
      %dma_start3A_1120 = tpu.memref_squeeze %dma_start3A_1119 : memref<1x8x512xf32, #tpu.memory_space<hbm>> -> memref<8x512xf32, #tpu.memory_space<hbm>>
      %dma_start3A_1121 = arith.constant 0 : i32
      %dma_start3A_1122 = tpu.memref_slice %arg6[%select_n3A_1060, %multiple_of3A_1082, %dma_start3A_1121] : memref<48x512x512xf32, #tpu.memory_space<hbm>> -> memref<1x8x512xf32, #tpu.memory_space<hbm>>
      %dma_start3A_1123 = tpu.memref_squeeze %dma_start3A_1122 : memref<1x8x512xf32, #tpu.memory_space<hbm>> -> memref<8x512xf32, #tpu.memory_space<hbm>>
      %dma_start3A_1124 = arith.constant 0 : i32
      %dma_start3A_1125 = arith.constant 0 : i32
      %dma_start3A_1126 = tpu.memref_slice %arg13[%dma_start3A_1113, %dma_start3A_1124, %dma_start3A_1125] : memref<4x8x512xf32, #tpu.memory_space<vmem>> -> memref<1x8x512xf32, #tpu.memory_space<vmem>>
      %dma_start3A_1127 = tpu.memref_squeeze %dma_start3A_1126 : memref<1x8x512xf32, #tpu.memory_space<vmem>> -> memref<8x512xf32, #tpu.memory_space<vmem>>
      tpu.enqueue_dma source(%dma_start3A_1127 : memref<8x512xf32, #tpu.memory_space<vmem>>) target(%dma_start3A_1123 : memref<8x512xf32, #tpu.memory_space<hbm>>) target_semaphore(%arg21 : memref<!tpu.dma_semaphore, #tpu.memory_space<semaphore_mem>>)
      %scan3A_1128 = arith.constant 0 : i32
      scf.yield %scan3A_1128 : i32
    }
    %scan3A_96 = arith.constant 24 : i32
    %mul3A_97 = arith.constant 2 : i32
    %mul3A_98 = arith.muli %add3A, %mul3A_97 : i32
    %add3A_99 = arith.constant 0 : i32
    %add3A_100 = arith.addi %mul3A_98, %add3A_99 : i32
    %mul3A_101 = arith.constant 8 : i32
    %mul3A_102 = arith.muli %add3A_100, %mul3A_101 : i32
    %multiple_of3A_103 = tpu.assume_multiple %mul3A_102, 8 : i32
    %dma_wait3A_104 = arith.constant 0 : i32
    %dma_wait3A_105 = arith.constant 46 : i32
    %dma_wait3A_106 = arith.constant 0 : i32
    %dma_wait3A_107 = arith.constant 0 : i32
    %dma_wait3A_108 = tpu.memref_slice %arg11[%dma_wait3A_104, %dma_wait3A_106, %dma_wait3A_107] : memref<4x8x512xf32, #tpu.memory_space<vmem>> -> memref<1x8x512xf32, #tpu.memory_space<vmem>>
    %dma_wait3A_109 = tpu.memref_squeeze %dma_wait3A_108 : memref<1x8x512xf32, #tpu.memory_space<vmem>> -> memref<8x512xf32, #tpu.memory_space<vmem>>
    %dma_wait3A_110 = arith.constant 0 : i32
    %dma_wait3A_111 = tpu.memref_slice %arg4[%dma_wait3A_105, %multiple_of3A_103, %dma_wait3A_110] : memref<48x512x512xf32, #tpu.memory_space<hbm>> -> memref<1x8x512xf32, #tpu.memory_space<hbm>>
    %dma_wait3A_112 = tpu.memref_squeeze %dma_wait3A_111 : memref<1x8x512xf32, #tpu.memory_space<hbm>> -> memref<8x512xf32, #tpu.memory_space<hbm>>
    %dma_wait3A_113 = arith.constant 0 : i32
    %dma_wait3A_114 = tpu.memref_slice %arg4[%dma_wait3A_105, %multiple_of3A_103, %dma_wait3A_113] : memref<48x512x512xf32, #tpu.memory_space<hbm>> -> memref<1x8x512xf32, #tpu.memory_space<hbm>>
    %dma_wait3A_115 = tpu.memref_squeeze %dma_wait3A_114 : memref<1x8x512xf32, #tpu.memory_space<hbm>> -> memref<8x512xf32, #tpu.memory_space<hbm>>
    %dma_wait3A_116 = arith.constant 0 : i32
    %dma_wait3A_117 = arith.constant 0 : i32
    %dma_wait3A_118 = tpu.memref_slice %arg11[%dma_wait3A_104, %dma_wait3A_116, %dma_wait3A_117] : memref<4x8x512xf32, #tpu.memory_space<vmem>> -> memref<1x8x512xf32, #tpu.memory_space<vmem>>
    %dma_wait3A_119 = tpu.memref_squeeze %dma_wait3A_118 : memref<1x8x512xf32, #tpu.memory_space<vmem>> -> memref<8x512xf32, #tpu.memory_space<vmem>>
    tpu.wait_dma2 semaphore(%arg18 : memref<!tpu.dma_semaphore, #tpu.memory_space<semaphore_mem>>) src(%dma_wait3A_119 : memref<8x512xf32, #tpu.memory_space<vmem>>) dst(%dma_wait3A_115 : memref<8x512xf32, #tpu.memory_space<hbm>>)
    %dma_wait3A_120 = arith.constant 0 : i32
    %dma_wait3A_121 = arith.constant 46 : i32
    %dma_wait3A_122 = arith.constant 0 : i32
    %dma_wait3A_123 = arith.constant 0 : i32
    %dma_wait3A_124 = tpu.memref_slice %arg12[%dma_wait3A_120, %dma_wait3A_122, %dma_wait3A_123] : memref<4x8x512xf32, #tpu.memory_space<vmem>> -> memref<1x8x512xf32, #tpu.memory_space<vmem>>
    %dma_wait3A_125 = tpu.memref_squeeze %dma_wait3A_124 : memref<1x8x512xf32, #tpu.memory_space<vmem>> -> memref<8x512xf32, #tpu.memory_space<vmem>>
    %dma_wait3A_126 = arith.constant 0 : i32
    %dma_wait3A_127 = tpu.memref_slice %arg5[%dma_wait3A_121, %multiple_of3A_103, %dma_wait3A_126] : memref<48x512x512xf32, #tpu.memory_space<hbm>> -> memref<1x8x512xf32, #tpu.memory_space<hbm>>
    %dma_wait3A_128 = tpu.memref_squeeze %dma_wait3A_127 : memref<1x8x512xf32, #tpu.memory_space<hbm>> -> memref<8x512xf32, #tpu.memory_space<hbm>>
    %dma_wait3A_129 = arith.constant 0 : i32
    %dma_wait3A_130 = tpu.memref_slice %arg5[%dma_wait3A_121, %multiple_of3A_103, %dma_wait3A_129] : memref<48x512x512xf32, #tpu.memory_space<hbm>> -> memref<1x8x512xf32, #tpu.memory_space<hbm>>
    %dma_wait3A_131 = tpu.memref_squeeze %dma_wait3A_130 : memref<1x8x512xf32, #tpu.memory_space<hbm>> -> memref<8x512xf32, #tpu.memory_space<hbm>>
    %dma_wait3A_132 = arith.constant 0 : i32
    %dma_wait3A_133 = arith.constant 0 : i32
    %dma_wait3A_134 = tpu.memref_slice %arg12[%dma_wait3A_120, %dma_wait3A_132, %dma_wait3A_133] : memref<4x8x512xf32, #tpu.memory_space<vmem>> -> memref<1x8x512xf32, #tpu.memory_space<vmem>>
    %dma_wait3A_135 = tpu.memref_squeeze %dma_wait3A_134 : memref<1x8x512xf32, #tpu.memory_space<vmem>> -> memref<8x512xf32, #tpu.memory_space<vmem>>
    tpu.wait_dma2 semaphore(%arg18 : memref<!tpu.dma_semaphore, #tpu.memory_space<semaphore_mem>>) src(%dma_wait3A_135 : memref<8x512xf32, #tpu.memory_space<vmem>>) dst(%dma_wait3A_131 : memref<8x512xf32, #tpu.memory_space<hbm>>)
    %dma_wait3A_136 = arith.constant 0 : i32
    %dma_wait3A_137 = arith.constant 46 : i32
    %dma_wait3A_138 = arith.constant 0 : i32
    %dma_wait3A_139 = arith.constant 0 : i32
    %dma_wait3A_140 = tpu.memref_slice %arg13[%dma_wait3A_136, %dma_wait3A_138, %dma_wait3A_139] : memref<4x8x512xf32, #tpu.memory_space<vmem>> -> memref<1x8x512xf32, #tpu.memory_space<vmem>>
    %dma_wait3A_141 = tpu.memref_squeeze %dma_wait3A_140 : memref<1x8x512xf32, #tpu.memory_space<vmem>> -> memref<8x512xf32, #tpu.memory_space<vmem>>
    %dma_wait3A_142 = arith.constant 0 : i32
    %dma_wait3A_143 = tpu.memref_slice %arg6[%dma_wait3A_137, %multiple_of3A_103, %dma_wait3A_142] : memref<48x512x512xf32, #tpu.memory_space<hbm>> -> memref<1x8x512xf32, #tpu.memory_space<hbm>>
    %dma_wait3A_144 = tpu.memref_squeeze %dma_wait3A_143 : memref<1x8x512xf32, #tpu.memory_space<hbm>> -> memref<8x512xf32, #tpu.memory_space<hbm>>
    %dma_wait3A_145 = arith.constant 0 : i32
    %dma_wait3A_146 = tpu.memref_slice %arg6[%dma_wait3A_137, %multiple_of3A_103, %dma_wait3A_145] : memref<48x512x512xf32, #tpu.memory_space<hbm>> -> memref<1x8x512xf32, #tpu.memory_space<hbm>>
    %dma_wait3A_147 = tpu.memref_squeeze %dma_wait3A_146 : memref<1x8x512xf32, #tpu.memory_space<hbm>> -> memref<8x512xf32, #tpu.memory_space<hbm>>
    %dma_wait3A_148 = arith.constant 0 : i32
    %dma_wait3A_149 = arith.constant 0 : i32
    %dma_wait3A_150 = tpu.memref_slice %arg13[%dma_wait3A_136, %dma_wait3A_148, %dma_wait3A_149] : memref<4x8x512xf32, #tpu.memory_space<vmem>> -> memref<1x8x512xf32, #tpu.memory_space<vmem>>
    %dma_wait3A_151 = tpu.memref_squeeze %dma_wait3A_150 : memref<1x8x512xf32, #tpu.memory_space<vmem>> -> memref<8x512xf32, #tpu.memory_space<vmem>>
    tpu.wait_dma2 semaphore(%arg18 : memref<!tpu.dma_semaphore, #tpu.memory_space<semaphore_mem>>) src(%dma_wait3A_151 : memref<8x512xf32, #tpu.memory_space<vmem>>) dst(%dma_wait3A_147 : memref<8x512xf32, #tpu.memory_space<hbm>>)
    %mul3A_152 = arith.constant 2 : i32
    %mul3A_153 = arith.muli %add3A, %mul3A_152 : i32
    %add3A_154 = arith.constant 1 : i32
    %add3A_155 = arith.addi %mul3A_153, %add3A_154 : i32
    %mul3A_156 = arith.constant 8 : i32
    %mul3A_157 = arith.muli %add3A_155, %mul3A_156 : i32
    %multiple_of3A_158 = tpu.assume_multiple %mul3A_157, 8 : i32
    %dma_wait3A_159 = arith.constant 1 : i32
    %dma_wait3A_160 = arith.constant 46 : i32
    %dma_wait3A_161 = arith.constant 0 : i32
    %dma_wait3A_162 = arith.constant 0 : i32
    %dma_wait3A_163 = tpu.memref_slice %arg11[%dma_wait3A_159, %dma_wait3A_161, %dma_wait3A_162] : memref<4x8x512xf32, #tpu.memory_space<vmem>> -> memref<1x8x512xf32, #tpu.memory_space<vmem>>
    %dma_wait3A_164 = tpu.memref_squeeze %dma_wait3A_163 : memref<1x8x512xf32, #tpu.memory_space<vmem>> -> memref<8x512xf32, #tpu.memory_space<vmem>>
    %dma_wait3A_165 = arith.constant 0 : i32
    %dma_wait3A_166 = tpu.memref_slice %arg4[%dma_wait3A_160, %multiple_of3A_158, %dma_wait3A_165] : memref<48x512x512xf32, #tpu.memory_space<hbm>> -> memref<1x8x512xf32, #tpu.memory_space<hbm>>
    %dma_wait3A_167 = tpu.memref_squeeze %dma_wait3A_166 : memref<1x8x512xf32, #tpu.memory_space<hbm>> -> memref<8x512xf32, #tpu.memory_space<hbm>>
    %dma_wait3A_168 = arith.constant 0 : i32
    %dma_wait3A_169 = tpu.memref_slice %arg4[%dma_wait3A_160, %multiple_of3A_158, %dma_wait3A_168] : memref<48x512x512xf32, #tpu.memory_space<hbm>> -> memref<1x8x512xf32, #tpu.memory_space<hbm>>
    %dma_wait3A_170 = tpu.memref_squeeze %dma_wait3A_169 : memref<1x8x512xf32, #tpu.memory_space<hbm>> -> memref<8x512xf32, #tpu.memory_space<hbm>>
    %dma_wait3A_171 = arith.constant 0 : i32
    %dma_wait3A_172 = arith.constant 0 : i32
    %dma_wait3A_173 = tpu.memref_slice %arg11[%dma_wait3A_159, %dma_wait3A_171, %dma_wait3A_172] : memref<4x8x512xf32, #tpu.memory_space<vmem>> -> memref<1x8x512xf32, #tpu.memory_space<vmem>>
    %dma_wait3A_174 = tpu.memref_squeeze %dma_wait3A_173 : memref<1x8x512xf32, #tpu.memory_space<vmem>> -> memref<8x512xf32, #tpu.memory_space<vmem>>
    tpu.wait_dma2 semaphore(%arg19 : memref<!tpu.dma_semaphore, #tpu.memory_space<semaphore_mem>>) src(%dma_wait3A_174 : memref<8x512xf32, #tpu.memory_space<vmem>>) dst(%dma_wait3A_170 : memref<8x512xf32, #tpu.memory_space<hbm>>)
    %dma_wait3A_175 = arith.constant 1 : i32
    %dma_wait3A_176 = arith.constant 46 : i32
    %dma_wait3A_177 = arith.constant 0 : i32
    %dma_wait3A_178 = arith.constant 0 : i32
    %dma_wait3A_179 = tpu.memref_slice %arg12[%dma_wait3A_175, %dma_wait3A_177, %dma_wait3A_178] : memref<4x8x512xf32, #tpu.memory_space<vmem>> -> memref<1x8x512xf32, #tpu.memory_space<vmem>>
    %dma_wait3A_180 = tpu.memref_squeeze %dma_wait3A_179 : memref<1x8x512xf32, #tpu.memory_space<vmem>> -> memref<8x512xf32, #tpu.memory_space<vmem>>
    %dma_wait3A_181 = arith.constant 0 : i32
    %dma_wait3A_182 = tpu.memref_slice %arg5[%dma_wait3A_176, %multiple_of3A_158, %dma_wait3A_181] : memref<48x512x512xf32, #tpu.memory_space<hbm>> -> memref<1x8x512xf32, #tpu.memory_space<hbm>>
    %dma_wait3A_183 = tpu.memref_squeeze %dma_wait3A_182 : memref<1x8x512xf32, #tpu.memory_space<hbm>> -> memref<8x512xf32, #tpu.memory_space<hbm>>
    %dma_wait3A_184 = arith.constant 0 : i32
    %dma_wait3A_185 = tpu.memref_slice %arg5[%dma_wait3A_176, %multiple_of3A_158, %dma_wait3A_184] : memref<48x512x512xf32, #tpu.memory_space<hbm>> -> memref<1x8x512xf32, #tpu.memory_space<hbm>>
    %dma_wait3A_186 = tpu.memref_squeeze %dma_wait3A_185 : memref<1x8x512xf32, #tpu.memory_space<hbm>> -> memref<8x512xf32, #tpu.memory_space<hbm>>
    %dma_wait3A_187 = arith.constant 0 : i32
    %dma_wait3A_188 = arith.constant 0 : i32
    %dma_wait3A_189 = tpu.memref_slice %arg12[%dma_wait3A_175, %dma_wait3A_187, %dma_wait3A_188] : memref<4x8x512xf32, #tpu.memory_space<vmem>> -> memref<1x8x512xf32, #tpu.memory_space<vmem>>
    %dma_wait3A_190 = tpu.memref_squeeze %dma_wait3A_189 : memref<1x8x512xf32, #tpu.memory_space<vmem>> -> memref<8x512xf32, #tpu.memory_space<vmem>>
    tpu.wait_dma2 semaphore(%arg19 : memref<!tpu.dma_semaphore, #tpu.memory_space<semaphore_mem>>) src(%dma_wait3A_190 : memref<8x512xf32, #tpu.memory_space<vmem>>) dst(%dma_wait3A_186 : memref<8x512xf32, #tpu.memory_space<hbm>>)
    %dma_wait3A_191 = arith.constant 1 : i32
    %dma_wait3A_192 = arith.constant 46 : i32
    %dma_wait3A_193 = arith.constant 0 : i32
    %dma_wait3A_194 = arith.constant 0 : i32
    %dma_wait3A_195 = tpu.memref_slice %arg13[%dma_wait3A_191, %dma_wait3A_193, %dma_wait3A_194] : memref<4x8x512xf32, #tpu.memory_space<vmem>> -> memref<1x8x512xf32, #tpu.memory_space<vmem>>
    %dma_wait3A_196 = tpu.memref_squeeze %dma_wait3A_195 : memref<1x8x512xf32, #tpu.memory_space<vmem>> -> memref<8x512xf32, #tpu.memory_space<vmem>>
    %dma_wait3A_197 = arith.constant 0 : i32
    %dma_wait3A_198 = tpu.memref_slice %arg6[%dma_wait3A_192, %multiple_of3A_158, %dma_wait3A_197] : memref<48x512x512xf32, #tpu.memory_space<hbm>> -> memref<1x8x512xf32, #tpu.memory_space<hbm>>
    %dma_wait3A_199 = tpu.memref_squeeze %dma_wait3A_198 : memref<1x8x512xf32, #tpu.memory_space<hbm>> -> memref<8x512xf32, #tpu.memory_space<hbm>>
    %dma_wait3A_200 = arith.constant 0 : i32
    %dma_wait3A_201 = tpu.memref_slice %arg6[%dma_wait3A_192, %multiple_of3A_158, %dma_wait3A_200] : memref<48x512x512xf32, #tpu.memory_space<hbm>> -> memref<1x8x512xf32, #tpu.memory_space<hbm>>
    %dma_wait3A_202 = tpu.memref_squeeze %dma_wait3A_201 : memref<1x8x512xf32, #tpu.memory_space<hbm>> -> memref<8x512xf32, #tpu.memory_space<hbm>>
    %dma_wait3A_203 = arith.constant 0 : i32
    %dma_wait3A_204 = arith.constant 0 : i32
    %dma_wait3A_205 = tpu.memref_slice %arg13[%dma_wait3A_191, %dma_wait3A_203, %dma_wait3A_204] : memref<4x8x512xf32, #tpu.memory_space<vmem>> -> memref<1x8x512xf32, #tpu.memory_space<vmem>>
    %dma_wait3A_206 = tpu.memref_squeeze %dma_wait3A_205 : memref<1x8x512xf32, #tpu.memory_space<vmem>> -> memref<8x512xf32, #tpu.memory_space<vmem>>
    tpu.wait_dma2 semaphore(%arg19 : memref<!tpu.dma_semaphore, #tpu.memory_space<semaphore_mem>>) src(%dma_wait3A_206 : memref<8x512xf32, #tpu.memory_space<vmem>>) dst(%dma_wait3A_202 : memref<8x512xf32, #tpu.memory_space<hbm>>)
    %mul3A_207 = arith.constant 2 : i32
    %mul3A_208 = arith.muli %add3A, %mul3A_207 : i32
    %add3A_209 = arith.constant 0 : i32
    %add3A_210 = arith.addi %mul3A_208, %add3A_209 : i32
    %mul3A_211 = arith.constant 8 : i32
    %mul3A_212 = arith.muli %add3A_210, %mul3A_211 : i32
    %multiple_of3A_213 = tpu.assume_multiple %mul3A_212, 8 : i32
    %dma_wait3A_214 = arith.constant 2 : i32
    %dma_wait3A_215 = arith.constant 47 : i32
    %dma_wait3A_216 = arith.constant 0 : i32
    %dma_wait3A_217 = arith.constant 0 : i32
    %dma_wait3A_218 = tpu.memref_slice %arg11[%dma_wait3A_214, %dma_wait3A_216, %dma_wait3A_217] : memref<4x8x512xf32, #tpu.memory_space<vmem>> -> memref<1x8x512xf32, #tpu.memory_space<vmem>>
    %dma_wait3A_219 = tpu.memref_squeeze %dma_wait3A_218 : memref<1x8x512xf32, #tpu.memory_space<vmem>> -> memref<8x512xf32, #tpu.memory_space<vmem>>
    %dma_wait3A_220 = arith.constant 0 : i32
    %dma_wait3A_221 = tpu.memref_slice %arg4[%dma_wait3A_215, %multiple_of3A_213, %dma_wait3A_220] : memref<48x512x512xf32, #tpu.memory_space<hbm>> -> memref<1x8x512xf32, #tpu.memory_space<hbm>>
    %dma_wait3A_222 = tpu.memref_squeeze %dma_wait3A_221 : memref<1x8x512xf32, #tpu.memory_space<hbm>> -> memref<8x512xf32, #tpu.memory_space<hbm>>
    %dma_wait3A_223 = arith.constant 0 : i32
    %dma_wait3A_224 = tpu.memref_slice %arg4[%dma_wait3A_215, %multiple_of3A_213, %dma_wait3A_223] : memref<48x512x512xf32, #tpu.memory_space<hbm>> -> memref<1x8x512xf32, #tpu.memory_space<hbm>>
    %dma_wait3A_225 = tpu.memref_squeeze %dma_wait3A_224 : memref<1x8x512xf32, #tpu.memory_space<hbm>> -> memref<8x512xf32, #tpu.memory_space<hbm>>
    %dma_wait3A_226 = arith.constant 0 : i32
    %dma_wait3A_227 = arith.constant 0 : i32
    %dma_wait3A_228 = tpu.memref_slice %arg11[%dma_wait3A_214, %dma_wait3A_226, %dma_wait3A_227] : memref<4x8x512xf32, #tpu.memory_space<vmem>> -> memref<1x8x512xf32, #tpu.memory_space<vmem>>
    %dma_wait3A_229 = tpu.memref_squeeze %dma_wait3A_228 : memref<1x8x512xf32, #tpu.memory_space<vmem>> -> memref<8x512xf32, #tpu.memory_space<vmem>>
    tpu.wait_dma2 semaphore(%arg20 : memref<!tpu.dma_semaphore, #tpu.memory_space<semaphore_mem>>) src(%dma_wait3A_229 : memref<8x512xf32, #tpu.memory_space<vmem>>) dst(%dma_wait3A_225 : memref<8x512xf32, #tpu.memory_space<hbm>>)
    %dma_wait3A_230 = arith.constant 2 : i32
    %dma_wait3A_231 = arith.constant 47 : i32
    %dma_wait3A_232 = arith.constant 0 : i32
    %dma_wait3A_233 = arith.constant 0 : i32
    %dma_wait3A_234 = tpu.memref_slice %arg12[%dma_wait3A_230, %dma_wait3A_232, %dma_wait3A_233] : memref<4x8x512xf32, #tpu.memory_space<vmem>> -> memref<1x8x512xf32, #tpu.memory_space<vmem>>
    %dma_wait3A_235 = tpu.memref_squeeze %dma_wait3A_234 : memref<1x8x512xf32, #tpu.memory_space<vmem>> -> memref<8x512xf32, #tpu.memory_space<vmem>>
    %dma_wait3A_236 = arith.constant 0 : i32
    %dma_wait3A_237 = tpu.memref_slice %arg5[%dma_wait3A_231, %multiple_of3A_213, %dma_wait3A_236] : memref<48x512x512xf32, #tpu.memory_space<hbm>> -> memref<1x8x512xf32, #tpu.memory_space<hbm>>
    %dma_wait3A_238 = tpu.memref_squeeze %dma_wait3A_237 : memref<1x8x512xf32, #tpu.memory_space<hbm>> -> memref<8x512xf32, #tpu.memory_space<hbm>>
    %dma_wait3A_239 = arith.constant 0 : i32
    %dma_wait3A_240 = tpu.memref_slice %arg5[%dma_wait3A_231, %multiple_of3A_213, %dma_wait3A_239] : memref<48x512x512xf32, #tpu.memory_space<hbm>> -> memref<1x8x512xf32, #tpu.memory_space<hbm>>
    %dma_wait3A_241 = tpu.memref_squeeze %dma_wait3A_240 : memref<1x8x512xf32, #tpu.memory_space<hbm>> -> memref<8x512xf32, #tpu.memory_space<hbm>>
    %dma_wait3A_242 = arith.constant 0 : i32
    %dma_wait3A_243 = arith.constant 0 : i32
    %dma_wait3A_244 = tpu.memref_slice %arg12[%dma_wait3A_230, %dma_wait3A_242, %dma_wait3A_243] : memref<4x8x512xf32, #tpu.memory_space<vmem>> -> memref<1x8x512xf32, #tpu.memory_space<vmem>>
    %dma_wait3A_245 = tpu.memref_squeeze %dma_wait3A_244 : memref<1x8x512xf32, #tpu.memory_space<vmem>> -> memref<8x512xf32, #tpu.memory_space<vmem>>
    tpu.wait_dma2 semaphore(%arg20 : memref<!tpu.dma_semaphore, #tpu.memory_space<semaphore_mem>>) src(%dma_wait3A_245 : memref<8x512xf32, #tpu.memory_space<vmem>>) dst(%dma_wait3A_241 : memref<8x512xf32, #tpu.memory_space<hbm>>)
    %dma_wait3A_246 = arith.constant 2 : i32
    %dma_wait3A_247 = arith.constant 47 : i32
    %dma_wait3A_248 = arith.constant 0 : i32
    %dma_wait3A_249 = arith.constant 0 : i32
    %dma_wait3A_250 = tpu.memref_slice %arg13[%dma_wait3A_246, %dma_wait3A_248, %dma_wait3A_249] : memref<4x8x512xf32, #tpu.memory_space<vmem>> -> memref<1x8x512xf32, #tpu.memory_space<vmem>>
    %dma_wait3A_251 = tpu.memref_squeeze %dma_wait3A_250 : memref<1x8x512xf32, #tpu.memory_space<vmem>> -> memref<8x512xf32, #tpu.memory_space<vmem>>
    %dma_wait3A_252 = arith.constant 0 : i32
    %dma_wait3A_253 = tpu.memref_slice %arg6[%dma_wait3A_247, %multiple_of3A_213, %dma_wait3A_252] : memref<48x512x512xf32, #tpu.memory_space<hbm>> -> memref<1x8x512xf32, #tpu.memory_space<hbm>>
    %dma_wait3A_254 = tpu.memref_squeeze %dma_wait3A_253 : memref<1x8x512xf32, #tpu.memory_space<hbm>> -> memref<8x512xf32, #tpu.memory_space<hbm>>
    %dma_wait3A_255 = arith.constant 0 : i32
    %dma_wait3A_256 = tpu.memref_slice %arg6[%dma_wait3A_247, %multiple_of3A_213, %dma_wait3A_255] : memref<48x512x512xf32, #tpu.memory_space<hbm>> -> memref<1x8x512xf32, #tpu.memory_space<hbm>>
    %dma_wait3A_257 = tpu.memref_squeeze %dma_wait3A_256 : memref<1x8x512xf32, #tpu.memory_space<hbm>> -> memref<8x512xf32, #tpu.memory_space<hbm>>
    %dma_wait3A_258 = arith.constant 0 : i32
    %dma_wait3A_259 = arith.constant 0 : i32
    %dma_wait3A_260 = tpu.memref_slice %arg13[%dma_wait3A_246, %dma_wait3A_258, %dma_wait3A_259] : memref<4x8x512xf32, #tpu.memory_space<vmem>> -> memref<1x8x512xf32, #tpu.memory_space<vmem>>
    %dma_wait3A_261 = tpu.memref_squeeze %dma_wait3A_260 : memref<1x8x512xf32, #tpu.memory_space<vmem>> -> memref<8x512xf32, #tpu.memory_space<vmem>>
    tpu.wait_dma2 semaphore(%arg20 : memref<!tpu.dma_semaphore, #tpu.memory_space<semaphore_mem>>) src(%dma_wait3A_261 : memref<8x512xf32, #tpu.memory_space<vmem>>) dst(%dma_wait3A_257 : memref<8x512xf32, #tpu.memory_space<hbm>>)
    %mul3A_262 = arith.constant 2 : i32
    %mul3A_263 = arith.muli %add3A, %mul3A_262 : i32
    %add3A_264 = arith.constant 1 : i32
    %add3A_265 = arith.addi %mul3A_263, %add3A_264 : i32
    %mul3A_266 = arith.constant 8 : i32
    %mul3A_267 = arith.muli %add3A_265, %mul3A_266 : i32
    %multiple_of3A_268 = tpu.assume_multiple %mul3A_267, 8 : i32
    %dma_wait3A_269 = arith.constant 3 : i32
    %dma_wait3A_270 = arith.constant 47 : i32
    %dma_wait3A_271 = arith.constant 0 : i32
    %dma_wait3A_272 = arith.constant 0 : i32
    %dma_wait3A_273 = tpu.memref_slice %arg11[%dma_wait3A_269, %dma_wait3A_271, %dma_wait3A_272] : memref<4x8x512xf32, #tpu.memory_space<vmem>> -> memref<1x8x512xf32, #tpu.memory_space<vmem>>
    %dma_wait3A_274 = tpu.memref_squeeze %dma_wait3A_273 : memref<1x8x512xf32, #tpu.memory_space<vmem>> -> memref<8x512xf32, #tpu.memory_space<vmem>>
    %dma_wait3A_275 = arith.constant 0 : i32
    %dma_wait3A_276 = tpu.memref_slice %arg4[%dma_wait3A_270, %multiple_of3A_268, %dma_wait3A_275] : memref<48x512x512xf32, #tpu.memory_space<hbm>> -> memref<1x8x512xf32, #tpu.memory_space<hbm>>
    %dma_wait3A_277 = tpu.memref_squeeze %dma_wait3A_276 : memref<1x8x512xf32, #tpu.memory_space<hbm>> -> memref<8x512xf32, #tpu.memory_space<hbm>>
    %dma_wait3A_278 = arith.constant 0 : i32
    %dma_wait3A_279 = tpu.memref_slice %arg4[%dma_wait3A_270, %multiple_of3A_268, %dma_wait3A_278] : memref<48x512x512xf32, #tpu.memory_space<hbm>> -> memref<1x8x512xf32, #tpu.memory_space<hbm>>
    %dma_wait3A_280 = tpu.memref_squeeze %dma_wait3A_279 : memref<1x8x512xf32, #tpu.memory_space<hbm>> -> memref<8x512xf32, #tpu.memory_space<hbm>>
    %dma_wait3A_281 = arith.constant 0 : i32
    %dma_wait3A_282 = arith.constant 0 : i32
    %dma_wait3A_283 = tpu.memref_slice %arg11[%dma_wait3A_269, %dma_wait3A_281, %dma_wait3A_282] : memref<4x8x512xf32, #tpu.memory_space<vmem>> -> memref<1x8x512xf32, #tpu.memory_space<vmem>>
    %dma_wait3A_284 = tpu.memref_squeeze %dma_wait3A_283 : memref<1x8x512xf32, #tpu.memory_space<vmem>> -> memref<8x512xf32, #tpu.memory_space<vmem>>
    tpu.wait_dma2 semaphore(%arg21 : memref<!tpu.dma_semaphore, #tpu.memory_space<semaphore_mem>>) src(%dma_wait3A_284 : memref<8x512xf32, #tpu.memory_space<vmem>>) dst(%dma_wait3A_280 : memref<8x512xf32, #tpu.memory_space<hbm>>)
    %dma_wait3A_285 = arith.constant 3 : i32
    %dma_wait3A_286 = arith.constant 47 : i32
    %dma_wait3A_287 = arith.constant 0 : i32
    %dma_wait3A_288 = arith.constant 0 : i32
    %dma_wait3A_289 = tpu.memref_slice %arg12[%dma_wait3A_285, %dma_wait3A_287, %dma_wait3A_288] : memref<4x8x512xf32, #tpu.memory_space<vmem>> -> memref<1x8x512xf32, #tpu.memory_space<vmem>>
    %dma_wait3A_290 = tpu.memref_squeeze %dma_wait3A_289 : memref<1x8x512xf32, #tpu.memory_space<vmem>> -> memref<8x512xf32, #tpu.memory_space<vmem>>
    %dma_wait3A_291 = arith.constant 0 : i32
    %dma_wait3A_292 = tpu.memref_slice %arg5[%dma_wait3A_286, %multiple_of3A_268, %dma_wait3A_291] : memref<48x512x512xf32, #tpu.memory_space<hbm>> -> memref<1x8x512xf32, #tpu.memory_space<hbm>>
    %dma_wait3A_293 = tpu.memref_squeeze %dma_wait3A_292 : memref<1x8x512xf32, #tpu.memory_space<hbm>> -> memref<8x512xf32, #tpu.memory_space<hbm>>
    %dma_wait3A_294 = arith.constant 0 : i32
    %dma_wait3A_295 = tpu.memref_slice %arg5[%dma_wait3A_286, %multiple_of3A_268, %dma_wait3A_294] : memref<48x512x512xf32, #tpu.memory_space<hbm>> -> memref<1x8x512xf32, #tpu.memory_space<hbm>>
    %dma_wait3A_296 = tpu.memref_squeeze %dma_wait3A_295 : memref<1x8x512xf32, #tpu.memory_space<hbm>> -> memref<8x512xf32, #tpu.memory_space<hbm>>
    %dma_wait3A_297 = arith.constant 0 : i32
    %dma_wait3A_298 = arith.constant 0 : i32
    %dma_wait3A_299 = tpu.memref_slice %arg12[%dma_wait3A_285, %dma_wait3A_297, %dma_wait3A_298] : memref<4x8x512xf32, #tpu.memory_space<vmem>> -> memref<1x8x512xf32, #tpu.memory_space<vmem>>
    %dma_wait3A_300 = tpu.memref_squeeze %dma_wait3A_299 : memref<1x8x512xf32, #tpu.memory_space<vmem>> -> memref<8x512xf32, #tpu.memory_space<vmem>>
    tpu.wait_dma2 semaphore(%arg21 : memref<!tpu.dma_semaphore, #tpu.memory_space<semaphore_mem>>) src(%dma_wait3A_300 : memref<8x512xf32, #tpu.memory_space<vmem>>) dst(%dma_wait3A_296 : memref<8x512xf32, #tpu.memory_space<hbm>>)
    %dma_wait3A_301 = arith.constant 3 : i32
    %dma_wait3A_302 = arith.constant 47 : i32
    %dma_wait3A_303 = arith.constant 0 : i32
    %dma_wait3A_304 = arith.constant 0 : i32
    %dma_wait3A_305 = tpu.memref_slice %arg13[%dma_wait3A_301, %dma_wait3A_303, %dma_wait3A_304] : memref<4x8x512xf32, #tpu.memory_space<vmem>> -> memref<1x8x512xf32, #tpu.memory_space<vmem>>
    %dma_wait3A_306 = tpu.memref_squeeze %dma_wait3A_305 : memref<1x8x512xf32, #tpu.memory_space<vmem>> -> memref<8x512xf32, #tpu.memory_space<vmem>>
    %dma_wait3A_307 = arith.constant 0 : i32
    %dma_wait3A_308 = tpu.memref_slice %arg6[%dma_wait3A_302, %multiple_of3A_268, %dma_wait3A_307] : memref<48x512x512xf32, #tpu.memory_space<hbm>> -> memref<1x8x512xf32, #tpu.memory_space<hbm>>
    %dma_wait3A_309 = tpu.memref_squeeze %dma_wait3A_308 : memref<1x8x512xf32, #tpu.memory_space<hbm>> -> memref<8x512xf32, #tpu.memory_space<hbm>>
    %dma_wait3A_310 = arith.constant 0 : i32
    %dma_wait3A_311 = tpu.memref_slice %arg6[%dma_wait3A_302, %multiple_of3A_268, %dma_wait3A_310] : memref<48x512x512xf32, #tpu.memory_space<hbm>> -> memref<1x8x512xf32, #tpu.memory_space<hbm>>
    %dma_wait3A_312 = tpu.memref_squeeze %dma_wait3A_311 : memref<1x8x512xf32, #tpu.memory_space<hbm>> -> memref<8x512xf32, #tpu.memory_space<hbm>>
    %dma_wait3A_313 = arith.constant 0 : i32
    %dma_wait3A_314 = arith.constant 0 : i32
    %dma_wait3A_315 = tpu.memref_slice %arg13[%dma_wait3A_301, %dma_wait3A_313, %dma_wait3A_314] : memref<4x8x512xf32, #tpu.memory_space<vmem>> -> memref<1x8x512xf32, #tpu.memory_space<vmem>>
    %dma_wait3A_316 = tpu.memref_squeeze %dma_wait3A_315 : memref<1x8x512xf32, #tpu.memory_space<vmem>> -> memref<8x512xf32, #tpu.memory_space<vmem>>
    tpu.wait_dma2 semaphore(%arg21 : memref<!tpu.dma_semaphore, #tpu.memory_space<semaphore_mem>>) src(%dma_wait3A_316 : memref<8x512xf32, #tpu.memory_space<vmem>>) dst(%dma_wait3A_312 : memref<8x512xf32, #tpu.memory_space<hbm>>)
    return
  }
}

</mosaic_0001>

<sc_bundles>
// kernel: _run.3.cloned.1.call-start
scs
__scs_entry_jumppad:
0x0: {  	(pc) =	sbr.rel $0x88, $3  }
0x1: {  	(tag) =	ssettag $0x0;
	lr =	simm.s32 $0x1  }
0x2: {  	[smem:$0x3F9F] =	sst lr;
	_ =	strace $0xD0000000  }
0x3: {  	_ = 	snop  }
0x4: {  	_ = 	snop  }
0x5: {  	_ = 	snop  }
0x6: {  	_ = 	snop  }
0x7: {  	_ = 	snop  }
__scs_overlays_trampoline_lowered:
0x8: {  	[smem:$0x3FAE] =	sst s0  }
0x9: {  	[smem:$0x3FAF] =	sst s1  }
0xa: {  	[smem:$0x3FB0] =	sst s2  }
0xb: {  	[smem:$0x3FB1] =	sst s3  }
0xc: {  	[smem:$0x3FB2] =	sst s4  }
0xd: {  	[smem:$0x3FB3] =	sst s5  }
0xe: {  	[smem:$0x3FB4] =	sst s6  }
0xf: {  	[smem:$0x3FB5] =	sst s7  }
0x10: {  	[smem:$0x3FB6] =	sst s8  }
0x11: {  	[smem:$0x3FB7] =	sst s9;
	s0 =	simm.s32 @!p0 $0x0  }
0x12: {  	s1 =	sld [smem:$0x3F9D];
	s0 =	simm.s32 @p0 $0x1  }
0x13: {  	[smem:$0x3FB8] =	sst s0;
	s0 =	simm.s32 @!p1 $0x0  }
0x14: {  	s2 =	sld [smem:$0x3F9C];
	s0 =	simm.s32 @p1 $0x1  }
0x15: {  	[smem:$0x3FB9] =	sst s0;
	s0 =	simm.s32 @!p2 $0x0  }
0x16: {  	s3 =	sld [smem:$0x3FDB];
	s0 =	simm.s32 @p2 $0x1  }
0x17: {  	s4 =	simm.s32 $0x1BF5;
	[smem:$0x3FBB] =	sst s0  }
0x18: {  	s0 =	sld [smem:$0x3F9E];
	_ =	swait.ge [sflag:s4], $0x0  }
0x19: {  	s7 =	sld [smem:$0x3F9F]  }
0x1a: {  	s8 =	sadd.s32 $0xFFFFE003, lr  }
0x1b: {  	s9 =	sadd.s32 $0xFFFFFEF7, lr;
	s5 =	simm.s32 $0xFFFFFFFF;
	p2 =	slt.u32 s8, $0xFFFFF086  }
0x1c: {  	p1 =	slt.u32 s9, $0xF7A;
	s5 =	simm.s32 @!p2 $0x0  }
0x1d: {  	s5 =	simm.s32 @p1 $0x1;
	p0 =	seq.s32 s7, s2  }
0x1e: {  	s7 =	smul.u32 @!p0 $0xF7A, s2;
	p2 =	seq.s32 @!p0 s5, $0x0  }
0x1f: {  	s9 =	smul.u32 $0xF7A, s1;
	s8 =	simm.s32 @!p0 $0x1BF5;
	p2 =	por !p2, p0  }
0x20: {  	[sflag:s8] =	ssyncset.s32 @!p0 $0xFFFFF086;
	s6 =	sadd.s32 @!p0 s3, s7;
	s7 =	simm.s32 @!p0 $0x108  }
0x21: {  	s3 =	sadd.s32 s3, s9;
	s6 =	sadd.s32 @!p0 $0x88, s6;
	s7 =	simm.s32 @p2 $0x1082  }
0x22: {  	[simem:s7], [sflag:s8] =	dma.local @!p0 [hbm:s6], $0xF7A  }
0x23: {  	s9 =	sor.u32 $0xD0000000, s2;
	s6 =	simm.s32 $0x108;
	_ =	swait.ge @!p0 [sflag:s8], $0x0  }
0x24: {  	s3 =	sadd.s32 $0x88, s3;
	s6 =	simm.s32 @!p1 $0x1082;
	[sflag:s4] =	ssyncset.s32 $0xFFFFF086  }
0x25: {  	[simem:s6], [sflag:s4] =	dma.local [hbm:s3], $0xF7A  }
0x26: {  	[smem:$0x3F9F] =	sst s1;
	(tag) =	ssettag s2;
	_ =	strace s9  }
0x27: {  	s1 =	sld [smem:$0x3FAF]  }
0x28: {  	s2 =	sld [smem:$0x3FB0]  }
0x29: {  	s4 =	sld [smem:$0x3FB2]  }
0x2a: {  	p0 =	seq.s32 s5, $0x0;
	s5 =	sld [smem:$0x3FB3]  }
0x2b: {  	s6 =	sld [smem:$0x3FB4]  }
0x2c: {  	s7 =	sld [smem:$0x3FB5]  }
0x2d: {  	s3 =	simm.s32 $0x108;
	s8 =	sld [smem:$0x3FB6]  }
0x2e: {  	s3 =	simm.s32 @!p0 $0x1082;
	s9 =	sld [smem:$0x3FB7]  }
0x2f: {  	lr =	sadd.s32 s0, s3;
	s0 =	sld [smem:$0x3FAE]  }
0x30: {  	s3 =	sld [smem:$0x3FB1]  }
0x31: {  	[smem:$0x3FBA] =	sst s10  }
0x32: {  	s10 =	sld [smem:$0x3FB8];
	_ =	sdelay $0x3  }
0x33: {  	p0 =	seq.s32 s10, $0x1;
	s10 =	sld [smem:$0x3FBA];
	_ =	sdelay $0x3  }
0x34: {  	[smem:$0x3FBA] =	sst s10  }
0x35: {  	s10 =	sld [smem:$0x3FB9];
	_ =	sdelay $0x3  }
0x36: {  	p1 =	seq.s32 s10, $0x1;
	s10 =	sld [smem:$0x3FBA];
	_ =	sdelay $0x3  }
0x37: {  	[smem:$0x3FBA] =	sst s10  }
0x38: {  	s10 =	sld [smem:$0x3FBB]  }
0x39: {  	_ = 	snop;
	(pc) =	sbr.ind lr, $3  }
0x3a: {  	_ = 	snop  }
0x3b: {  	_ = 	snop  }
0x3c: {  	p2 =	seq.s32 s10, $0x1;
	s10 =	sld [smem:$0x3FBA]  }
0x3d: {  	_ =	shalt  }
0x3e: {  	_ =	shalt  }
0x3f: {  	_ =	shalt  }
0x40: {  	_ =	shalt  }
0x41: {  	_ =	shalt  }
0x42: {  	_ =	shalt  }
0x43: {  	_ =	shalt  }
0x44: {  	_ =	shalt  }
0x45: {  	_ =	shalt  }
0x46: {  	_ =	shalt  }
0x47: {  	_ =	shalt  }
0x48: {  	_ =	shalt  }
0x49: {  	_ =	shalt  }
0x4a: {  	_ =	shalt  }
0x4b: {  	_ =	shalt  }
0x4c: {  	_ =	shalt  }
0x4d: {  	_ =	shalt  }
0x4e: {  	_ =	shalt  }
0x4f: {  	_ =	shalt  }
0x50: {  	_ =	shalt  }
0x51: {  	_ =	shalt  }
0x52: {  	_ =	shalt  }
0x53: {  	_ =	shalt  }
0x54: {  	_ =	shalt  }
0x55: {  	_ =	shalt  }
0x56: {  	_ =	shalt  }
0x57: {  	_ =	shalt  }
0x58: {  	_ =	shalt  }
0x59: {  	_ =	shalt  }
0x5a: {  	_ =	shalt  }
0x5b: {  	_ =	shalt  }
0x5c: {  	_ =	shalt  }
0x5d: {  	_ =	shalt  }
0x5e: {  	_ =	shalt  }
0x5f: {  	_ =	shalt  }
0x60: {  	_ =	shalt  }
0x61: {  	_ =	shalt  }
0x62: {  	_ =	shalt  }
0x63: {  	_ =	shalt  }
0x64: {  	_ =	shalt  }
0x65: {  	_ =	shalt  }
0x66: {  	_ =	shalt  }
0x67: {  	_ =	shalt  }
0x68: {  	_ =	shalt  }
0x69: {  	_ =	shalt  }
0x6a: {  	_ =	shalt  }
0x6b: {  	_ =	shalt  }
0x6c: {  	_ =	shalt  }
0x6d: {  	_ =	shalt  }
0x6e: {  	_ =	shalt  }
0x6f: {  	_ =	shalt  }
0x70: {  	_ =	shalt  }
0x71: {  	_ =	shalt  }
0x72: {  	_ =	shalt  }
0x73: {  	_ =	shalt  }
0x74: {  	_ =	shalt  }
0x75: {  	_ =	shalt  }
0x76: {  	_ =	shalt  }
0x77: {  	_ =	shalt  }
0x78: {  	_ =	shalt  }
0x79: {  	_ =	shalt  }
0x7a: {  	_ =	shalt  }
0x7b: {  	_ =	shalt  }
0x7c: {  	_ =	shalt  }
0x7d: {  	_ =	shalt  }
0x7e: {  	_ =	shalt  }
0x7f: {  	_ =	shalt  }
0x80: {  	_ =	shalt  }
0x81: {  	_ =	shalt  }
0x82: {  	_ =	shalt  }
0x83: {  	_ =	shalt  }
0x84: {  	_ =	shalt  }
0x85: {  	_ =	shalt  }
0x86: {  	_ =	shalt  }
0x87: {  	_ =	shalt  }
.Lfunc_end0:
.L_simem_size_0:
called_computation_lowered:
.L_overlay_start_0:
0x88: {  	s2 =	sld [smem:$0x3FD9]  }
0x89: {  	s3 =	sld [smem:$0x3FFE];
	_ =	sdelay $0x1  }
0x8a: {  	s1 =	srdreg.scid  }
0x8b: {  	s0 =	sand.u32 $0x1, s1  }
0x8c: {  	s15 =	sshll.u32 s0, $0xA;
	s2 =	sadd.s32 s3, s2  }
0x8d: {  	s2 =	sadd.s32 s2, s15  }
0x8e: {  	[smem:$0x3FC6] =	sst s2  }
0x8f: {  	_ = 	snop  }
0x90: {  	s2 =	sld [smem:$0x3FD0];
	_ =	sdelay $0x1  }
0x91: {  	s16 =	sld [smem:$0x3FC9]  }
0x92: {  	s5 =	simm.s32 $0xA;
	s6 =	simm.s32 $0x10;
	s4 =	sld [smem:$0x3FC8]  }
0x93: {  	[smem:s6], [sflag:s5] =	dma.local [hbm:s2], $0x1  }
0x94: {  	_ =	swait.eq [sflag:s5], $0x1  }
0x95: {  	s17 =	sld [smem:$0x10];
	[sflag:s5] =	ssyncset.done $0x0  }
0x96: {  	s18 =	sld [smem:$0x11];
	[sflag:s5] =	ssyncadd.s32 $0xFFFFFFFF  }
0x97: {  	s19 =	sld [smem:$0x12];
	(tm) =	ssettm $0x1  }
0x98: {  	s7 =	sld [smem:$0x3FFB];
	_ =	sdelay $0x3  }
0x99: {  	_ =	strace s7  }
0x9a: {  	s7 =	sld [smem:$0x3FFC];
	_ =	sdelay $0x3  }
0x9b: {  	_ =	strace s7  }
0x9c: {  	s7 =	sld [smem:$0x3FFD];
	_ =	sdelay $0x3  }
0x9d: {  	_ =	strace s7  }
0x9e: {  	_ =	strace $0x8FFFFFFF  }
0x9f: {  	s20 =	sld [smem:$0x3FDB];
	_ =	sdelay $0x1  }
0xa0: {  	s8 =	simm.s32 $_scs_section_size  }
0xa1: {  	s9 =	simm.s32 $_size__tile_overlayer_lowered;
	s10 =	simm.s32 $_tile_overlayer_lowered  }
0xa2: {  	s23 =	simm.s32 $0x1BFF;
	s22 =	sshll.u32 s10, $0x1;
	s7 =	sadd.s32 s8, s20  }
0xa3: {  	s11 =	simm.s32 $0x0;
	s21 =	sshll.u32 s9, $0x1;
	s9 =	sadd.s32 s22, s7  }
0xa4: {  	[timem:s11], [sflag:s23] =	dma.local [hbm:s9], s21  }
0xa5: {  	_ =	swait.ge [sflag:s23], s21  }
0xa6: {  	s8 =	ssub.s32 $0x0, s21;
	[sflag:s23] =	ssyncset.done $0x0  }
0xa7: {  	[sflag:s23] =	ssyncadd.s32 s8;
	_ =	sdelay $0x1  }
0xa8: {  	s24 =	simm.s32 $0x1B8B  }
0xa9: {  	_ =	swait.ge [sflag:s24], $0x1  }
0xaa: {  	[sflag:s24] =	ssyncset.done $0x0  }
0xab: {  	s25 =	simm.s32 $0x1B8E;
	[sflag:s24] =	ssyncadd.s32 $0xFFFFFFFF  }
0xac: {  	s26 =	simm.s32 $execute0_lowered;
	[smem:$0x3FD2] =	sst s25  }
0xad: {  	s8 =	sshll.u32 s26, $0x1;
	_ =	strace $0x80000046;
	[dreg:$0x1] =	wrdreg $0xFFFFFFFF  }
0xae: {  	s28 =	simm.s32 $_size_execute0_lowered;
	s7 =	sadd.s32 s7, s8;
	[dreg:$0x0] =	wrdreg $0x0  }
0xaf: {  	s8 =	sshll.u32 s28, $0x1;
	[dreg:$0x2] =	wrdreg s7  }
0xb0: {  	[dreg:$0x3] =	wrdreg s8  }
0xb1: {  	[dreg:$0x4] =	wrdreg $0xC0  }
0xb2: {  	_ =	task [dreg:s11], $0x5FFFF  }
0xb3: {  	[dreg:$0x1] =	wrdreg $0xFFFFFFFF  }
0xb4: {  	[dreg:$0x0] =	wrdreg $0x60  }
0xb5: {  	[dreg:$0x2] =	wrdreg s16  }
0xb6: {  	[dreg:$0x3] =	wrdreg s4  }
0xb7: {  	[dreg:$0x4] =	wrdreg s17  }
0xb8: {  	[dreg:$0x5] =	wrdreg s18  }
0xb9: {  	[dreg:$0x6] =	wrdreg s19  }
0xba: {  	[dreg:$0x7] =	wrdreg $0x9  }
0xbb: {  	_ =	task.clear_ibuf [dreg:s11], $0x8FFFF;
	_ =	strace $0x90000046  }
0xbc: {  	s29 =	simm.s32 $0x9;
	_ =	strace $0x80000048  }
0xbd: {  	_ =	swait.ge [sflag:s29], $0x1  }
0xbe: {  	[sflag:s29] =	ssyncadd.s32 $0xFFFFFFFF  }
0xbf: {  	_ =	strace $0x90000048  }
0xc0: {  	_ =	sfence  }
0xc1: {  	s30 =	sld [smem:$0x0];
	_ =	sdelay $0x2  }
0xc2: {  	s31 =	sshll.u32 s1, $0xD;
	s1 =	sshrl.u32 s1, $0x2  }
0xc3: {  	s3 =	sand.u32 $0x4000, s31;
	s1 =	sadd.s32 s1, s30  }
0xc4: {  	s0 =	sor.u32 s3, s0;
	s1 =	sshll.u32 s1, $0x11  }
0xc5: {  	s0 =	sor.u32 s1, s0  }
0xc6: {  	s0 =	sadd.s32 $0x8F2B, s0  }
0xc7: {  	[sflag:s0] =	ssyncadd.remote.s32 $0x1  }
0xc8: {  	_ =	sfence.sel $0xFFFF  }
0xc9: {  	[dreg:$0x0] =	wrdreg $0xFFFFFFFF;
	(pc) =	sbr.abs _section_cstart, $3  }
0xca: {  	[dreg:$0x1] =	wrdreg $0xFFFFFFFF  }
0xcb: {  	_ =	task.clear_ibuf [dreg:s11], $0x2FFFF;
	_ =	strace $0x9FFFFFFF  }
0xcc: {  	(tm) =	ssettm $0x7FFFFFFF  }
0xcd: {  	_ =	shalt  }
tec
execute0_lowered:
.L_overlay_start_1:
0x0: {  	(tag) =	ssettag $0x1  }
0x1: {  	s0 =	rddreg [dreg:$0x0]  }
0x2: {  	s8 =	rddreg [dreg:$0x1]  }
0x3: {  	s2 =	rddreg [dreg:$0x2]  }
0x4: {  	s4 =	rddreg [dreg:$0x3]  }
0x5: {  	s5 =	rddreg [dreg:$0x4];
	s1 =	srdreg.scid  }
0x6: {  	s3 =	stileid.u32;
	s6 =	simm.s32 $0x0;
	s22 =	simm.s32 $0x3000  }
0x7: {  	s31 =	simm.s32 $0x2;
	s20 =	simm.s32 $0x3;
	s10 =	simm.s32 $0x4  }
0x8: {  	s1 =	sand.u32 $0x1, s1;
	s3 =	sshll.u32 s3, $0xB;
	[smem:$0x7FF] =	sst s6  }
0x9: {  	s26 =	sadd.s32 $0x600, s8;
	s28 =	sadd.s32 $0x10000, s0;
	s8 =	sadd.s32 $0xC00, s8  }
0xa: {  	s7 =	sshll.u32 s1, $0xA;
	_ =	strace $0x80000047;
	[dreg:$0x9] =	wrdreg s26  }
0xb: {  	s1 =	ssub.s32 $0x2, s1;
	[dreg:$0xa] =	wrdreg s8;
	s8 =	simm.s32 $0x6  }
0xc: {  	s26 =	simm.s32 $0x8;
	s7 =	sor.u32 s7, s3;
	s23 =	sshrl.u32 s1, $0x1  }
0xd: {  	s3 =	simm.s32 $0x5;
	s9 =	sadd.s32 s0, s7;
	s29 =	sadd.s32 s7, s28  }
0xe: {  	s1 =	ssub.s32 s1, s23;
	s12 =	sor.u32 $0x200, s7;
	[dreg:$0xc] =	wrdreg s29  }
0xf: {  	s23 =	simm.s32 $0x6000;
	s24 =	sadd.s32 $0x200, s9;
	[dreg:$0x6] =	wrdreg s9  }
0x10: {  	s25 =	sadd.s32 $0x8000, s9;
	s0 =	sadd.s32 s0, s12;
	[dreg:$0x7] =	wrdreg s24  }
0x11: {  	s16 =	sadd.s32 s12, s28;
	s17 =	sadd.s32 $0x18000, s9;
	[dreg:$0x8] =	wrdreg s25  }
0x12: {  	s30 =	smax.u32 s1, $0x1;
	s1 =	simm.s32 $0x0;
	[dreg:$0xb] =	wrdreg s0  }
0x13: {  	[dreg:$0xd] =	wrdreg s30;
	s25 =	simm.s32 $0x1;
	s24 =	simm.s32 $0x7  }
.LBB2_1:
0x14: {  	[dreg:$0xe] =	wrdreg s1  }
0x15: {  	s0 =	rddreg [dreg:$0x6];
	s13 =	simm.s32 $0x9000  }
0x16: {  	[tilespmem:s13], [sflag:$0x1] =	stream.linear.gather [hbm4b:s0+s6], $0x1000, $0x38;
	[tilespmem:$0x19000] =	vst v63  }
0x17: {  	s14 =	rddreg [dreg:$0x7];
	s15 =	simm.s32 $0xA000  }
0x18: {  	[tilespmem:s15], [sflag:$0x2] =	stream.linear.gather [hbm4b:s14+s6], $0x1000, $0x38;
	[tilespmem:$0x19000] =	vst v63  }
0x19: {  	s18 =	rddreg [dreg:$0x8];
	s19 =	simm.s32 $0xB000  }
0x1a: {  	[tilespmem:s19], [sflag:$0x3] =	stream.linear.gather [hbm4b:s18+s6], $0x1000, $0x38;
	[tilespmem:$0x19000] =	vst v63  }
0x1b: {  	s21 =	rddreg [dreg:$0x1]  }
0x1c: {  	[tilespmem:s6], [sflag:$0x5] =	stream.linear.gather [hbm4b:s21+s6], $0x3000, $0x38;
	[tilespmem:$0x19000] =	vst v63  }
0x1d: {  	s29 =	rddreg [dreg:$0x9]  }
0x1e: {  	[tilespmem:s22], [sflag:$0x5] =	stream.linear.gather [hbm4b:s29+s6], $0x3000, $0x38;
	[tilespmem:$0x19000] =	vst v63  }
0x1f: {  	s30 =	rddreg [dreg:$0xa]  }
0x20: {  	[tilespmem:s23], [sflag:$0x5] =	stream.linear.gather [hbm4b:s30+s6], $0x3000, $0x38;
	[tilespmem:$0x19000] =	vst v63  }
0x21: {  	_ =	swait.ge [sflag:s3], $0x3000  }
0x22: {  	[sflag:s3] =	ssyncset.done $0x0  }
0x23: {  	[sflag:s3] =	ssyncadd.s32 $0xFFFFD000  }
0x24: {  	_ =	swait.ge [sflag:s3], $0x3000  }
0x25: {  	[sflag:s3] =	ssyncset.done $0x0  }
0x26: {  	[sflag:s3] =	ssyncadd.s32 $0xFFFFD000  }
0x27: {  	_ =	swait.ge [sflag:s3], $0x3000  }
0x28: {  	[sflag:s3] =	ssyncset.done $0x0  }
0x29: {  	s28 =	simm.s32 $0x0;
	[sflag:s3] =	ssyncadd.s32 $0xFFFFD000  }
.LBB2_2:
0x2a: {  	s29 =	sshllo.u32 s28, $0x2  }
0x2b: {  	_ =	swait.ge [sflag:s25], $0x1000;
	s14 =	simm.s32 $0xC000;
	s0 =	sshll.u32 s29, $0xE  }
0x2c: {  	[sflag:s25] =	ssyncset.done $0x0;
	s1 =	rddreg [dreg:$0xb];
	s0 =	sand.u32 $0x1F8000, s0  }
0x2d: {  	p0 =	seq.s32 s28, $0x0;
	[sflag:s25] =	ssyncadd.s32 $0xFFFFF000;
	s0 =	sadd.s32 s0, s1  }
0x2e: {  	[tilespmem:s14], [sflag:$0x4] =	stream.linear.gather [hbm4b:s0+s6], $0x1000, $0x38;
	[tilespmem:$0x19000] =	vst v63  }
0x2f: {  	s0 =	simm.s32 @!p0 $0x5  }
0x30: {  	_ =	swait.ge @!p0 [sflag:s0], $0x1000  }
0x31: {  	[sflag:s0] =	ssyncset.done @!p0 $0x0  }
0x32: {  	[sflag:s0] =	ssyncadd.s32 @!p0 $0xFFFFF000  }
0x33: {  	_ =	swait.ge @!p0 [sflag:s0], $0x1000  }
0x34: {  	s21 =	simm.s32 $0x0;
	[sflag:s0] =	ssyncset.done @!p0 $0x0  }
0x35: {  	s15 =	sand.u32 $0x3, s21;
	[sflag:s0] =	ssyncadd.s32 @!p0 $0xFFFFF000  }
0x36: {  	s1 =	sshll.u32 s15, $0xA;
	_ =	swait.ge @!p0 [sflag:s0], $0x1000  }
0x37: {  	s1 =	sadd.s32 $0x0, s1;
	[sflag:s0] =	ssyncset.done @!p0 $0x0  }
0x38: {  	s19 =	sor.u32 $0x70, s1;
	[sflag:s0] =	ssyncadd.s32 @!p0 $0xFFFFF000  }
0x39: {  	s18 =	sand.u32 $0xC00, s21;
	s9 =	sand.u32 $0x380, s21;
	s3 =	sor.u32 $0x60, s1;
	v0 =	vld [tilespmem:s19+$0x9000]  }
0x3a: {  	s30 =	sshll.u32 s28, $0x9;
	s0 =	sor.u32 s9, s18;
	v1 =	vld [tilespmem:s3+$0x9000]  }
0x3b: {  	s1 =	scvt.s32.f32 s30;
	v2 =	vld [tilespmem:s0+$0x9000]  }
0x3c: {  	v3 =	vld [tilespmem:s0+$0x9010]  }
0x3d: {  	s1 =	sadd.f32 $8.388608000e+06, s1;
	v4 =	vld [tilespmem:s0+$0x9020]  }
0x3e: {  	v5 =	vld [tilespmem:s0+$0x9030];
	v6 =	vmul.f32 $2.550000000e+02, v0  }
0x3f: {  	v9 =	vld [tilespmem:s0+$0x9040];
	v0 =	vmov s1;
	v1 =	vmul.f32 $2.550000000e+02, v1  }
0x40: {  	v10 =	vld [tilespmem:s0+$0x9050];
	v2 =	vmul.f32 $2.550000000e+02, v2;
	v6 =	vadd.f32 v6, v0  }
0x41: {  	v3 =	vmul.f32 $2.550000000e+02, v3;
	v1 =	vadd.f32 v1, v0  }
0x42: {  	v4 =	vmul.f32 $2.550000000e+02, v4;
	v2 =	vadd.f32 v2, v0;
	v8 =	vand.u32 $0x3FFF, v6  }
0x43: {  	v5 =	vmul.f32 $2.550000000e+02, v5;
	v3 =	vadd.f32 v3, v0;
	v7 =	vand.u32 $0x3FFF, v1  }
0x44: {  	v4 =	vadd.f32 v4, v0;
	v1 =	vand.u32 $0x3FFF, v2;
	v6 =	vmul.f32 $2.550000000e+02, v9  }
0x45: {  	v2 =	vand.u32 $0x3FFF, v3;
	v3 =	vadd.f32 v5, v0;
	v9 =	vmul.f32 $2.550000000e+02, v10  }
0x46: {  	v5 =	vand.u32 $0x3FFF, v4;
	v4 =	vadd.f32 v6, v0  }
0x47: {  	v3 =	vand.u32 $0x3FFF, v3;
	v6 =	vadd.f32 v9, v0;
	v10 =	vld.idx.msk [tilespmem:v8+s6+$0x0], $0xffff  }
0x48: {  	v4 =	vand.u32 $0x3FFF, v4;
	v9 =	vld.idx.msk [tilespmem:v7+s6+$0x0], $0xffff  }
0x49: {  	v6 =	vand.u32 $0x3FFF, v6;
	v11 =	vld.idx.msk [tilespmem:v1+s6+$0x0], $0xffff  }
0x4a: {  	v12 =	vld.idx.msk [tilespmem:v2+s6+$0x0], $0xffff  }
0x4b: {  	v15 =	vld.idx.msk [tilespmem:v5+s6+$0x0], $0xffff  }
0x4c: {  	v16 =	vld.idx.msk [tilespmem:v3+s6+$0x0], $0xffff  }
0x4d: {  	v17 =	vld.idx.msk [tilespmem:v4+s6+$0x0], $0xffff;
	[tilespmem:s19+$0xD000] =	vst v10  }
0x4e: {  	v14 =	vld.idx.msk [tilespmem:v6+s6+$0x0], $0xffff;
	[tilespmem:s3+$0xD000] =	vst v9  }
0x4f: {  	[tilespmem:s0+$0xD000] =	vst v11;
	v18 =	vld.idx.msk [tilespmem:v8+s22+$0x0], $0xffff  }
0x50: {  	[tilespmem:s0+$0xD010] =	vst v12;
	v13 =	vld.idx.msk [tilespmem:v7+s22+$0x0], $0xffff  }
0x51: {  	[tilespmem:s0+$0xD020] =	vst v15;
	v12 =	vld.idx.msk [tilespmem:v1+s22+$0x0], $0xffff  }
0x52: {  	v10 =	vld.idx.msk [tilespmem:v2+s22+$0x0], $0xffff;
	[tilespmem:s0+$0xD030] =	vst v16  }
0x53: {  	v9 =	vld.idx.msk [tilespmem:v5+s22+$0x0], $0xffff;
	[tilespmem:s0+$0xD040] =	vst v17  }
0x54: {  	s11 =	simm.s32 $0x0;
	s9 =	simm.s32 $0x1;
	s1 =	simm.s32 $0x0;
	v11 =	vld.idx.msk [tilespmem:v3+s22+$0x0], $0xffff;
	[tilespmem:s19+$0x11000] =	vst v18  }
.LBB2_3:
0x55: {  	s13 =	sand.u32 $0x3, s9;
	s1 =	sadd.s32 $0x8, s1;
	[tilespmem:s0+$0xD050] =	vst v14;
	v8 =	vld.idx.msk [tilespmem:v8+s23+$0x0], $0xffff;
	s21 =	sadd.s32 $0x400, s21  }
0x56: {  	s11 =	sadd.s32 $0x20, s11;
	s13 =	sshll.u32 s13, $0xA;
	p0 =	slt.u32 s1, $0xF8;
	v14 =	vld.idx.msk [tilespmem:v4+s22+$0x0], $0xffff;
	[tilespmem:s3+$0x11000] =	vst v13  }
0x57: {  	s30 =	sand.u32 $0x380, s11;
	s18 =	sadd.s32 s13, s11;
	s13 =	sand.u32 $0xC00, s21;
	[tilespmem:s0+$0x11000] =	vst v12;
	v12 =	vld.idx.msk [tilespmem:v6+s22+$0x0], $0xffff  }
0x58: {  	s13 =	sor.u32 s30, s13;
	s30 =	sor.u32 $0x60, s18;
	s18 =	sor.u32 $0x70, s18;
	[tilespmem:s0+$0x11010] =	vst v10;
	v7 =	vld.idx.msk [tilespmem:v7+s23+$0x0], $0xffff  }
0x59: {  	v10 =	vld [tilespmem:s18+$0x9000];
	[tilespmem:s0+$0x11020] =	vst v9  }
0x5a: {  	v9 =	vld [tilespmem:s30+$0x9000];
	[tilespmem:s0+$0x11030] =	vst v11  }
0x5b: {  	v11 =	vld [tilespmem:s13+$0x9000];
	[tilespmem:s19+$0x15000] =	vst v8;
	s19 =	smov.u32 s18  }
0x5c: {  	v8 =	vld [tilespmem:s13+$0x9010];
	[tilespmem:s0+$0x11040] =	vst v14  }
0x5d: {  	v13 =	vld [tilespmem:s13+$0x9020];
	[tilespmem:s0+$0x11050] =	vst v12  }
0x5e: {  	v12 =	vld [tilespmem:s13+$0x9030];
	v10 =	vmul.f32 $2.550000000e+02, v10;
	[tilespmem:s3+$0x15000] =	vst v7;
	s3 =	smov.u32 s30  }
0x5f: {  	v14 =	vld [tilespmem:s13+$0x9040];
	v7 =	vmul.f32 $2.550000000e+02, v9  }
0x60: {  	v9 =	vmul.f32 $2.550000000e+02, v11;
	v11 =	vld [tilespmem:s13+$0x9050];
	v10 =	vadd.f32 v10, v0  }
0x61: {  	v15 =	vmul.f32 $2.550000000e+02, v8;
	v7 =	vadd.f32 v7, v0;
	v16 =	vld.idx.msk [tilespmem:v1+s23+$0x0], $0xffff  }
0x62: {  	v1 =	vadd.f32 v9, v0;
	v9 =	vmul.f32 $2.550000000e+02, v13;
	v8 =	vand.u32 $0x3FFF, v10;
	v10 =	vld.idx.msk [tilespmem:v2+s23+$0x0], $0xffff  }
0x63: {  	v2 =	vadd.f32 v15, v0;
	v12 =	vmul.f32 $2.550000000e+02, v12;
	v7 =	vand.u32 $0x3FFF, v7;
	v13 =	vld.idx.msk [tilespmem:v5+s23+$0x0], $0xffff  }
0x64: {  	v1 =	vand.u32 $0x3FFF, v1;
	v5 =	vadd.f32 v9, v0;
	v9 =	vmul.f32 $2.550000000e+02, v14;
	v14 =	vld.idx.msk [tilespmem:v3+s23+$0x0], $0xffff  }
0x65: {  	v2 =	vand.u32 $0x3FFF, v2;
	v3 =	vadd.f32 v12, v0;
	v11 =	vmul.f32 $2.550000000e+02, v11;
	v12 =	vld.idx.msk [tilespmem:v4+s23+$0x0], $0xffff  }
0x66: {  	v5 =	vand.u32 $0x3FFF, v5;
	v4 =	vadd.f32 v9, v0;
	v9 =	vld.idx.msk [tilespmem:v6+s23+$0x0], $0xffff  }
0x67: {  	v3 =	vand.u32 $0x3FFF, v3;
	v6 =	vadd.f32 v11, v0;
	v11 =	vld.idx.msk [tilespmem:v8+s6+$0x0], $0xffff;
	[tilespmem:s0+$0x15000] =	vst v16  }
0x68: {  	v4 =	vand.u32 $0x3FFF, v4;
	v15 =	vld.idx.msk [tilespmem:v7+s6+$0x0], $0xffff;
	[tilespmem:s0+$0x15010] =	vst v10  }
0x69: {  	v10 =	vld.idx.msk [tilespmem:v1+s6+$0x0], $0xffff;
	v6 =	vand.u32 $0x3FFF, v6;
	[tilespmem:s0+$0x15020] =	vst v13  }
0x6a: {  	v13 =	vld.idx.msk [tilespmem:v2+s6+$0x0], $0xffff;
	[tilespmem:s0+$0x15030] =	vst v14  }
0x6b: {  	v16 =	vld.idx.msk [tilespmem:v5+s6+$0x0], $0xffff;
	[tilespmem:s0+$0x15040] =	vst v12  }
0x6c: {  	v17 =	vld.idx.msk [tilespmem:v3+s6+$0x0], $0xffff;
	[tilespmem:s0+$0x15050] =	vst v9;
	s0 =	smov.u32 s13  }
0x6d: {  	v18 =	vld.idx.msk [tilespmem:v4+s6+$0x0], $0xffff;
	[tilespmem:s19+$0xD000] =	vst v11  }
0x6e: {  	[tilespmem:s3+$0xD000] =	vst v15;
	v15 =	vld.idx.msk [tilespmem:v8+s22+$0x0], $0xffff  }
0x6f: {  	[tilespmem:s0+$0xD000] =	vst v10;
	v14 =	vld.idx.msk [tilespmem:v6+s6+$0x0], $0xffff  }
.Ltmp0:
0x70: {  	[tilespmem:s0+$0xD010] =	vst v13;
	v13 =	vld.idx.msk [tilespmem:v7+s22+$0x0], $0xffff;
	(pc) =	sbr.rel @p0 .LBB2_3-.Ltmp0, $4  }
0x71: {  	v12 =	vld.idx.msk [tilespmem:v1+s22+$0x0], $0xffff;
	[tilespmem:s0+$0xD020] =	vst v16  }
0x72: {  	v10 =	vld.idx.msk [tilespmem:v2+s22+$0x0], $0xffff;
	[tilespmem:s0+$0xD030] =	vst v17  }
0x73: {  	v9 =	vld.idx.msk [tilespmem:v5+s22+$0x0], $0xffff;
	[tilespmem:s0+$0xD040] =	vst v18  }
0x74: {  	s9 =	sadd.s32 $0x1, s9;
	v11 =	vld.idx.msk [tilespmem:v3+s22+$0x0], $0xffff;
	[tilespmem:s19+$0x11000] =	vst v15  }
0x75: {  	_ =	sdelay $0x2  }
0x76: {  	[tilespmem:s0+$0xD050] =	vst v14  }
0x77: {  	v8 =	vld.idx.msk [tilespmem:v8+s23+$0x0], $0xffff;
	[tilespmem:s3+$0x11000] =	vst v13  }
0x78: {  	v13 =	vld.idx.msk [tilespmem:v4+s22+$0x0], $0xffff;
	[tilespmem:s0+$0x11000] =	vst v12  }
0x79: {  	v12 =	vld.idx.msk [tilespmem:v6+s22+$0x0], $0xffff;
	[tilespmem:s0+$0x11010] =	vst v10  }
0x7a: {  	v7 =	vld.idx.msk [tilespmem:v7+s23+$0x0], $0xffff;
	[tilespmem:s0+$0x11020] =	vst v9  }
0x7b: {  	v1 =	vld.idx.msk [tilespmem:v1+s23+$0x0], $0xffff;
	[tilespmem:s0+$0x11030] =	vst v11  }
0x7c: {  	v2 =	vld.idx.msk [tilespmem:v2+s23+$0x0], $0xffff;
	[tilespmem:s19+$0x15000] =	vst v8  }
0x7d: {  	v5 =	vld.idx.msk [tilespmem:v5+s23+$0x0], $0xffff;
	[tilespmem:s0+$0x11040] =	vst v13  }
0x7e: {  	v3 =	vld.idx.msk [tilespmem:v3+s23+$0x0], $0xffff;
	[tilespmem:s0+$0x11050] =	vst v12  }
0x7f: {  	[tilespmem:s3+$0x15000] =	vst v7;
	v4 =	vld.idx.msk [tilespmem:v4+s23+$0x0], $0xffff  }
0x80: {  	v6 =	vld.idx.msk [tilespmem:v6+s23+$0x0], $0xffff;
	[tilespmem:s0+$0x15000] =	vst v1  }
0x81: {  	[tilespmem:s0+$0x15010] =	vst v2  }
0x82: {  	[tilespmem:s0+$0x15020] =	vst v5  }
0x83: {  	s30 =	sshll.u32 s28, $0x10;
	[tilespmem:s0+$0x15030] =	vst v3  }
0x84: {  	s1 =	sor.u32 s7, s30;
	[tilespmem:s0+$0x15040] =	vst v4  }
0x85: {  	s13 =	simm.s32 $0xD000;
	s11 =	sadd.s32 s2, s1;
	[tilespmem:s0+$0x15050] =	vst v6  }
0x86: {  	[hbm4b:s11+s6] =	stream.linear.scatter [tilespmem:s13], [sflag:$0x5], $0x1000, $0x38;
	[tilespmem:$0x19000] =	vst v63  }
0x87: {  	s15 =	simm.s32 $0x11000;
	s14 =	sadd.s32 s4, s1  }
0x88: {  	[hbm4b:s14+s6] =	stream.linear.scatter [tilespmem:s15], [sflag:$0x5], $0x1000, $0x38;
	[tilespmem:$0x19000] =	vst v63  }
0x89: {  	p0 =	seq.s32 s28, $0x17;
	s18 =	sadd.s32 s5, s1;
	s19 =	simm.s32 $0x15000  }
0x8a: {  	[hbm4b:s18+s6] =	stream.linear.scatter [tilespmem:s19], [sflag:$0x5], $0x1000, $0x38;
	[tilespmem:$0x19000] =	vst v63  }
0x8b: {  	p1 =	seq.s32 @!p0 s28, $0x0;
	s1 =	simm.s32 @!p0 $0x0;
	_ =	swait.ge [sflag:s31], $0x1000  }
0x8c: {  	p1 =	por p0, !p1;
	[sflag:s31] =	ssyncset.done $0x0;
	s0 =	rddreg [dreg:$0xc]  }
0x8d: {  	s3 =	simm.s32 @!p0 $0x9000;
	[sflag:s31] =	ssyncadd.s32 $0xFFFFF000;
	s0 =	sadd.s32 @!p0 s30, s0  }
0x8e: {  	[tilespmem:s3], [sflag:$0x1] =	stream.linear.gather @!p0 [hbm4b:s0+s1], $0x1000, $0x38;
	[tilespmem:$0x19000] =	vst v63  }
0x8f: {  	_ =	swait.ge @p1 [sflag:s8], $0x1000  }
0x90: {  	[sflag:s8] =	ssyncset.done @p1 $0x0  }
0x91: {  	[sflag:s8] =	ssyncadd.s32 @p1 $0xFFFFF000  }
0x92: {  	_ =	swait.ge @p1 [sflag:s8], $0x1000  }
0x93: {  	s1 =	simm.s32 $0x0;
	[sflag:s8] =	ssyncset.done @p1 $0x0  }
0x94: {  	s21 =	sand.u32 $0x3, s1;
	[sflag:s8] =	ssyncadd.s32 @p1 $0xFFFFF000  }
0x95: {  	s0 =	sshll.u32 s21, $0xA;
	_ =	swait.ge @p1 [sflag:s8], $0x1000  }
0x96: {  	s0 =	sadd.s32 $0x0, s0;
	[sflag:s8] =	ssyncset.done @p1 $0x0  }
0x97: {  	s19 =	sor.u32 $0x1070, s0;
	[sflag:s8] =	ssyncadd.s32 @p1 $0xFFFFF000  }
0x98: {  	s9 =	sand.u32 $0xC00, s1;
	s11 =	sand.u32 $0x380, s1;
	s3 =	sor.u32 $0x1060, s0;
	v1 =	vld [tilespmem:s19+$0x9000]  }
0x99: {  	s0 =	sor.u32 s11, s9;
	v2 =	vld [tilespmem:s3+$0x9000]  }
0x9a: {  	v3 =	vld [tilespmem:s0+$0xA000]  }
0x9b: {  	v4 =	vld [tilespmem:s0+$0xA010]  }
0x9c: {  	v5 =	vld [tilespmem:s0+$0xA020]  }
0x9d: {  	v6 =	vld [tilespmem:s0+$0xA030];
	v1 =	vmul.f32 $2.550000000e+02, v1  }
0x9e: {  	v9 =	vld [tilespmem:s0+$0xA040];
	v2 =	vmul.f32 $2.550000000e+02, v2  }
0x9f: {  	v10 =	vld [tilespmem:s0+$0xA050];
	v3 =	vmul.f32 $2.550000000e+02, v3;
	v1 =	vadd.f32 v1, v0  }
0xa0: {  	v4 =	vmul.f32 $2.550000000e+02, v4;
	v2 =	vadd.f32 v2, v0  }
0xa1: {  	v5 =	vmul.f32 $2.550000000e+02, v5;
	v3 =	vadd.f32 v3, v0;
	v8 =	vand.u32 $0x3FFF, v1  }
0xa2: {  	v6 =	vmul.f32 $2.550000000e+02, v6;
	v4 =	vadd.f32 v4, v0;
	v7 =	vand.u32 $0x3FFF, v2  }
0xa3: {  	v9 =	vmul.f32 $2.550000000e+02, v9;
	v1 =	vand.u32 $0x3FFF, v3;
	v3 =	vadd.f32 v5, v0  }
0xa4: {  	v2 =	vand.u32 $0x3FFF, v4;
	v4 =	vadd.f32 v6, v0;
	v6 =	vmul.f32 $2.550000000e+02, v10  }
0xa5: {  	v9 =	vadd.f32 v9, v0;
	v5 =	vand.u32 $0x3FFF, v3  }
0xa6: {  	v3 =	vand.u32 $0x3FFF, v4;
	v6 =	vadd.f32 v6, v0;
	v10 =	vld.idx.msk [tilespmem:v8+s6+$0x0], $0xffff  }
0xa7: {  	v4 =	vand.u32 $0x3FFF, v9;
	v9 =	vld.idx.msk [tilespmem:v7+s6+$0x0], $0xffff  }
0xa8: {  	v6 =	vand.u32 $0x3FFF, v6;
	v11 =	vld.idx.msk [tilespmem:v1+s6+$0x0], $0xffff  }
0xa9: {  	v12 =	vld.idx.msk [tilespmem:v2+s6+$0x0], $0xffff  }
0xaa: {  	v15 =	vld.idx.msk [tilespmem:v5+s6+$0x0], $0xffff  }
0xab: {  	v16 =	vld.idx.msk [tilespmem:v3+s6+$0x0], $0xffff  }
0xac: {  	v17 =	vld.idx.msk [tilespmem:v4+s6+$0x0], $0xffff;
	[tilespmem:s19+$0xD000] =	vst v10  }
0xad: {  	v14 =	vld.idx.msk [tilespmem:v6+s6+$0x0], $0xffff;
	[tilespmem:s3+$0xD000] =	vst v9  }
0xae: {  	[tilespmem:s0+$0xE000] =	vst v11;
	v18 =	vld.idx.msk [tilespmem:v8+s22+$0x0], $0xffff  }
0xaf: {  	[tilespmem:s0+$0xE010] =	vst v12;
	v13 =	vld.idx.msk [tilespmem:v7+s22+$0x0], $0xffff  }
0xb0: {  	v12 =	vld.idx.msk [tilespmem:v1+s22+$0x0], $0xffff;
	[tilespmem:s0+$0xE020] =	vst v15  }
0xb1: {  	v10 =	vld.idx.msk [tilespmem:v2+s22+$0x0], $0xffff;
	[tilespmem:s0+$0xE030] =	vst v16  }
0xb2: {  	[tilespmem:s0+$0xE040] =	vst v17;
	v9 =	vld.idx.msk [tilespmem:v5+s22+$0x0], $0xffff  }
0xb3: {  	s21 =	simm.s32 $0x0;
	s9 =	simm.s32 $0x1;
	s11 =	simm.s32 $0x0;
	v11 =	vld.idx.msk [tilespmem:v3+s22+$0x0], $0xffff;
	[tilespmem:s19+$0x11000] =	vst v18  }
.LBB2_5:
0xb4: {  	s13 =	sand.u32 $0x3, s9;
	s21 =	sadd.s32 $0x8, s21;
	[tilespmem:s0+$0xE050] =	vst v14;
	v8 =	vld.idx.msk [tilespmem:v8+s23+$0x0], $0xffff;
	s1 =	sadd.s32 $0x400, s1  }
0xb5: {  	s11 =	sadd.s32 $0x20, s11;
	s13 =	sshll.u32 s13, $0xA;
	p2 =	slt.u32 s21, $0xF8;
	v14 =	vld.idx.msk [tilespmem:v4+s22+$0x0], $0xffff;
	[tilespmem:s3+$0x11000] =	vst v13  }
0xb6: {  	s14 =	sand.u32 $0x380, s11;
	s18 =	sadd.s32 s13, s11;
	s13 =	sand.u32 $0xC00, s1;
	[tilespmem:s0+$0x12000] =	vst v12;
	v12 =	vld.idx.msk [tilespmem:v6+s22+$0x0], $0xffff  }
0xb7: {  	s13 =	sor.u32 s14, s13;
	s14 =	sor.u32 $0x1060, s18;
	s18 =	sor.u32 $0x1070, s18;
	[tilespmem:s0+$0x12010] =	vst v10;
	v7 =	vld.idx.msk [tilespmem:v7+s23+$0x0], $0xffff  }
0xb8: {  	v10 =	vld [tilespmem:s18+$0x9000];
	[tilespmem:s0+$0x12020] =	vst v9  }
0xb9: {  	v9 =	vld [tilespmem:s14+$0x9000];
	[tilespmem:s0+$0x12030] =	vst v11  }
0xba: {  	v11 =	vld [tilespmem:s13+$0xA000];
	[tilespmem:s19+$0x15000] =	vst v8;
	s19 =	smov.u32 s18  }
0xbb: {  	v8 =	vld [tilespmem:s13+$0xA010];
	[tilespmem:s0+$0x12040] =	vst v14  }
0xbc: {  	v13 =	vld [tilespmem:s13+$0xA020];
	[tilespmem:s0+$0x12050] =	vst v12  }
0xbd: {  	v12 =	vld [tilespmem:s13+$0xA030];
	v10 =	vmul.f32 $2.550000000e+02, v10;
	[tilespmem:s3+$0x15000] =	vst v7;
	s3 =	smov.u32 s14  }
0xbe: {  	v14 =	vld [tilespmem:s13+$0xA040];
	v7 =	vmul.f32 $2.550000000e+02, v9  }
0xbf: {  	v9 =	vmul.f32 $2.550000000e+02, v11;
	v11 =	vld [tilespmem:s13+$0xA050];
	v10 =	vadd.f32 v10, v0  }
0xc0: {  	v15 =	vmul.f32 $2.550000000e+02, v8;
	v7 =	vadd.f32 v7, v0;
	v16 =	vld.idx.msk [tilespmem:v1+s23+$0x0], $0xffff  }
0xc1: {  	v1 =	vadd.f32 v9, v0;
	v9 =	vmul.f32 $2.550000000e+02, v13;
	v8 =	vand.u32 $0x3FFF, v10;
	v10 =	vld.idx.msk [tilespmem:v2+s23+$0x0], $0xffff  }
0xc2: {  	v2 =	vadd.f32 v15, v0;
	v12 =	vmul.f32 $2.550000000e+02, v12;
	v7 =	vand.u32 $0x3FFF, v7;
	v13 =	vld.idx.msk [tilespmem:v5+s23+$0x0], $0xffff  }
0xc3: {  	v1 =	vand.u32 $0x3FFF, v1;
	v5 =	vadd.f32 v9, v0;
	v9 =	vmul.f32 $2.550000000e+02, v14;
	v14 =	vld.idx.msk [tilespmem:v3+s23+$0x0], $0xffff  }
0xc4: {  	v2 =	vand.u32 $0x3FFF, v2;
	v3 =	vadd.f32 v12, v0;
	v11 =	vmul.f32 $2.550000000e+02, v11;
	v12 =	vld.idx.msk [tilespmem:v4+s23+$0x0], $0xffff  }
0xc5: {  	v5 =	vand.u32 $0x3FFF, v5;
	v4 =	vadd.f32 v9, v0;
	v9 =	vld.idx.msk [tilespmem:v6+s23+$0x0], $0xffff  }
0xc6: {  	v3 =	vand.u32 $0x3FFF, v3;
	v6 =	vadd.f32 v11, v0;
	v11 =	vld.idx.msk [tilespmem:v8+s6+$0x0], $0xffff;
	[tilespmem:s0+$0x16000] =	vst v16  }
0xc7: {  	v4 =	vand.u32 $0x3FFF, v4;
	v15 =	vld.idx.msk [tilespmem:v7+s6+$0x0], $0xffff;
	[tilespmem:s0+$0x16010] =	vst v10  }
0xc8: {  	v10 =	vld.idx.msk [tilespmem:v1+s6+$0x0], $0xffff;
	v6 =	vand.u32 $0x3FFF, v6;
	[tilespmem:s0+$0x16020] =	vst v13  }
0xc9: {  	v13 =	vld.idx.msk [tilespmem:v2+s6+$0x0], $0xffff;
	[tilespmem:s0+$0x16030] =	vst v14  }
0xca: {  	v16 =	vld.idx.msk [tilespmem:v5+s6+$0x0], $0xffff;
	[tilespmem:s0+$0x16040] =	vst v12  }
0xcb: {  	v17 =	vld.idx.msk [tilespmem:v3+s6+$0x0], $0xffff;
	[tilespmem:s0+$0x16050] =	vst v9;
	s0 =	smov.u32 s13  }
0xcc: {  	v18 =	vld.idx.msk [tilespmem:v4+s6+$0x0], $0xffff;
	[tilespmem:s19+$0xD000] =	vst v11  }
0xcd: {  	[tilespmem:s3+$0xD000] =	vst v15;
	v15 =	vld.idx.msk [tilespmem:v8+s22+$0x0], $0xffff  }
0xce: {  	[tilespmem:s0+$0xE000] =	vst v10;
	v14 =	vld.idx.msk [tilespmem:v6+s6+$0x0], $0xffff  }
.Ltmp1:
0xcf: {  	[tilespmem:s0+$0xE010] =	vst v13;
	v13 =	vld.idx.msk [tilespmem:v7+s22+$0x0], $0xffff;
	(pc) =	sbr.rel @p2 .LBB2_5-.Ltmp1, $4  }
0xd0: {  	v12 =	vld.idx.msk [tilespmem:v1+s22+$0x0], $0xffff;
	[tilespmem:s0+$0xE020] =	vst v16  }
0xd1: {  	v10 =	vld.idx.msk [tilespmem:v2+s22+$0x0], $0xffff;
	[tilespmem:s0+$0xE030] =	vst v17  }
0xd2: {  	v9 =	vld.idx.msk [tilespmem:v5+s22+$0x0], $0xffff;
	[tilespmem:s0+$0xE040] =	vst v18  }
0xd3: {  	s9 =	sadd.s32 $0x1, s9;
	v11 =	vld.idx.msk [tilespmem:v3+s22+$0x0], $0xffff;
	[tilespmem:s19+$0x11000] =	vst v15  }
0xd4: {  	_ =	sdelay $0x2  }
0xd5: {  	[tilespmem:s0+$0xE050] =	vst v14  }
0xd6: {  	v0 =	vld.idx.msk [tilespmem:v8+s23+$0x0], $0xffff;
	[tilespmem:s3+$0x11000] =	vst v13  }
0xd7: {  	v8 =	vld.idx.msk [tilespmem:v4+s22+$0x0], $0xffff;
	[tilespmem:s0+$0x12000] =	vst v12  }
0xd8: {  	v12 =	vld.idx.msk [tilespmem:v6+s22+$0x0], $0xffff;
	[tilespmem:s0+$0x12010] =	vst v10  }
0xd9: {  	v7 =	vld.idx.msk [tilespmem:v7+s23+$0x0], $0xffff;
	[tilespmem:s0+$0x12020] =	vst v9  }
0xda: {  	v1 =	vld.idx.msk [tilespmem:v1+s23+$0x0], $0xffff;
	[tilespmem:s0+$0x12030] =	vst v11  }
0xdb: {  	[tilespmem:s19+$0x15000] =	vst v0;
	v0 =	vld.idx.msk [tilespmem:v2+s23+$0x0], $0xffff  }
0xdc: {  	[tilespmem:s0+$0x12040] =	vst v8;
	v2 =	vld.idx.msk [tilespmem:v5+s23+$0x0], $0xffff  }
0xdd: {  	v3 =	vld.idx.msk [tilespmem:v3+s23+$0x0], $0xffff;
	[tilespmem:s0+$0x12050] =	vst v12  }
0xde: {  	[tilespmem:s3+$0x15000] =	vst v7;
	v4 =	vld.idx.msk [tilespmem:v4+s23+$0x0], $0xffff  }
0xdf: {  	v5 =	vld.idx.msk [tilespmem:v6+s23+$0x0], $0xffff;
	[tilespmem:s0+$0x16000] =	vst v1  }
0xe0: {  	[tilespmem:s0+$0x16010] =	vst v0  }
0xe1: {  	[tilespmem:s0+$0x16020] =	vst v2  }
0xe2: {  	[tilespmem:s0+$0x16030] =	vst v3  }
0xe3: {  	s1 =	sor.u32 s12, s30;
	[tilespmem:s0+$0x16040] =	vst v4  }
0xe4: {  	s21 =	simm.s32 $0xE000;
	s19 =	sadd.s32 s2, s1;
	[tilespmem:s0+$0x16050] =	vst v5  }
0xe5: {  	[hbm4b:s19+s6] =	stream.linear.scatter [tilespmem:s21], [sflag:$0x6], $0x1000, $0x38;
	[tilespmem:$0x19000] =	vst v63  }
0xe6: {  	s9 =	simm.s32 $0x12000;
	s3 =	sadd.s32 s4, s1  }
0xe7: {  	[hbm4b:s3+s6] =	stream.linear.scatter [tilespmem:s9], [sflag:$0x6], $0x1000, $0x38;
	[tilespmem:$0x19000] =	vst v63  }
0xe8: {  	s13 =	simm.s32 $0x16000;
	s11 =	sadd.s32 s5, s1  }
0xe9: {  	[hbm4b:s11+s6] =	stream.linear.scatter [tilespmem:s13], [sflag:$0x6], $0x1000, $0x38;
	[tilespmem:$0x19000] =	vst v63  }
0xea: {  	_ =	swait.ge [sflag:s20], $0x1000  }
0xeb: {  	s1 =	simm.s32 @!p0 $0x0;
	[sflag:s20] =	ssyncset.done $0x0  }
0xec: {  	s0 =	sadd.s32 @!p0 s30, s16;
	s3 =	simm.s32 @!p0 $0xA000;
	[sflag:s20] =	ssyncadd.s32 $0xFFFFF000  }
0xed: {  	[tilespmem:s3], [sflag:$0x2] =	stream.linear.gather @!p0 [hbm4b:s0+s1], $0x1000, $0x38;
	[tilespmem:$0x19000] =	vst v63  }
0xee: {  	_ =	swait.ge @p1 [sflag:s24], $0x1000  }
0xef: {  	[sflag:s24] =	ssyncset.done @p1 $0x0  }
0xf0: {  	[sflag:s24] =	ssyncadd.s32 @p1 $0xFFFFF000  }
0xf1: {  	_ =	swait.ge @p1 [sflag:s24], $0x1000  }
0xf2: {  	s1 =	simm.s32 $0x0;
	[sflag:s24] =	ssyncset.done @p1 $0x0  }
0xf3: {  	s14 =	sand.u32 $0x3, s1;
	[sflag:s24] =	ssyncadd.s32 @p1 $0xFFFFF000  }
0xf4: {  	s0 =	sshll.u32 s14, $0xA;
	_ =	swait.ge @p1 [sflag:s24], $0x1000  }
0xf5: {  	s15 =	sadd.s32 $0x0, s0;
	[sflag:s24] =	ssyncset.done @p1 $0x0  }
0xf6: {  	s9 =	sand.u32 $0xC00, s1;
	s21 =	sor.u32 $0x2070, s15;
	[sflag:s24] =	ssyncadd.s32 @p1 $0xFFFFF000  }
0xf7: {  	s11 =	sand.u32 $0x380, s1;
	s0 =	sshllo.u32 s28, $0x1;
	s19 =	sor.u32 $0x2060, s15;
	v0 =	vld [tilespmem:s21+$0x9000]  }
0xf8: {  	s3 =	sor.u32 s11, s9;
	s13 =	sshll.u32 s0, $0x8;
	v1 =	vld [tilespmem:s19+$0x9000]  }
0xf9: {  	s18 =	scvt.s32.f32 s13;
	v2 =	vld [tilespmem:s3+$0xB000]  }
0xfa: {  	v3 =	vld [tilespmem:s3+$0xB010]  }
0xfb: {  	s9 =	sadd.f32 $8.388608000e+06, s18;
	v4 =	vld [tilespmem:s3+$0xB020]  }
0xfc: {  	v5 =	vld [tilespmem:s3+$0xB030];
	v6 =	vmul.f32 $2.550000000e+02, v0  }
0xfd: {  	v9 =	vld [tilespmem:s3+$0xB040];
	v0 =	vmov s9;
	v1 =	vmul.f32 $2.550000000e+02, v1  }
0xfe: {  	v10 =	vld [tilespmem:s3+$0xB050];
	v2 =	vmul.f32 $2.550000000e+02, v2;
	v6 =	vadd.f32 v6, v0  }
0xff: {  	v3 =	vmul.f32 $2.550000000e+02, v3;
	v1 =	vadd.f32 v1, v0  }
0x100: {  	v4 =	vmul.f32 $2.550000000e+02, v4;
	v2 =	vadd.f32 v2, v0;
	v8 =	vand.u32 $0x3FFF, v6  }
0x101: {  	v5 =	vmul.f32 $2.550000000e+02, v5;
	v3 =	vadd.f32 v3, v0;
	v7 =	vand.u32 $0x3FFF, v1  }
0x102: {  	v4 =	vadd.f32 v4, v0;
	v1 =	vand.u32 $0x3FFF, v2;
	v6 =	vmul.f32 $2.550000000e+02, v9  }
0x103: {  	v2 =	vand.u32 $0x3FFF, v3;
	v3 =	vadd.f32 v5, v0;
	v9 =	vmul.f32 $2.550000000e+02, v10  }
0x104: {  	v5 =	vand.u32 $0x3FFF, v4;
	v4 =	vadd.f32 v6, v0  }
0x105: {  	v3 =	vand.u32 $0x3FFF, v3;
	v6 =	vadd.f32 v9, v0;
	v10 =	vld.idx.msk [tilespmem:v8+s6+$0x0], $0xffff  }
0x106: {  	v4 =	vand.u32 $0x3FFF, v4;
	v9 =	vld.idx.msk [tilespmem:v7+s6+$0x0], $0xffff  }
0x107: {  	v6 =	vand.u32 $0x3FFF, v6;
	v11 =	vld.idx.msk [tilespmem:v1+s6+$0x0], $0xffff  }
0x108: {  	v12 =	vld.idx.msk [tilespmem:v2+s6+$0x0], $0xffff  }
0x109: {  	v15 =	vld.idx.msk [tilespmem:v5+s6+$0x0], $0xffff  }
0x10a: {  	v16 =	vld.idx.msk [tilespmem:v3+s6+$0x0], $0xffff  }
0x10b: {  	v17 =	vld.idx.msk [tilespmem:v4+s6+$0x0], $0xffff;
	[tilespmem:s21+$0xD000] =	vst v10  }
0x10c: {  	v14 =	vld.idx.msk [tilespmem:v6+s6+$0x0], $0xffff;
	[tilespmem:s19+$0xD000] =	vst v9  }
0x10d: {  	[tilespmem:s3+$0xF000] =	vst v11;
	v18 =	vld.idx.msk [tilespmem:v8+s22+$0x0], $0xffff  }
0x10e: {  	[tilespmem:s3+$0xF010] =	vst v12;
	v13 =	vld.idx.msk [tilespmem:v7+s22+$0x0], $0xffff  }
0x10f: {  	[tilespmem:s3+$0xF020] =	vst v15;
	v12 =	vld.idx.msk [tilespmem:v1+s22+$0x0], $0xffff  }
0x110: {  	v10 =	vld.idx.msk [tilespmem:v2+s22+$0x0], $0xffff;
	[tilespmem:s3+$0xF030] =	vst v16  }
0x111: {  	v9 =	vld.idx.msk [tilespmem:v5+s22+$0x0], $0xffff;
	[tilespmem:s3+$0xF040] =	vst v17  }
0x112: {  	s11 =	simm.s32 $0x1;
	s13 =	simm.s32 $0x0;
	s9 =	simm.s32 $0x0;
	v11 =	vld.idx.msk [tilespmem:v3+s22+$0x0], $0xffff;
	[tilespmem:s21+$0x11000] =	vst v18  }
.LBB2_7:
0x113: {  	s14 =	sand.u32 $0x3, s11;
	s9 =	sadd.s32 $0x8, s9;
	[tilespmem:s3+$0xF050] =	vst v14;
	v8 =	vld.idx.msk [tilespmem:v8+s23+$0x0], $0xffff;
	s1 =	sadd.s32 $0x400, s1  }
0x114: {  	s13 =	sadd.s32 $0x20, s13;
	s14 =	sshll.u32 s14, $0xA;
	p2 =	slt.u32 s9, $0xF8;
	v14 =	vld.idx.msk [tilespmem:v4+s22+$0x0], $0xffff;
	[tilespmem:s19+$0x11000] =	vst v13  }
0x115: {  	s18 =	sand.u32 $0xC00, s1;
	s15 =	sand.u32 $0x380, s13;
	s14 =	sadd.s32 s14, s13;
	[tilespmem:s3+$0x13000] =	vst v12;
	v12 =	vld.idx.msk [tilespmem:v6+s22+$0x0], $0xffff  }
0x116: {  	s18 =	sor.u32 s15, s18;
	s15 =	sor.u32 $0x2060, s14;
	s14 =	sor.u32 $0x2070, s14;
	[tilespmem:s3+$0x13010] =	vst v10;
	v7 =	vld.idx.msk [tilespmem:v7+s23+$0x0], $0xffff  }
0x117: {  	v10 =	vld [tilespmem:s14+$0x9000];
	[tilespmem:s3+$0x13020] =	vst v9  }
0x118: {  	v9 =	vld [tilespmem:s15+$0x9000];
	[tilespmem:s3+$0x13030] =	vst v11  }
0x119: {  	v11 =	vld [tilespmem:s18+$0xB000];
	[tilespmem:s21+$0x15000] =	vst v8;
	s21 =	smov.u32 s14  }
0x11a: {  	v8 =	vld [tilespmem:s18+$0xB010];
	[tilespmem:s3+$0x13040] =	vst v14  }
0x11b: {  	v13 =	vld [tilespmem:s18+$0xB020];
	[tilespmem:s3+$0x13050] =	vst v12  }
0x11c: {  	v12 =	vld [tilespmem:s18+$0xB030];
	v10 =	vmul.f32 $2.550000000e+02, v10;
	[tilespmem:s19+$0x15000] =	vst v7;
	s19 =	smov.u32 s15  }
0x11d: {  	v14 =	vld [tilespmem:s18+$0xB040];
	v7 =	vmul.f32 $2.550000000e+02, v9  }
0x11e: {  	v9 =	vmul.f32 $2.550000000e+02, v11;
	v11 =	vld [tilespmem:s18+$0xB050];
	v10 =	vadd.f32 v10, v0  }
0x11f: {  	v15 =	vmul.f32 $2.550000000e+02, v8;
	v7 =	vadd.f32 v7, v0;
	v16 =	vld.idx.msk [tilespmem:v1+s23+$0x0], $0xffff  }
0x120: {  	v1 =	vadd.f32 v9, v0;
	v9 =	vmul.f32 $2.550000000e+02, v13;
	v8 =	vand.u32 $0x3FFF, v10;
	v10 =	vld.idx.msk [tilespmem:v2+s23+$0x0], $0xffff  }
0x121: {  	v2 =	vadd.f32 v15, v0;
	v12 =	vmul.f32 $2.550000000e+02, v12;
	v7 =	vand.u32 $0x3FFF, v7;
	v13 =	vld.idx.msk [tilespmem:v5+s23+$0x0], $0xffff  }
0x122: {  	v1 =	vand.u32 $0x3FFF, v1;
	v5 =	vadd.f32 v9, v0;
	v9 =	vmul.f32 $2.550000000e+02, v14;
	v14 =	vld.idx.msk [tilespmem:v3+s23+$0x0], $0xffff  }
0x123: {  	v2 =	vand.u32 $0x3FFF, v2;
	v3 =	vadd.f32 v12, v0;
	v11 =	vmul.f32 $2.550000000e+02, v11;
	v12 =	vld.idx.msk [tilespmem:v4+s23+$0x0], $0xffff  }
0x124: {  	v5 =	vand.u32 $0x3FFF, v5;
	v4 =	vadd.f32 v9, v0;
	v9 =	vld.idx.msk [tilespmem:v6+s23+$0x0], $0xffff  }
0x125: {  	v3 =	vand.u32 $0x3FFF, v3;
	v6 =	vadd.f32 v11, v0;
	v11 =	vld.idx.msk [tilespmem:v8+s6+$0x0], $0xffff;
	[tilespmem:s3+$0x17000] =	vst v16  }
0x126: {  	v4 =	vand.u32 $0x3FFF, v4;
	v15 =	vld.idx.msk [tilespmem:v7+s6+$0x0], $0xffff;
	[tilespmem:s3+$0x17010] =	vst v10  }
0x127: {  	v10 =	vld.idx.msk [tilespmem:v1+s6+$0x0], $0xffff;
	v6 =	vand.u32 $0x3FFF, v6;
	[tilespmem:s3+$0x17020] =	vst v13  }
0x128: {  	v13 =	vld.idx.msk [tilespmem:v2+s6+$0x0], $0xffff;
	[tilespmem:s3+$0x17030] =	vst v14  }
0x129: {  	v16 =	vld.idx.msk [tilespmem:v5+s6+$0x0], $0xffff;
	[tilespmem:s3+$0x17040] =	vst v12  }
0x12a: {  	v17 =	vld.idx.msk [tilespmem:v3+s6+$0x0], $0xffff;
	[tilespmem:s3+$0x17050] =	vst v9;
	s3 =	smov.u32 s18  }
0x12b: {  	v18 =	vld.idx.msk [tilespmem:v4+s6+$0x0], $0xffff;
	[tilespmem:s21+$0xD000] =	vst v11  }
0x12c: {  	[tilespmem:s19+$0xD000] =	vst v15;
	v15 =	vld.idx.msk [tilespmem:v8+s22+$0x0], $0xffff  }
0x12d: {  	[tilespmem:s3+$0xF000] =	vst v10;
	v14 =	vld.idx.msk [tilespmem:v6+s6+$0x0], $0xffff  }
.Ltmp2:
0x12e: {  	[tilespmem:s3+$0xF010] =	vst v13;
	v13 =	vld.idx.msk [tilespmem:v7+s22+$0x0], $0xffff;
	(pc) =	sbr.rel @p2 .LBB2_7-.Ltmp2, $4  }
0x12f: {  	v12 =	vld.idx.msk [tilespmem:v1+s22+$0x0], $0xffff;
	[tilespmem:s3+$0xF020] =	vst v16  }
0x130: {  	v10 =	vld.idx.msk [tilespmem:v2+s22+$0x0], $0xffff;
	[tilespmem:s3+$0xF030] =	vst v17  }
0x131: {  	v9 =	vld.idx.msk [tilespmem:v5+s22+$0x0], $0xffff;
	[tilespmem:s3+$0xF040] =	vst v18  }
0x132: {  	s11 =	sadd.s32 $0x1, s11;
	v11 =	vld.idx.msk [tilespmem:v3+s22+$0x0], $0xffff;
	[tilespmem:s21+$0x11000] =	vst v15  }
0x133: {  	_ =	sdelay $0x2  }
0x134: {  	[tilespmem:s3+$0xF050] =	vst v14  }
0x135: {  	v0 =	vld.idx.msk [tilespmem:v8+s23+$0x0], $0xffff;
	[tilespmem:s19+$0x11000] =	vst v13  }
0x136: {  	v8 =	vld.idx.msk [tilespmem:v4+s22+$0x0], $0xffff;
	[tilespmem:s3+$0x13000] =	vst v12  }
0x137: {  	v12 =	vld.idx.msk [tilespmem:v6+s22+$0x0], $0xffff;
	[tilespmem:s3+$0x13010] =	vst v10  }
0x138: {  	v7 =	vld.idx.msk [tilespmem:v7+s23+$0x0], $0xffff;
	[tilespmem:s3+$0x13020] =	vst v9  }
0x139: {  	v1 =	vld.idx.msk [tilespmem:v1+s23+$0x0], $0xffff;
	[tilespmem:s3+$0x13030] =	vst v11  }
0x13a: {  	[tilespmem:s21+$0x15000] =	vst v0;
	v0 =	vld.idx.msk [tilespmem:v2+s23+$0x0], $0xffff  }
0x13b: {  	[tilespmem:s3+$0x13040] =	vst v8;
	v2 =	vld.idx.msk [tilespmem:v5+s23+$0x0], $0xffff  }
0x13c: {  	v3 =	vld.idx.msk [tilespmem:v3+s23+$0x0], $0xffff;
	[tilespmem:s3+$0x13050] =	vst v12  }
0x13d: {  	[tilespmem:s19+$0x15000] =	vst v7;
	v4 =	vld.idx.msk [tilespmem:v4+s23+$0x0], $0xffff  }
0x13e: {  	v5 =	vld.idx.msk [tilespmem:v6+s23+$0x0], $0xffff;
	[tilespmem:s3+$0x17000] =	vst v1  }
0x13f: {  	[tilespmem:s3+$0x17010] =	vst v0  }
0x140: {  	[tilespmem:s3+$0x17020] =	vst v2  }
0x141: {  	s0 =	sshll.u32 s0, $0xF;
	[tilespmem:s3+$0x17030] =	vst v3  }
0x142: {  	s0 =	sor.u32 s7, s0;
	[tilespmem:s3+$0x17040] =	vst v4  }
0x143: {  	s11 =	simm.s32 $0xF000;
	s1 =	sadd.s32 s2, s0;
	[tilespmem:s3+$0x17050] =	vst v5  }
0x144: {  	[hbm4b:s1+s6] =	stream.linear.scatter [tilespmem:s11], [sflag:$0x7], $0x1000, $0x38;
	[tilespmem:$0x19000] =	vst v63  }
0x145: {  	s14 =	simm.s32 $0x13000;
	s13 =	sadd.s32 s4, s0  }
0x146: {  	[hbm4b:s13+s6] =	stream.linear.scatter [tilespmem:s14], [sflag:$0x7], $0x1000, $0x38;
	[tilespmem:$0x19000] =	vst v63  }
0x147: {  	s15 =	simm.s32 $0x17000;
	s0 =	sadd.s32 s5, s0  }
0x148: {  	[hbm4b:s0+s6] =	stream.linear.scatter [tilespmem:s15], [sflag:$0x7], $0x1000, $0x38;
	[tilespmem:$0x19000] =	vst v63  }
0x149: {  	_ =	swait.ge [sflag:s10], $0x1000  }
0x14a: {  	s3 =	simm.s32 @!p0 $0xB000;
	[sflag:s10] =	ssyncset.done $0x0  }
0x14b: {  	s1 =	simm.s32 @!p0 $0x0;
	s0 =	sadd.s32 @!p0 s30, s17;
	[sflag:s10] =	ssyncadd.s32 $0xFFFFF000  }
0x14c: {  	[tilespmem:s3], [sflag:$0x3] =	stream.linear.gather @!p0 [hbm4b:s0+s1], $0x1000, $0x38;
	[tilespmem:$0x19000] =	vst v63  }
0x14d: {  	_ =	swait.ge @p1 [sflag:s26], $0x1000  }
0x14e: {  	[sflag:s26] =	ssyncset.done @p1 $0x0  }
0x14f: {  	[sflag:s26] =	ssyncadd.s32 @p1 $0xFFFFF000  }
0x150: {  	_ =	swait.ge @p1 [sflag:s26], $0x1000  }
0x151: {  	s1 =	simm.s32 $0x0;
	[sflag:s26] =	ssyncset.done @p1 $0x0  }
0x152: {  	s18 =	sand.u32 $0x3, s1;
	[sflag:s26] =	ssyncadd.s32 @p1 $0xFFFFF000  }
0x153: {  	s0 =	sshll.u32 s18, $0xA;
	_ =	swait.ge @p1 [sflag:s26], $0x1000  }
0x154: {  	s19 =	sadd.s32 $0x0, s0;
	[sflag:s26] =	ssyncset.done @p1 $0x0  }
0x155: {  	s9 =	sand.u32 $0xC00, s1;
	s21 =	sor.u32 $0x3070, s19;
	[sflag:s26] =	ssyncadd.s32 @p1 $0xFFFFF000  }
0x156: {  	s11 =	sand.u32 $0x380, s1;
	s0 =	sshrl.u32 s29, $0x1;
	s19 =	sor.u32 $0x3060, s19;
	v0 =	vld [tilespmem:s21+$0x9000]  }
0x157: {  	s3 =	sor.u32 s11, s9;
	s13 =	sshll.u32 s0, $0x8;
	v1 =	vld [tilespmem:s19+$0x9000]  }
0x158: {  	s30 =	scvt.s32.f32 s13;
	v2 =	vld [tilespmem:s3+$0xC000]  }
0x159: {  	v3 =	vld [tilespmem:s3+$0xC010]  }
0x15a: {  	s9 =	sadd.f32 $8.388608000e+06, s30;
	v4 =	vld [tilespmem:s3+$0xC020]  }
0x15b: {  	v5 =	vld [tilespmem:s3+$0xC030];
	v6 =	vmul.f32 $2.550000000e+02, v0  }
0x15c: {  	v9 =	vld [tilespmem:s3+$0xC040];
	v0 =	vmov s9;
	v1 =	vmul.f32 $2.550000000e+02, v1  }
0x15d: {  	v10 =	vld [tilespmem:s3+$0xC050];
	v2 =	vmul.f32 $2.550000000e+02, v2;
	v6 =	vadd.f32 v6, v0  }
0x15e: {  	v3 =	vmul.f32 $2.550000000e+02, v3;
	v1 =	vadd.f32 v1, v0  }
0x15f: {  	v4 =	vmul.f32 $2.550000000e+02, v4;
	v2 =	vadd.f32 v2, v0;
	v8 =	vand.u32 $0x3FFF, v6  }
0x160: {  	v5 =	vmul.f32 $2.550000000e+02, v5;
	v3 =	vadd.f32 v3, v0;
	v7 =	vand.u32 $0x3FFF, v1  }
0x161: {  	v4 =	vadd.f32 v4, v0;
	v1 =	vand.u32 $0x3FFF, v2;
	v6 =	vmul.f32 $2.550000000e+02, v9  }
0x162: {  	v2 =	vand.u32 $0x3FFF, v3;
	v3 =	vadd.f32 v5, v0;
	v9 =	vmul.f32 $2.550000000e+02, v10  }
0x163: {  	v5 =	vand.u32 $0x3FFF, v4;
	v4 =	vadd.f32 v6, v0  }
0x164: {  	v3 =	vand.u32 $0x3FFF, v3;
	v6 =	vadd.f32 v9, v0;
	v10 =	vld.idx.msk [tilespmem:v8+s6+$0x0], $0xffff  }
0x165: {  	v4 =	vand.u32 $0x3FFF, v4;
	v9 =	vld.idx.msk [tilespmem:v7+s6+$0x0], $0xffff  }
0x166: {  	v6 =	vand.u32 $0x3FFF, v6;
	v11 =	vld.idx.msk [tilespmem:v1+s6+$0x0], $0xffff  }
0x167: {  	v12 =	vld.idx.msk [tilespmem:v2+s6+$0x0], $0xffff  }
0x168: {  	v15 =	vld.idx.msk [tilespmem:v5+s6+$0x0], $0xffff  }
0x169: {  	v16 =	vld.idx.msk [tilespmem:v3+s6+$0x0], $0xffff  }
0x16a: {  	v17 =	vld.idx.msk [tilespmem:v4+s6+$0x0], $0xffff;
	[tilespmem:s21+$0xD000] =	vst v10  }
0x16b: {  	v14 =	vld.idx.msk [tilespmem:v6+s6+$0x0], $0xffff;
	[tilespmem:s19+$0xD000] =	vst v9  }
0x16c: {  	[tilespmem:s3+$0x10000] =	vst v11;
	v18 =	vld.idx.msk [tilespmem:v8+s22+$0x0], $0xffff  }
0x16d: {  	[tilespmem:s3+$0x10010] =	vst v12;
	v13 =	vld.idx.msk [tilespmem:v7+s22+$0x0], $0xffff  }
0x16e: {  	[tilespmem:s3+$0x10020] =	vst v15;
	v12 =	vld.idx.msk [tilespmem:v1+s22+$0x0], $0xffff  }
0x16f: {  	v10 =	vld.idx.msk [tilespmem:v2+s22+$0x0], $0xffff;
	[tilespmem:s3+$0x10030] =	vst v16  }
0x170: {  	v9 =	vld.idx.msk [tilespmem:v5+s22+$0x0], $0xffff;
	[tilespmem:s3+$0x10040] =	vst v17  }
0x171: {  	s11 =	simm.s32 $0x1;
	s13 =	simm.s32 $0x0;
	s9 =	simm.s32 $0x0;
	v11 =	vld.idx.msk [tilespmem:v3+s22+$0x0], $0xffff;
	[tilespmem:s21+$0x11000] =	vst v18  }
.LBB2_9:
0x172: {  	s14 =	sand.u32 $0x3, s11;
	s9 =	sadd.s32 $0x8, s9;
	[tilespmem:s3+$0x10050] =	vst v14;
	v8 =	vld.idx.msk [tilespmem:v8+s23+$0x0], $0xffff;
	s1 =	sadd.s32 $0x400, s1  }
0x173: {  	s13 =	sadd.s32 $0x20, s13;
	s14 =	sshll.u32 s14, $0xA;
	p0 =	slt.u32 s9, $0xF8;
	v14 =	vld.idx.msk [tilespmem:v4+s22+$0x0], $0xffff;
	[tilespmem:s19+$0x11000] =	vst v13  }
0x174: {  	s15 =	sand.u32 $0xC00, s1;
	s18 =	sand.u32 $0x380, s13;
	s14 =	sadd.s32 s14, s13;
	[tilespmem:s3+$0x14000] =	vst v12;
	v12 =	vld.idx.msk [tilespmem:v6+s22+$0x0], $0xffff  }
0x175: {  	s18 =	sor.u32 s18, s15;
	s15 =	sor.u32 $0x3060, s14;
	s14 =	sor.u32 $0x3070, s14;
	[tilespmem:s3+$0x14010] =	vst v10;
	v7 =	vld.idx.msk [tilespmem:v7+s23+$0x0], $0xffff  }
0x176: {  	v10 =	vld [tilespmem:s14+$0x9000];
	[tilespmem:s3+$0x14020] =	vst v9  }
0x177: {  	v9 =	vld [tilespmem:s15+$0x9000];
	[tilespmem:s3+$0x14030] =	vst v11  }
0x178: {  	v11 =	vld [tilespmem:s18+$0xC000];
	[tilespmem:s21+$0x15000] =	vst v8;
	s21 =	smov.u32 s14  }
0x179: {  	v8 =	vld [tilespmem:s18+$0xC010];
	[tilespmem:s3+$0x14040] =	vst v14  }
0x17a: {  	v13 =	vld [tilespmem:s18+$0xC020];
	[tilespmem:s3+$0x14050] =	vst v12  }
0x17b: {  	v12 =	vld [tilespmem:s18+$0xC030];
	v10 =	vmul.f32 $2.550000000e+02, v10;
	[tilespmem:s19+$0x15000] =	vst v7;
	s19 =	smov.u32 s15  }
0x17c: {  	v14 =	vld [tilespmem:s18+$0xC040];
	v7 =	vmul.f32 $2.550000000e+02, v9  }
0x17d: {  	v9 =	vmul.f32 $2.550000000e+02, v11;
	v11 =	vld [tilespmem:s18+$0xC050];
	v10 =	vadd.f32 v10, v0  }
0x17e: {  	v15 =	vmul.f32 $2.550000000e+02, v8;
	v7 =	vadd.f32 v7, v0;
	v16 =	vld.idx.msk [tilespmem:v1+s23+$0x0], $0xffff  }
0x17f: {  	v1 =	vadd.f32 v9, v0;
	v9 =	vmul.f32 $2.550000000e+02, v13;
	v8 =	vand.u32 $0x3FFF, v10;
	v10 =	vld.idx.msk [tilespmem:v2+s23+$0x0], $0xffff  }
0x180: {  	v2 =	vadd.f32 v15, v0;
	v12 =	vmul.f32 $2.550000000e+02, v12;
	v7 =	vand.u32 $0x3FFF, v7;
	v13 =	vld.idx.msk [tilespmem:v5+s23+$0x0], $0xffff  }
0x181: {  	v1 =	vand.u32 $0x3FFF, v1;
	v5 =	vadd.f32 v9, v0;
	v9 =	vmul.f32 $2.550000000e+02, v14;
	v14 =	vld.idx.msk [tilespmem:v3+s23+$0x0], $0xffff  }
0x182: {  	v2 =	vand.u32 $0x3FFF, v2;
	v3 =	vadd.f32 v12, v0;
	v11 =	vmul.f32 $2.550000000e+02, v11;
	v12 =	vld.idx.msk [tilespmem:v4+s23+$0x0], $0xffff  }
0x183: {  	v5 =	vand.u32 $0x3FFF, v5;
	v4 =	vadd.f32 v9, v0;
	v9 =	vld.idx.msk [tilespmem:v6+s23+$0x0], $0xffff  }
0x184: {  	v3 =	vand.u32 $0x3FFF, v3;
	v6 =	vadd.f32 v11, v0;
	v11 =	vld.idx.msk [tilespmem:v8+s6+$0x0], $0xffff;
	[tilespmem:s3+$0x18000] =	vst v16  }
0x185: {  	v4 =	vand.u32 $0x3FFF, v4;
	v15 =	vld.idx.msk [tilespmem:v7+s6+$0x0], $0xffff;
	[tilespmem:s3+$0x18010] =	vst v10  }
0x186: {  	v10 =	vld.idx.msk [tilespmem:v1+s6+$0x0], $0xffff;
	v6 =	vand.u32 $0x3FFF, v6;
	[tilespmem:s3+$0x18020] =	vst v13  }
0x187: {  	v13 =	vld.idx.msk [tilespmem:v2+s6+$0x0], $0xffff;
	[tilespmem:s3+$0x18030] =	vst v14  }
0x188: {  	v16 =	vld.idx.msk [tilespmem:v5+s6+$0x0], $0xffff;
	[tilespmem:s3+$0x18040] =	vst v12  }
0x189: {  	v17 =	vld.idx.msk [tilespmem:v3+s6+$0x0], $0xffff;
	[tilespmem:s3+$0x18050] =	vst v9;
	s3 =	smov.u32 s18  }
0x18a: {  	v18 =	vld.idx.msk [tilespmem:v4+s6+$0x0], $0xffff;
	[tilespmem:s21+$0xD000] =	vst v11  }
0x18b: {  	[tilespmem:s19+$0xD000] =	vst v15;
	v15 =	vld.idx.msk [tilespmem:v8+s22+$0x0], $0xffff  }
0x18c: {  	[tilespmem:s3+$0x10000] =	vst v10;
	v14 =	vld.idx.msk [tilespmem:v6+s6+$0x0], $0xffff  }
.Ltmp3:
0x18d: {  	[tilespmem:s3+$0x10010] =	vst v13;
	v13 =	vld.idx.msk [tilespmem:v7+s22+$0x0], $0xffff;
	(pc) =	sbr.rel @p0 .LBB2_9-.Ltmp3, $4  }
0x18e: {  	v12 =	vld.idx.msk [tilespmem:v1+s22+$0x0], $0xffff;
	[tilespmem:s3+$0x10020] =	vst v16  }
0x18f: {  	v10 =	vld.idx.msk [tilespmem:v2+s22+$0x0], $0xffff;
	[tilespmem:s3+$0x10030] =	vst v17  }
0x190: {  	v9 =	vld.idx.msk [tilespmem:v5+s22+$0x0], $0xffff;
	[tilespmem:s3+$0x10040] =	vst v18  }
0x191: {  	s11 =	sadd.s32 $0x1, s11;
	v11 =	vld.idx.msk [tilespmem:v3+s22+$0x0], $0xffff;
	[tilespmem:s21+$0x11000] =	vst v15  }
0x192: {  	_ =	sdelay $0x2  }
0x193: {  	[tilespmem:s3+$0x10050] =	vst v14  }
0x194: {  	v0 =	vld.idx.msk [tilespmem:v8+s23+$0x0], $0xffff;
	[tilespmem:s19+$0x11000] =	vst v13  }
0x195: {  	v58 =	vld.idx.msk [tilespmem:v4+s22+$0x0], $0xffff;
	[tilespmem:s3+$0x14000] =	vst v12  }
0x196: {  	v59 =	vld.idx.msk [tilespmem:v6+s22+$0x0], $0xffff;
	[tilespmem:s3+$0x14010] =	vst v10  }
0x197: {  	v7 =	vld.idx.msk [tilespmem:v7+s23+$0x0], $0xffff;
	[tilespmem:s3+$0x14020] =	vst v9  }
0x198: {  	v1 =	vld.idx.msk [tilespmem:v1+s23+$0x0], $0xffff;
	[tilespmem:s3+$0x14030] =	vst v11  }
0x199: {  	v60 =	vld.idx.msk [tilespmem:v2+s23+$0x0], $0xffff;
	[tilespmem:s21+$0x15000] =	vst v0  }
0x19a: {  	v61 =	vld.idx.msk [tilespmem:v5+s23+$0x0], $0xffff;
	[tilespmem:s3+$0x14040] =	vst v58  }
0x19b: {  	v3 =	vld.idx.msk [tilespmem:v3+s23+$0x0], $0xffff;
	[tilespmem:s3+$0x14050] =	vst v59  }
0x19c: {  	[tilespmem:s19+$0x15000] =	vst v7;
	v62 =	vld.idx.msk [tilespmem:v4+s23+$0x0], $0xffff  }
0x19d: {  	v63 =	vld.idx.msk [tilespmem:v6+s23+$0x0], $0xffff;
	[tilespmem:s3+$0x18000] =	vst v1  }
0x19e: {  	[tilespmem:s3+$0x18010] =	vst v60  }
0x19f: {  	[tilespmem:s3+$0x18020] =	vst v61  }
0x1a0: {  	s0 =	sshll.u32 s0, $0xF;
	[tilespmem:s3+$0x18030] =	vst v3  }
0x1a1: {  	s28 =	sadd.s32 $0x1, s28;
	s0 =	sor.u32 s12, s0;
	[tilespmem:s3+$0x18040] =	vst v62  }
0x1a2: {  	p0 =	sne.s32 s28, $0x18;
	s1 =	sadd.s32 s2, s0;
	s19 =	simm.s32 $0x10000;
	[tilespmem:s3+$0x18050] =	vst v63  }
0x1a3: {  	[hbm4b:s1+s6] =	stream.linear.scatter [tilespmem:s19], [sflag:$0x8], $0x1000, $0x38;
	[tilespmem:$0x19000] =	vst v63  }
.Ltmp4:
0x1a4: {  	_ = 	snop;
	(pc) =	sbr.rel @p0 .LBB2_2-.Ltmp4, $4  }
0x1a5: {  	s29 =	simm.s32 $0x14000;
	s21 =	sadd.s32 s4, s0  }
0x1a6: {  	[hbm4b:s21+s6] =	stream.linear.scatter [tilespmem:s29], [sflag:$0x8], $0x1000, $0x38;
	[tilespmem:$0x19000] =	vst v63  }
0x1a7: {  	s30 =	simm.s32 $0x18000;
	s0 =	sadd.s32 s5, s0  }
0x1a8: {  	[hbm4b:s0+s6] =	stream.linear.scatter [tilespmem:s30], [sflag:$0x8], $0x1000, $0x38;
	[tilespmem:$0x19000] =	vst v63  }
0x1a9: {  	s3 =	simm.s32 $0x5  }
0x1aa: {  	_ =	swait.ge [sflag:s3], $0x1000  }
0x1ab: {  	[sflag:s3] =	ssyncset.done $0x0  }
0x1ac: {  	[sflag:s3] =	ssyncadd.s32 $0xFFFFF000  }
0x1ad: {  	_ =	swait.ge [sflag:s3], $0x1000  }
0x1ae: {  	[sflag:s3] =	ssyncset.done $0x0  }
0x1af: {  	[sflag:s3] =	ssyncadd.s32 $0xFFFFF000  }
0x1b0: {  	_ =	swait.ge [sflag:s3], $0x1000  }
0x1b1: {  	[sflag:s3] =	ssyncset.done $0x0  }
0x1b2: {  	[sflag:s3] =	ssyncadd.s32 $0xFFFFF000  }
0x1b3: {  	_ =	swait.ge [sflag:s8], $0x1000  }
0x1b4: {  	[sflag:s8] =	ssyncset.done $0x0  }
0x1b5: {  	[sflag:s8] =	ssyncadd.s32 $0xFFFFF000  }
0x1b6: {  	_ =	swait.ge [sflag:s8], $0x1000  }
0x1b7: {  	[sflag:s8] =	ssyncset.done $0x0  }
0x1b8: {  	[sflag:s8] =	ssyncadd.s32 $0xFFFFF000  }
0x1b9: {  	_ =	swait.ge [sflag:s8], $0x1000  }
0x1ba: {  	[sflag:s8] =	ssyncset.done $0x0  }
0x1bb: {  	[sflag:s8] =	ssyncadd.s32 $0xFFFFF000  }
0x1bc: {  	_ =	swait.ge [sflag:s24], $0x1000  }
0x1bd: {  	[sflag:s24] =	ssyncset.done $0x0  }
0x1be: {  	[sflag:s24] =	ssyncadd.s32 $0xFFFFF000  }
0x1bf: {  	_ =	swait.ge [sflag:s24], $0x1000  }
0x1c0: {  	[sflag:s24] =	ssyncset.done $0x0  }
0x1c1: {  	[sflag:s24] =	ssyncadd.s32 $0xFFFFF000  }
0x1c2: {  	_ =	swait.ge [sflag:s24], $0x1000  }
0x1c3: {  	[sflag:s24] =	ssyncset.done $0x0  }
0x1c4: {  	[sflag:s24] =	ssyncadd.s32 $0xFFFFF000  }
0x1c5: {  	_ =	swait.ge [sflag:s26], $0x1000  }
0x1c6: {  	[sflag:s26] =	ssyncset.done $0x0  }
0x1c7: {  	[sflag:s26] =	ssyncadd.s32 $0xFFFFF000  }
0x1c8: {  	_ =	swait.ge [sflag:s26], $0x1000  }
0x1c9: {  	[sflag:s26] =	ssyncset.done $0x0  }
0x1ca: {  	[sflag:s26] =	ssyncadd.s32 $0xFFFFF000  }
0x1cb: {  	_ =	swait.ge [sflag:s26], $0x1000  }
0x1cc: {  	s1 =	rddreg [dreg:$0xe]  }
0x1cd: {  	s0 =	rddreg [dreg:$0xd];
	s1 =	sadd.s32 $0x1, s1  }
0x1ce: {  	p0 =	sne.s32 s1, s0  }
.Ltmp5:
0x1cf: {  	_ = 	snop;
	(pc) =	sbr.rel @p0 .LBB2_1-.Ltmp5, $3  }
0x1d0: {  	_ =	sdelay $0x1  }
0x1d1: {  	[sflag:s26] =	ssyncset.done $0x0  }
0x1d2: {  	[sflag:s26] =	ssyncadd.s32 $0xFFFFF000  }
0x1d3: {  	_ =	sfence.sel $0x180000  }
0x1d4: {  	[bflag:$0x0] =	sbarrier.arrive $0xFFFF  }
0x1d5: {  	_ =	strace $0x90000047  }
0x1d6: {  	s0 =	stileid.u32;
	[bflag:$0x2] =	sbarrier.arrive $0xFFFF  }
0x1d7: {  	p0 =	sne.s32 s0, $0x0;
	s0 =	rddreg [dreg:$0x5]  }
0x1d8: {  	s0 =	sadd.s32 @!p0 $0x100000, s0  }
0x1d9: {  	[sflag:s0] =	ssyncadd.tile.s32 @!p0 $0x1;
	_ =	shalt  }
.Lfunc_end2:
_tile_overlayer_lowered:
.L_overlay_start_2:
0x1da: {  	(tag) =	ssettag $0x2  }
0x1db: {  	s0 =	rddreg [dreg:$0x0];
	s2 =	stileid.u32  }
0x1dc: {  	s1 =	rddreg [dreg:$0x1];
	p0 =	sne.s32 s2, $0x0  }
0x1dd: {  	s3 =	rddreg [dreg:$0x2];
	[bflag:$0x3] =	sbarrier.arrive $0xFFFF;
	s2 =	simm.s32 @!p0 $0x1C09  }
0x1de: {  	[timem:s3], [sflag:s2] =	dma.local @!p0 [hbm:s0], s1  }
0x1df: {  	s0 =	simm.s32 @!p0 $0x9  }
0x1e0: {  	_ =	swait.ge @!p0 [sflag:s0], s1  }
0x1e1: {  	s1 =	ssub.s32 @!p0 $0x0, s1;
	[sflag:s0] =	ssyncset.done @!p0 $0x0  }
0x1e2: {  	[sflag:s0] =	ssyncadd.s32 @!p0 s1  }
0x1e3: {  	[bflag:$0x3] =	sbarrier.arrive $0xFFFF  }
0x1e4: {  	_ =	shalt  }

</sc_bundles>
